<compile_context>
chip_gen: v7x
topology: tpu7x:2x2x1
jax: 0.10.2.dev20260603
libtpu: 0.0.44.dev20260713+nightly
codegen_flags: <defaults>
</compile_context>

<pallas_src>
import functools

import jax
import jax.numpy as jnp
from jax import lax
from jax.experimental import pallas as pl
from jax.experimental.pallas import tpu as pltpu
from jax.experimental.pallas import tpu_sc as plsc

_NUM_FIELDS = 26
_VOCAB = 100000
_EMBED_DIM = 16
_NUM_DENSE = 13
_BATCH = 16384

_NC = 2
_NS = 16
_NW = _NC * _NS

_CHUNK_COLS = 1408
_CHUNKS_PER_FIELD = 71
_TOTAL_CHUNKS = _NUM_FIELDS * _CHUNKS_PER_FIELD
_SLOTS = (_TOTAL_CHUNKS + _NW - 1) // _NW
_CHUNK_ELEMS = _CHUNK_COLS * _EMBED_DIM
_CHUNK_J = _CHUNK_ELEMS // 128
_ELEMS_PER_FIELD = _VOCAB * _EMBED_DIM
_VOCAB_MAIN = _CHUNKS_PER_FIELD * _CHUNK_COLS
_SIDE_COLS = _VOCAB - _VOCAB_MAIN
_SIDE_ELEMS_PER_FIELD = _SIDE_COLS * _EMBED_DIM
_SIDE_ELEMS = _NUM_FIELDS * _SIDE_ELEMS_PER_FIELD
_RM_ELEMS = _NUM_FIELDS * _VOCAB * _EMBED_DIM


def _transpose_chunk(slab, buf):
    ibase = lax.iota(jnp.int32, 16) * _EMBED_DIM

    @plsc.parallel_loop(0, _CHUNK_COLS // 16, unroll=2)
    def _(c0):
        for i in range(16):
            vec = slab[i, pl.ds(16 * c0, 16)]
            idx = ibase + (256 * c0 + i)
            plsc.store_scatter(buf, [idx], vec)


def _reformat_body(tbl_hbm, tail_hbm, rm_hbm, slab0, slab1, buf0, buf1,
                   side_v, isem0, isem1, osem0, osem1):
    wid = lax.axis_index("s") * _NC + lax.axis_index("c")

    @pl.when(wid == _NW - 1)
    def _():
        pltpu.sync_copy(tail_hbm, side_v)

        def side(f, carry):
            pltpu.sync_copy(
                side_v.at[pl.ds(f * _SIDE_ELEMS_PER_FIELD,
                                _SIDE_ELEMS_PER_FIELD)],
                rm_hbm.at[pl.ds(f * _ELEMS_PER_FIELD
                                + _VOCAB_MAIN * _EMBED_DIM,
                                _SIDE_ELEMS_PER_FIELD)])
            return carry

        lax.fori_loop(0, _NUM_FIELDS, side, 0)

    def chunk_id(t):
        return lax.rem(wid + _NW * t, _TOTAL_CHUNKS)

    def tbl_src(c):
        f = c // _CHUNKS_PER_FIELD
        k = lax.rem(c, _CHUNKS_PER_FIELD)
        return tbl_hbm.at[pl.ds(16 * f, 16),
                          pl.ds(_CHUNK_COLS * k, _CHUNK_COLS)]

    def rm_dst(c):
        f = c // _CHUNKS_PER_FIELD
        k = lax.rem(c, _CHUNKS_PER_FIELD)
        return rm_hbm.at[pl.ds(f * _ELEMS_PER_FIELD + _CHUNK_ELEMS * k,
                               _CHUNK_ELEMS)]

    def wait_in(slab, sem):
        pltpu.make_async_copy(
            tbl_hbm.at[pl.ds(0, 16), pl.ds(0, _CHUNK_COLS)], slab, sem).wait()

    def wait_out(buf, sem):
        pltpu.make_async_copy(
            buf, rm_hbm.at[pl.ds(0, _CHUNK_ELEMS)], sem).wait()

    pltpu.async_copy(tbl_src(chunk_id(0)), slab0, isem0)
    pltpu.async_copy(buf0, rm_dst(chunk_id(0)), osem0)
    pltpu.async_copy(buf1, rm_dst(chunk_id(1)), osem1)

    def pair(g, carry):
        t0 = 2 * g
        pltpu.async_copy(tbl_src(chunk_id(t0 + 1)), slab1, isem1)
        wait_in(slab0, isem0)
        wait_out(buf0, osem0)
        _transpose_chunk(slab0, buf0)
        pltpu.async_copy(buf0, rm_dst(chunk_id(t0)), osem0)

        @pl.when(t0 + 2 < _SLOTS)
        def _():
            pltpu.async_copy(tbl_src(chunk_id(t0 + 2)), slab0, isem0)

        wait_in(slab1, isem1)
        wait_out(buf1, osem1)
        _transpose_chunk(slab1, buf1)
        pltpu.async_copy(buf1, rm_dst(chunk_id(t0 + 1)), osem1)
        return carry

    lax.fori_loop(0, _SLOTS // 2, pair, 0)
    wait_out(buf0, osem0)
    wait_out(buf1, osem1)


@functools.cache
def _reformat_call():
    return pl.kernel(
        _reformat_body,
        mesh=plsc.VectorSubcoreMesh(core_axis_name="c", subcore_axis_name="s"),
        out_type=jax.ShapeDtypeStruct((_RM_ELEMS,), jnp.float32),
        scratch_types=[
            pltpu.VMEM((16, _CHUNK_COLS), jnp.float32),
            pltpu.VMEM((16, _CHUNK_COLS), jnp.float32),
            pltpu.VMEM((_CHUNK_ELEMS,), jnp.float32),
            pltpu.VMEM((_CHUNK_ELEMS,), jnp.float32),
            pltpu.VMEM((_SIDE_ELEMS,), jnp.float32),
            pltpu.SemaphoreType.DMA,
            pltpu.SemaphoreType.DMA,
            pltpu.SemaphoreType.DMA,
            pltpu.SemaphoreType.DMA,
        ],
        compiler_params=pltpu.CompilerParams(needs_layout_passes=False),
    )


_TOTAL_ROWS = _BATCH * _NUM_FIELDS
_ROWS_PER_W = _TOTAL_ROWS // _NW
_IDX_CHUNK = 128
_CHUNKS_PER_W = _ROWS_PER_W // _IDX_CHUNK
_FIRE = 8
_GROUPS = _CHUNKS_PER_W // _FIRE
_GROUP_ROWS = _FIRE * _IDX_CHUNK


def _gather_body(idx_hbm, table_hbm, out_hbm, idx_v, rows0, rows1,
                 sem, osem0, osem1):
    wid = lax.axis_index("s") * _NC + lax.axis_index("c")
    pltpu.sync_copy(idx_hbm.at[wid], idx_v)

    def out_at(g):
        return out_hbm.at[pl.ds(wid * _ROWS_PER_W + g * _GROUP_ROWS,
                                _GROUP_ROWS)]

    def wait_out(rows, osem):
        pltpu.make_async_copy(
            rows, out_hbm.at[pl.ds(0, _GROUP_ROWS)], osem).wait()

    def fire_and_drain(g, rows):
        copies = []
        for j in range(_FIRE):
            copies.append(
                pltpu.async_copy(
                    table_hbm.at[idx_v.at[g * _FIRE + j]],
                    rows.at[pl.ds(j * _IDX_CHUNK, _IDX_CHUNK)],
                    sem,
                )
            )
        for c in copies:
            c.wait()

    pltpu.async_copy(rows0, out_at(0), osem0)
    pltpu.async_copy(rows1, out_at(1), osem1)

    def pair(p, carry):
        g0 = 2 * p
        wait_out(rows0, osem0)
        fire_and_drain(g0, rows0)
        pltpu.async_copy(rows0, out_at(g0), osem0)
        wait_out(rows1, osem1)
        fire_and_drain(g0 + 1, rows1)
        pltpu.async_copy(rows1, out_at(g0 + 1), osem1)
        return carry

    lax.fori_loop(0, _GROUPS // 2, pair, 0)
    g_last = _GROUPS - 1
    wait_out(rows0, osem0)
    fire_and_drain(g_last, rows0)
    pltpu.async_copy(rows0, out_at(g_last), osem0)
    wait_out(rows0, osem0)
    wait_out(rows1, osem1)


@functools.cache
def _gather_call():
    return pl.kernel(
        _gather_body,
        mesh=plsc.VectorSubcoreMesh(core_axis_name="c", subcore_axis_name="s"),
        out_type=jax.ShapeDtypeStruct((_TOTAL_ROWS, _EMBED_DIM), jnp.float32),
        scratch_types=[
            pltpu.VMEM((_CHUNKS_PER_W, _IDX_CHUNK), jnp.int32),
            pltpu.VMEM((_GROUP_ROWS, _EMBED_DIM), jnp.float32),
            pltpu.VMEM((_GROUP_ROWS, _EMBED_DIM), jnp.float32),
            pltpu.SemaphoreType.DMA,
            pltpu.SemaphoreType.DMA,
            pltpu.SemaphoreType.DMA,
        ],
        compiler_params=pltpu.CompilerParams(use_tc_tiling_on_sc=False),
    )


def _mlp_body(dense_ref, emb_ref, w1a_ref, w1b_ref, b1_ref, w2_ref, b2_ref,
              w3_ref, b3_ref, wf_ref, bfw_ref, ww_ref, out_ref):
    f32 = jnp.float32
    hp = jax.lax.Precision.DEFAULT
    dense = dense_ref[...]
    h = jnp.dot(dense, w1a_ref[...], precision=hp, preferred_element_type=f32)
    h = h + jnp.dot(emb_ref[...], w1b_ref[...], precision=hp,
                    preferred_element_type=f32)
    h = jnp.maximum(h + b1_ref[...], 0.0)
    h = jnp.maximum(
        jnp.dot(h, w2_ref[...], precision=hp, preferred_element_type=f32)
        + b2_ref[...], 0.0)
    h = jnp.maximum(
        jnp.dot(h, w3_ref[...], precision=hp, preferred_element_type=f32)
        + b3_ref[...], 0.0)
    deep = jnp.sum(h * wf_ref[...], axis=1, keepdims=True)
    wide = jnp.sum(dense * ww_ref[...], axis=1, keepdims=True)
    z = 0.5 * (deep + wide + bfw_ref[...])
    out_ref[...] = jax.nn.sigmoid(z)


def _mlp_call(dense, emb_flat, w1a, w1b, b1, w2, b2, w3, b3, wfT, bfw, wwT):
    nblk = 8
    blk = _BATCH // nblk
    in_dim = _NUM_FIELDS * _EMBED_DIM
    full = lambda shape: pl.BlockSpec(shape, lambda i: (0, 0))
    return pl.pallas_call(
        _mlp_body,
        grid=(nblk,),
        in_specs=[
            pl.BlockSpec((blk, _NUM_DENSE), lambda i: (i, 0)),
            pl.BlockSpec((blk, in_dim), lambda i: (i, 0)),
            full((_NUM_DENSE, 256)),
            full((in_dim, 256)),
            full((1, 256)),
            full((256, 128)),
            full((1, 128)),
            full((128, 64)),
            full((1, 64)),
            full((1, 64)),
            full((1, 1)),
            full((1, _NUM_DENSE)),
        ],
        out_specs=pl.BlockSpec((blk, 1), lambda i: (i, 0)),
        out_shape=jax.ShapeDtypeStruct((_BATCH, 1), jnp.float32),
    )(dense, emb_flat, w1a, w1b, b1, w2, b2, w3, b3, wfT, bfw, wwT)


def kernel(dense_inputs, sparse_inputs, embed_tables,
           W1, b1, W2, b2, W3, b3, Wf, bf, Ww, bw):
    tblT = embed_tables.transpose(0, 2, 1).reshape(
        _NUM_FIELDS * _EMBED_DIM, _VOCAB)
    tail = embed_tables[:, _VOCAB_MAIN:, :].reshape(_SIDE_ELEMS)
    rm = _reformat_call()(tblT, tail)
    table = rm.reshape(_NUM_FIELDS * _VOCAB, _EMBED_DIM)

    offs = (jnp.arange(_NUM_FIELDS, dtype=jnp.int32) * _VOCAB)[None, :]
    idx = (sparse_inputs.astype(jnp.int32) + offs).reshape(
        _NW, _CHUNKS_PER_W, _IDX_CHUNK)

    emb_rows = _gather_call()(idx, table)
    emb_flat = emb_rows.reshape(_BATCH, _NUM_FIELDS * _EMBED_DIM)

    w1a = W1[:_NUM_DENSE]
    w1b = W1[_NUM_DENSE:]
    bfw = (bf + bw).reshape(1, 1)
    out = _mlp_call(dense_inputs, emb_flat,
                    w1a, w1b, b1.reshape(1, -1),
                    W2, b2.reshape(1, -1),
                    W3, b3.reshape(1, -1),
                    Wf.reshape(1, -1), bfw, Ww.reshape(1, -1))
    return out

# --- scband reference (transcript-rebuilt; emitter-appended) ---
"""Pipeline reference for scband-wide-deep-84456236909175 (READ-ONLY COPY).

The authoritative reference and input builder live on the scoring server;
editing this copy changes nothing except your own understanding.
"""

import jax, jax.numpy as jnp
import numpy as np

NUM_FIELDS = 26
VOCAB = 100000
EMBED_DIM = 16
NUM_DENSE = 13
BATCH = 16384
HIDDEN = [256, 128, 64]

def setup_inputs(seed: int = 0) -> dict:
    key = jax.random.key(seed)
    ks = jax.random.split(key, 16)
    dense_inputs = jax.random.normal(ks[0], (BATCH, NUM_DENSE), dtype=jnp.float32)
    sparse_inputs = jax.random.randint(ks[1], (BATCH, NUM_FIELDS), 0, VOCAB, dtype=jnp.int64)
    # Embedding tables (random_uniform init like keras)
    embed_tables = jax.random.uniform(ks[2], (NUM_FIELDS, VOCAB, EMBED_DIM), dtype=jnp.float32, minval=-0.05, maxval=0.05)
    in_dim = NUM_DENSE + NUM_FIELDS * EMBED_DIM  # 13 + 416 = 429
    W1 = jax.random.normal(ks[3], (in_dim, HIDDEN[0]), dtype=jnp.float32) * (1.0 / np.sqrt(in_dim))
    b1 = jnp.zeros((HIDDEN[0],), dtype=jnp.float32)
    W2 = jax.random.normal(ks[4], (HIDDEN[0], HIDDEN[1]), dtype=jnp.float32) * (1.0 / np.sqrt(HIDDEN[0]))
    b2 = jnp.zeros((HIDDEN[1],), dtype=jnp.float32)
    W3 = jax.random.normal(ks[5], (HIDDEN[1], HIDDEN[2]), dtype=jnp.float32) * (1.0 / np.sqrt(HIDDEN[1]))
    b3 = jnp.zeros((HIDDEN[2],), dtype=jnp.float32)
    Wf = jax.random.normal(ks[6], (HIDDEN[2], 1), dtype=jnp.float32) * (1.0 / np.sqrt(HIDDEN[2]))
    bf = jnp.zeros((1,), dtype=jnp.float32)
    Ww = jax.random.normal(ks[7], (NUM_DENSE, 1), dtype=jnp.float32) * (1.0 / np.sqrt(NUM_DENSE))
    bw = jnp.zeros((1,), dtype=jnp.float32)
    return {"dense_inputs": dense_inputs, "sparse_inputs": sparse_inputs, "embed_tables": embed_tables,
            "W1": W1, "b1": b1, "W2": W2, "b2": b2, "W3": W3, "b3": b3, "Wf": Wf, "bf": bf, "Ww": Ww, "bw": bw}

def reference(dense_inputs, sparse_inputs, embed_tables, W1, b1, W2, b2, W3, b3, Wf, bf, Ww, bw):
    # Per-field embedding lookup: embed_tables[field, sparse[:, field]] for each field
    field_idx = jnp.arange(NUM_FIELDS)  # [26]
    emb = embed_tables[field_idx[None, :], sparse_inputs]  # [B, 26, 16]
    emb_flat = emb.reshape(emb.shape[0], NUM_FIELDS * EMBED_DIM)
    stack = jnp.concatenate([dense_inputs, emb_flat], axis=-1)  # [B, 429]
    # Wide part
    wide_out = dense_inputs @ Ww + bw  # [B, 1]
    # Deep part (DNN with relu; dropout=0 -> identity at inference)
    x = jax.nn.relu(stack @ W1 + b1)
    x = jax.nn.relu(x @ W2 + b2)
    x = jax.nn.relu(x @ W3 + b3)
    deep_out = x @ Wf + bf  # [B, 1]
    outputs = jax.nn.sigmoid(0.5 * (wide_out + deep_out))
    return outputs

if __name__ == "__main__":
    import jax
    _d = setup_inputs()
    print(jax.jit(kernel)(*tuple(_d.values())))

</pallas_src>

<mosaic_0001>
#map = affine_map<(d0, d1) -> (0, 0)>
#map1 = affine_map<(d0, d1) -> (0)>
module attributes {stable_mosaic.version = 14 : i64} {
  func.func @_reformat_body(%arg0: i32, %arg1: i32, %arg2: memref<416x100000xf32, #tpu.memory_space<hbm>>, %arg3: memref<13312xf32, #tpu.memory_space<hbm>>, %arg4: memref<41600000xf32, #tpu.memory_space<hbm>>, %arg5: memref<16x1408xf32, #tpu.memory_space<vmem>>, %arg6: memref<16x1408xf32, #tpu.memory_space<vmem>>, %arg7: memref<22528xf32, #tpu.memory_space<vmem>>, %arg8: memref<22528xf32, #tpu.memory_space<vmem>>, %arg9: memref<13312xf32, #tpu.memory_space<vmem>>, %arg10: memref<!tpu.dma_semaphore, #tpu.memory_space<semaphore_mem>>, %arg11: memref<!tpu.dma_semaphore, #tpu.memory_space<semaphore_mem>>, %arg12: memref<!tpu.dma_semaphore, #tpu.memory_space<semaphore_mem>>, %arg13: memref<!tpu.dma_semaphore, #tpu.memory_space<semaphore_mem>>) attributes {dimension_semantics = [#tpu.dimension_semantics<core_parallel>, #tpu.dimension_semantics<subcore_parallel>], iteration_bounds = array<i64: 2, 16>, scalar_prefetch = 0 : i64, scratch_operands = 9 : i64, tpu.core_type = #tpu.core_type<sc_vector_subcore>, window_params = [{transform_indices = #map}, {transform_indices = #map1}, {transform_indices = #map1}]} {
    %mul3A = arith.constant 2 : i32
    %mul3A_0 = arith.muli %arg1, %mul3A : i32
    %add3A = arith.addi %mul3A_0, %arg0 : i32
    %eq3A = arith.constant 31 : i32
    %eq3A_1 = arith.cmpi eq, %add3A, %eq3A : i32
    %convert_element_type3A = arith.extui %eq3A_1 : i1 to i32
    %cond3A = arith.constant 0 : i32
    %cond3A_2 = arith.cmpi ne, %convert_element_type3A, %cond3A : i32
    scf.if %cond3A_2 {
      "tpu.region"() ({
        %run_scoped3A = tpu.sem_alloc : memref<!tpu.dma_semaphore, #tpu.memory_space<semaphore_mem>>
        tpu.enqueue_dma source(%arg3 : memref<13312xf32, #tpu.memory_space<hbm>>) target(%arg9 : memref<13312xf32, #tpu.memory_space<vmem>>) target_semaphore(%run_scoped3A : memref<!tpu.dma_semaphore, #tpu.memory_space<semaphore_mem>>)
        tpu.wait_dma2 semaphore(%run_scoped3A : memref<!tpu.dma_semaphore, #tpu.memory_space<semaphore_mem>>) src(%arg3 : memref<13312xf32, #tpu.memory_space<hbm>>) dst(%arg9 : memref<13312xf32, #tpu.memory_space<vmem>>)
        tpu.yield
      }) : () -> ()
      %scan3A_116 = arith.constant 0 : i32
      %scan3A_117 = arith.constant 0 : i32
      %scan3A_118 = arith.constant 26 : i32
      %scan3A_119 = arith.addi %scan3A_117, %scan3A_118 : i32
      %scan3A_120 = arith.constant 1 : i32
      scf.for %scan3A_122 = %scan3A_117 to %scan3A_119 step %scan3A_120  : i32 {
        %mul3A_123 = arith.constant 512 : i32
        %mul3A_124 = arith.muli %scan3A_122, %mul3A_123 : i32
        %mul3A_125 = arith.constant 1600000 : i32
        %mul3A_126 = arith.muli %scan3A_122, %mul3A_125 : i32
        %add3A_127 = arith.constant 1599488 : i32
        %add3A_128 = arith.addi %mul3A_126, %add3A_127 : i32
        "tpu.region"() ({
          %run_scoped3A = tpu.sem_alloc : memref<!tpu.dma_semaphore, #tpu.memory_space<semaphore_mem>>
          %dma_start3A_129 = tpu.memref_slice %arg9[%mul3A_124] : memref<13312xf32, #tpu.memory_space<vmem>> -> memref<512xf32, #tpu.memory_space<vmem>>
          %dma_start3A_130 = tpu.memref_slice %arg4[%add3A_128] : memref<41600000xf32, #tpu.memory_space<hbm>> -> memref<512xf32, #tpu.memory_space<hbm>>
          %dma_start3A_131 = tpu.memref_slice %arg4[%add3A_128] : memref<41600000xf32, #tpu.memory_space<hbm>> -> memref<512xf32, #tpu.memory_space<hbm>>
          %dma_start3A_132 = tpu.memref_slice %arg9[%mul3A_124] : memref<13312xf32, #tpu.memory_space<vmem>> -> memref<512xf32, #tpu.memory_space<vmem>>
          tpu.enqueue_dma source(%dma_start3A_132 : memref<512xf32, #tpu.memory_space<vmem>>) target(%dma_start3A_131 : memref<512xf32, #tpu.memory_space<hbm>>) target_semaphore(%run_scoped3A : memref<!tpu.dma_semaphore, #tpu.memory_space<semaphore_mem>>)
          %dma_wait3A_133 = tpu.memref_slice %arg9[%mul3A_124] : memref<13312xf32, #tpu.memory_space<vmem>> -> memref<512xf32, #tpu.memory_space<vmem>>
          %dma_wait3A_134 = tpu.memref_slice %arg4[%add3A_128] : memref<41600000xf32, #tpu.memory_space<hbm>> -> memref<512xf32, #tpu.memory_space<hbm>>
          %dma_wait3A_135 = tpu.memref_slice %arg4[%add3A_128] : memref<41600000xf32, #tpu.memory_space<hbm>> -> memref<512xf32, #tpu.memory_space<hbm>>
          %dma_wait3A_136 = tpu.memref_slice %arg9[%mul3A_124] : memref<13312xf32, #tpu.memory_space<vmem>> -> memref<512xf32, #tpu.memory_space<vmem>>
          tpu.wait_dma2 semaphore(%run_scoped3A : memref<!tpu.dma_semaphore, #tpu.memory_space<semaphore_mem>>) src(%dma_wait3A_136 : memref<512xf32, #tpu.memory_space<vmem>>) dst(%dma_wait3A_135 : memref<512xf32, #tpu.memory_space<hbm>>)
          tpu.yield
        }) : () -> ()
      }
      %scan3A_121 = arith.constant 26 : i32
    } else {
    }
    %add3A_3 = arith.constant 0 : i32
    %add3A_4 = arith.addi %add3A, %add3A_3 : i32
    %rem3A = arith.constant 1846 : i32
    %rem3A_5 = arith.remsi %add3A_4, %rem3A : i32
    %jit3A = arith.constant 71 : i32
    %div3A = arith.divsi %rem3A_5, %jit3A : i32
    %sign3A = arith.constant 0 : i32
    %sign3A_6 = arith.cmpi sgt, %rem3A_5, %sign3A : i32
    %sign3A_7 = arith.extui %sign3A_6 : i1 to i32
    %sign3A_8 = arith.constant 0 : i32
    %sign3A_9 = arith.cmpi slt, %rem3A_5, %sign3A_8 : i32
    %sign3A_10 = arith.extui %sign3A_9 : i1 to i32
    %sign3A_11 = arith.subi %sign3A_7, %sign3A_10 : i32
    %sign3A_12 = arith.constant 0 : i32
    %sign3A_13 = arith.cmpi sgt, %jit3A, %sign3A_12 : i32
    %sign3A_14 = arith.extui %sign3A_13 : i1 to i32
    %sign3A_15 = arith.constant 0 : i32
    %sign3A_16 = arith.cmpi slt, %jit3A, %sign3A_15 : i32
    %sign3A_17 = arith.extui %sign3A_16 : i1 to i32
    %sign3A_18 = arith.subi %sign3A_14, %sign3A_17 : i32
    %ne3A = arith.cmpi ne, %sign3A_11, %sign3A_18 : i32
    %rem3A_19 = arith.remsi %rem3A_5, %jit3A : i32
    %ne3A_20 = arith.constant 0 : i32
    %ne3A_21 = arith.cmpi ne, %rem3A_19, %ne3A_20 : i32
    %and3A = arith.andi %ne3A, %ne3A_21 : i1
    %sub3A = arith.constant 1 : i32
    %sub3A_22 = arith.subi %div3A, %sub3A : i32
    %select_n3A = arith.select %and3A, %sub3A_22, %div3A : i32
    %rem3A_23 = arith.constant 71 : i32
    %rem3A_24 = arith.remsi %rem3A_5, %rem3A_23 : i32
    %mul3A_25 = arith.constant 16 : i32
    %mul3A_26 = arith.muli %mul3A_25, %select_n3A : i32
    %mul3A_27 = arith.constant 1408 : i32
    %mul3A_28 = arith.muli %mul3A_27, %rem3A_24 : i32
    %dma_start3A = tpu.memref_slice %arg2[%mul3A_26, %mul3A_28] : memref<416x100000xf32, #tpu.memory_space<hbm>> -> memref<16x1408xf32, #tpu.memory_space<hbm>>
    %dma_start3A_29 = tpu.memref_slice %arg2[%mul3A_26, %mul3A_28] : memref<416x100000xf32, #tpu.memory_space<hbm>> -> memref<16x1408xf32, #tpu.memory_space<hbm>>
    tpu.enqueue_dma source(%dma_start3A_29 : memref<16x1408xf32, #tpu.memory_space<hbm>>) target(%arg5 : memref<16x1408xf32, #tpu.memory_space<vmem>>) target_semaphore(%arg10 : memref<!tpu.dma_semaphore, #tpu.memory_space<semaphore_mem>>)
    %add3A_30 = arith.constant 0 : i32
    %add3A_31 = arith.addi %add3A, %add3A_30 : i32
    %rem3A_32 = arith.constant 1846 : i32
    %rem3A_33 = arith.remsi %add3A_31, %rem3A_32 : i32
    %jit3A_34 = arith.constant 71 : i32
    %div3A_35 = arith.divsi %rem3A_33, %jit3A_34 : i32
    %sign3A_36 = arith.constant 0 : i32
    %sign3A_37 = arith.cmpi sgt, %rem3A_33, %sign3A_36 : i32
    %sign3A_38 = arith.extui %sign3A_37 : i1 to i32
    %sign3A_39 = arith.constant 0 : i32
    %sign3A_40 = arith.cmpi slt, %rem3A_33, %sign3A_39 : i32
    %sign3A_41 = arith.extui %sign3A_40 : i1 to i32
    %sign3A_42 = arith.subi %sign3A_38, %sign3A_41 : i32
    %sign3A_43 = arith.constant 0 : i32
    %sign3A_44 = arith.cmpi sgt, %jit3A_34, %sign3A_43 : i32
    %sign3A_45 = arith.extui %sign3A_44 : i1 to i32
    %sign3A_46 = arith.constant 0 : i32
    %sign3A_47 = arith.cmpi slt, %jit3A_34, %sign3A_46 : i32
    %sign3A_48 = arith.extui %sign3A_47 : i1 to i32
    %sign3A_49 = arith.subi %sign3A_45, %sign3A_48 : i32
    %ne3A_50 = arith.cmpi ne, %sign3A_42, %sign3A_49 : i32
    %rem3A_51 = arith.remsi %rem3A_33, %jit3A_34 : i32
    %ne3A_52 = arith.constant 0 : i32
    %ne3A_53 = arith.cmpi ne, %rem3A_51, %ne3A_52 : i32
    %and3A_54 = arith.andi %ne3A_50, %ne3A_53 : i1
    %sub3A_55 = arith.constant 1 : i32
    %sub3A_56 = arith.subi %div3A_35, %sub3A_55 : i32
    %select_n3A_57 = arith.select %and3A_54, %sub3A_56, %div3A_35 : i32
    %rem3A_58 = arith.constant 71 : i32
    %rem3A_59 = arith.remsi %rem3A_33, %rem3A_58 : i32
    %mul3A_60 = arith.constant 1600000 : i32
    %mul3A_61 = arith.muli %select_n3A_57, %mul3A_60 : i32
    %mul3A_62 = arith.constant 22528 : i32
    %mul3A_63 = arith.muli %mul3A_62, %rem3A_59 : i32
    %add3A_64 = arith.addi %mul3A_61, %mul3A_63 : i32
    %dma_start3A_65 = tpu.memref_slice %arg4[%add3A_64] : memref<41600000xf32, #tpu.memory_space<hbm>> -> memref<22528xf32, #tpu.memory_space<hbm>>
    %dma_start3A_66 = tpu.memref_slice %arg4[%add3A_64] : memref<41600000xf32, #tpu.memory_space<hbm>> -> memref<22528xf32, #tpu.memory_space<hbm>>
    tpu.enqueue_dma source(%arg7 : memref<22528xf32, #tpu.memory_space<vmem>>) target(%dma_start3A_66 : memref<22528xf32, #tpu.memory_space<hbm>>) target_semaphore(%arg12 : memref<!tpu.dma_semaphore, #tpu.memory_space<semaphore_mem>>)
    %add3A_67 = arith.constant 32 : i32
    %add3A_68 = arith.addi %add3A, %add3A_67 : i32
    %rem3A_69 = arith.constant 1846 : i32
    %rem3A_70 = arith.remsi %add3A_68, %rem3A_69 : i32
    %jit3A_71 = arith.constant 71 : i32
    %div3A_72 = arith.divsi %rem3A_70, %jit3A_71 : i32
    %sign3A_73 = arith.constant 0 : i32
    %sign3A_74 = arith.cmpi sgt, %rem3A_70, %sign3A_73 : i32
    %sign3A_75 = arith.extui %sign3A_74 : i1 to i32
    %sign3A_76 = arith.constant 0 : i32
    %sign3A_77 = arith.cmpi slt, %rem3A_70, %sign3A_76 : i32
    %sign3A_78 = arith.extui %sign3A_77 : i1 to i32
    %sign3A_79 = arith.subi %sign3A_75, %sign3A_78 : i32
    %sign3A_80 = arith.constant 0 : i32
    %sign3A_81 = arith.cmpi sgt, %jit3A_71, %sign3A_80 : i32
    %sign3A_82 = arith.extui %sign3A_81 : i1 to i32
    %sign3A_83 = arith.constant 0 : i32
    %sign3A_84 = arith.cmpi slt, %jit3A_71, %sign3A_83 : i32
    %sign3A_85 = arith.extui %sign3A_84 : i1 to i32
    %sign3A_86 = arith.subi %sign3A_82, %sign3A_85 : i32
    %ne3A_87 = arith.cmpi ne, %sign3A_79, %sign3A_86 : i32
    %rem3A_88 = arith.remsi %rem3A_70, %jit3A_71 : i32
    %ne3A_89 = arith.constant 0 : i32
    %ne3A_90 = arith.cmpi ne, %rem3A_88, %ne3A_89 : i32
    %and3A_91 = arith.andi %ne3A_87, %ne3A_90 : i1
    %sub3A_92 = arith.constant 1 : i32
    %sub3A_93 = arith.subi %div3A_72, %sub3A_92 : i32
    %select_n3A_94 = arith.select %and3A_91, %sub3A_93, %div3A_72 : i32
    %rem3A_95 = arith.constant 71 : i32
    %rem3A_96 = arith.remsi %rem3A_70, %rem3A_95 : i32
    %mul3A_97 = arith.constant 1600000 : i32
    %mul3A_98 = arith.muli %select_n3A_94, %mul3A_97 : i32
    %mul3A_99 = arith.constant 22528 : i32
    %mul3A_100 = arith.muli %mul3A_99, %rem3A_96 : i32
    %add3A_101 = arith.addi %mul3A_98, %mul3A_100 : i32
    %dma_start3A_102 = tpu.memref_slice %arg4[%add3A_101] : memref<41600000xf32, #tpu.memory_space<hbm>> -> memref<22528xf32, #tpu.memory_space<hbm>>
    %dma_start3A_103 = tpu.memref_slice %arg4[%add3A_101] : memref<41600000xf32, #tpu.memory_space<hbm>> -> memref<22528xf32, #tpu.memory_space<hbm>>
    tpu.enqueue_dma source(%arg8 : memref<22528xf32, #tpu.memory_space<vmem>>) target(%dma_start3A_103 : memref<22528xf32, #tpu.memory_space<hbm>>) target_semaphore(%arg13 : memref<!tpu.dma_semaphore, #tpu.memory_space<semaphore_mem>>)
    %scan3A = arith.constant 0 : i32
    %scan3A_104 = arith.constant 0 : i32
    %scan3A_105 = arith.constant 29 : i32
    %scan3A_106 = arith.addi %scan3A_104, %scan3A_105 : i32
    %scan3A_107 = arith.constant 1 : i32
    scf.for %scan3A_116 = %scan3A_104 to %scan3A_106 step %scan3A_107  : i32 {
      %mul3A_117 = arith.constant 2 : i32
      %mul3A_118 = arith.muli %mul3A_117, %scan3A_116 : i32
      %add3A_119 = arith.constant 1 : i32
      %add3A_120 = arith.addi %mul3A_118, %add3A_119 : i32
      %mul3A_121 = arith.constant 32 : i32
      %mul3A_122 = arith.muli %mul3A_121, %add3A_120 : i32
      %add3A_123 = arith.addi %add3A, %mul3A_122 : i32
      %rem3A_124 = arith.constant 1846 : i32
      %rem3A_125 = arith.remsi %add3A_123, %rem3A_124 : i32
      %jit3A_126 = arith.constant 71 : i32
      %div3A_127 = arith.divsi %rem3A_125, %jit3A_126 : i32
      %sign3A_128 = arith.constant 0 : i32
      %sign3A_129 = arith.cmpi sgt, %rem3A_125, %sign3A_128 : i32
      %sign3A_130 = arith.extui %sign3A_129 : i1 to i32
      %sign3A_131 = arith.constant 0 : i32
      %sign3A_132 = arith.cmpi slt, %rem3A_125, %sign3A_131 : i32
      %sign3A_133 = arith.extui %sign3A_132 : i1 to i32
      %sign3A_134 = arith.subi %sign3A_130, %sign3A_133 : i32
      %sign3A_135 = arith.constant 0 : i32
      %sign3A_136 = arith.cmpi sgt, %jit3A_126, %sign3A_135 : i32
      %sign3A_137 = arith.extui %sign3A_136 : i1 to i32
      %sign3A_138 = arith.constant 0 : i32
      %sign3A_139 = arith.cmpi slt, %jit3A_126, %sign3A_138 : i32
      %sign3A_140 = arith.extui %sign3A_139 : i1 to i32
      %sign3A_141 = arith.subi %sign3A_137, %sign3A_140 : i32
      %ne3A_142 = arith.cmpi ne, %sign3A_134, %sign3A_141 : i32
      %rem3A_143 = arith.remsi %rem3A_125, %jit3A_126 : i32
      %ne3A_144 = arith.constant 0 : i32
      %ne3A_145 = arith.cmpi ne, %rem3A_143, %ne3A_144 : i32
      %and3A_146 = arith.andi %ne3A_142, %ne3A_145 : i1
      %sub3A_147 = arith.constant 1 : i32
      %sub3A_148 = arith.subi %div3A_127, %sub3A_147 : i32
      %select_n3A_149 = arith.select %and3A_146, %sub3A_148, %div3A_127 : i32
      %rem3A_150 = arith.constant 71 : i32
      %rem3A_151 = arith.remsi %rem3A_125, %rem3A_150 : i32
      %mul3A_152 = arith.constant 16 : i32
      %mul3A_153 = arith.muli %mul3A_152, %select_n3A_149 : i32
      %mul3A_154 = arith.constant 1408 : i32
      %mul3A_155 = arith.muli %mul3A_154, %rem3A_151 : i32
      %dma_start3A_156 = tpu.memref_slice %arg2[%mul3A_153, %mul3A_155] : memref<416x100000xf32, #tpu.memory_space<hbm>> -> memref<16x1408xf32, #tpu.memory_space<hbm>>
      %dma_start3A_157 = tpu.memref_slice %arg2[%mul3A_153, %mul3A_155] : memref<416x100000xf32, #tpu.memory_space<hbm>> -> memref<16x1408xf32, #tpu.memory_space<hbm>>
      tpu.enqueue_dma source(%dma_start3A_157 : memref<16x1408xf32, #tpu.memory_space<hbm>>) target(%arg6 : memref<16x1408xf32, #tpu.memory_space<vmem>>) target_semaphore(%arg11 : memref<!tpu.dma_semaphore, #tpu.memory_space<semaphore_mem>>)
      %dma_wait3A_158 = arith.constant 0 : i32
      %dma_wait3A_159 = arith.constant 0 : i32
      %dma_wait3A_160 = tpu.memref_slice %arg2[%dma_wait3A_158, %dma_wait3A_159] : memref<416x100000xf32, #tpu.memory_space<hbm>> -> memref<16x1408xf32, #tpu.memory_space<hbm>>
      %dma_wait3A_161 = arith.constant 0 : i32
      %dma_wait3A_162 = arith.constant 0 : i32
      %dma_wait3A_163 = tpu.memref_slice %arg2[%dma_wait3A_161, %dma_wait3A_162] : memref<416x100000xf32, #tpu.memory_space<hbm>> -> memref<16x1408xf32, #tpu.memory_space<hbm>>
      tpu.wait_dma2 semaphore(%arg10 : memref<!tpu.dma_semaphore, #tpu.memory_space<semaphore_mem>>) src(%dma_wait3A_163 : memref<16x1408xf32, #tpu.memory_space<hbm>>) dst(%arg5 : memref<16x1408xf32, #tpu.memory_space<vmem>>)
      %dma_wait3A_164 = arith.constant 0 : i32
      %dma_wait3A_165 = tpu.memref_slice %arg4[%dma_wait3A_164] : memref<41600000xf32, #tpu.memory_space<hbm>> -> memref<22528xf32, #tpu.memory_space<hbm>>
      %dma_wait3A_166 = arith.constant 0 : i32
      %dma_wait3A_167 = tpu.memref_slice %arg4[%dma_wait3A_166] : memref<41600000xf32, #tpu.memory_space<hbm>> -> memref<22528xf32, #tpu.memory_space<hbm>>
      tpu.wait_dma2 semaphore(%arg12 : memref<!tpu.dma_semaphore, #tpu.memory_space<semaphore_mem>>) src(%arg7 : memref<22528xf32, #tpu.memory_space<vmem>>) dst(%dma_wait3A_167 : memref<22528xf32, #tpu.memory_space<hbm>>)
      %iota3A = tpu.iota {dimensions = array<i32: 0>} : vector<16xi32>
      %mul3A_168 = arith.constant 16 : i32
      %mul3A_169 = vector.broadcast %mul3A_168 : i32 to vector<16xi32>
      %mul3A_170 = arith.muli %iota3A, %mul3A_169 : vector<16xi32>
      %parallel_loop3A = arith.constant 0 : i32
      %parallel_loop3A_171 = arith.constant 88 : i32
      %parallel_loop3A_172 = arith.constant 1 : i32
      scf.for %parallel_loop3A_274 = %parallel_loop3A to %parallel_loop3A_171 step %parallel_loop3A_172  : i32 {
        %parallel_loop3A_275 = arith.constant 16 : i32
        %parallel_loop3A_276 = arith.muli %parallel_loop3A_275, %parallel_loop3A_274 : i32
        %parallel_loop3A_277 = arith.constant 0 : i32
        %parallel_loop3A_278 = arith.index_cast %parallel_loop3A_277 : i32 to index
        %parallel_loop3A_279 = arith.index_cast %parallel_loop3A_276 : i32 to index
        %parallel_loop3A_280 = tpu.vector_load %arg5[%parallel_loop3A_278, %parallel_loop3A_279] {strides = array<i32>} : memref<16x1408xf32, #tpu.memory_space<vmem>>, vector<16xf32>,
        %parallel_loop3A_281 = arith.constant 256 : i32
        %parallel_loop3A_282 = arith.muli %parallel_loop3A_281, %parallel_loop3A_274 : i32
        %parallel_loop3A_283 = arith.constant 0 : i32
        %parallel_loop3A_284 = arith.addi %parallel_loop3A_282, %parallel_loop3A_283 : i32
        %parallel_loop3A_285 = vector.broadcast %parallel_loop3A_284 : i32 to vector<16xi32>
        %parallel_loop3A_286 = arith.addi %mul3A_170, %parallel_loop3A_285 : vector<16xi32>
        tpu.vector_store_idx %arg7[%parallel_loop3A_286], %parallel_loop3A_280 : memref<22528xf32, #tpu.memory_space<vmem>>[vector<16xi32>], vector<16xf32>,
        %parallel_loop3A_287 = arith.constant 16 : i32
        %parallel_loop3A_288 = arith.muli %parallel_loop3A_287, %parallel_loop3A_274 : i32
        %parallel_loop3A_289 = arith.constant 1 : i32
        %parallel_loop3A_290 = arith.index_cast %parallel_loop3A_289 : i32 to index
        %parallel_loop3A_291 = arith.index_cast %parallel_loop3A_288 : i32 to index
        %parallel_loop3A_292 = tpu.vector_load %arg5[%parallel_loop3A_290, %parallel_loop3A_291] {strides = array<i32>} : memref<16x1408xf32, #tpu.memory_space<vmem>>, vector<16xf32>,
        %parallel_loop3A_293 = arith.constant 256 : i32
        %parallel_loop3A_294 = arith.muli %parallel_loop3A_293, %parallel_loop3A_274 : i32
        %parallel_loop3A_295 = arith.constant 1 : i32
        %parallel_loop3A_296 = arith.addi %parallel_loop3A_294, %parallel_loop3A_295 : i32
        %parallel_loop3A_297 = vector.broadcast %parallel_loop3A_296 : i32 to vector<16xi32>
        %parallel_loop3A_298 = arith.addi %mul3A_170, %parallel_loop3A_297 : vector<16xi32>
        tpu.vector_store_idx %arg7[%parallel_loop3A_298], %parallel_loop3A_292 : memref<22528xf32, #tpu.memory_space<vmem>>[vector<16xi32>], vector<16xf32>,
        %parallel_loop3A_299 = arith.constant 16 : i32
        %parallel_loop3A_300 = arith.muli %parallel_loop3A_299, %parallel_loop3A_274 : i32
        %parallel_loop3A_301 = arith.constant 2 : i32
        %parallel_loop3A_302 = arith.index_cast %parallel_loop3A_301 : i32 to index
        %parallel_loop3A_303 = arith.index_cast %parallel_loop3A_300 : i32 to index
        %parallel_loop3A_304 = tpu.vector_load %arg5[%parallel_loop3A_302, %parallel_loop3A_303] {strides = array<i32>} : memref<16x1408xf32, #tpu.memory_space<vmem>>, vector<16xf32>,
        %parallel_loop3A_305 = arith.constant 256 : i32
        %parallel_loop3A_306 = arith.muli %parallel_loop3A_305, %parallel_loop3A_274 : i32
        %parallel_loop3A_307 = arith.constant 2 : i32
        %parallel_loop3A_308 = arith.addi %parallel_loop3A_306, %parallel_loop3A_307 : i32
        %parallel_loop3A_309 = vector.broadcast %parallel_loop3A_308 : i32 to vector<16xi32>
        %parallel_loop3A_310 = arith.addi %mul3A_170, %parallel_loop3A_309 : vector<16xi32>
        tpu.vector_store_idx %arg7[%parallel_loop3A_310], %parallel_loop3A_304 : memref<22528xf32, #tpu.memory_space<vmem>>[vector<16xi32>], vector<16xf32>,
        %parallel_loop3A_311 = arith.constant 16 : i32
        %parallel_loop3A_312 = arith.muli %parallel_loop3A_311, %parallel_loop3A_274 : i32
        %parallel_loop3A_313 = arith.constant 3 : i32
        %parallel_loop3A_314 = arith.index_cast %parallel_loop3A_313 : i32 to index
        %parallel_loop3A_315 = arith.index_cast %parallel_loop3A_312 : i32 to index
        %parallel_loop3A_316 = tpu.vector_load %arg5[%parallel_loop3A_314, %parallel_loop3A_315] {strides = array<i32>} : memref<16x1408xf32, #tpu.memory_space<vmem>>, vector<16xf32>,
        %parallel_loop3A_317 = arith.constant 256 : i32
        %parallel_loop3A_318 = arith.muli %parallel_loop3A_317, %parallel_loop3A_274 : i32
        %parallel_loop3A_319 = arith.constant 3 : i32
        %parallel_loop3A_320 = arith.addi %parallel_loop3A_318, %parallel_loop3A_319 : i32
        %parallel_loop3A_321 = vector.broadcast %parallel_loop3A_320 : i32 to vector<16xi32>
        %parallel_loop3A_322 = arith.addi %mul3A_170, %parallel_loop3A_321 : vector<16xi32>
        tpu.vector_store_idx %arg7[%parallel_loop3A_322], %parallel_loop3A_316 : memref<22528xf32, #tpu.memory_space<vmem>>[vector<16xi32>], vector<16xf32>,
        %parallel_loop3A_323 = arith.constant 16 : i32
        %parallel_loop3A_324 = arith.muli %parallel_loop3A_323, %parallel_loop3A_274 : i32
        %parallel_loop3A_325 = arith.constant 4 : i32
        %parallel_loop3A_326 = arith.index_cast %parallel_loop3A_325 : i32 to index
        %parallel_loop3A_327 = arith.index_cast %parallel_loop3A_324 : i32 to index
        %parallel_loop3A_328 = tpu.vector_load %arg5[%parallel_loop3A_326, %parallel_loop3A_327] {strides = array<i32>} : memref<16x1408xf32, #tpu.memory_space<vmem>>, vector<16xf32>,
        %parallel_loop3A_329 = arith.constant 256 : i32
        %parallel_loop3A_330 = arith.muli %parallel_loop3A_329, %parallel_loop3A_274 : i32
        %parallel_loop3A_331 = arith.constant 4 : i32
        %parallel_loop3A_332 = arith.addi %parallel_loop3A_330, %parallel_loop3A_331 : i32
        %parallel_loop3A_333 = vector.broadcast %parallel_loop3A_332 : i32 to vector<16xi32>
        %parallel_loop3A_334 = arith.addi %mul3A_170, %parallel_loop3A_333 : vector<16xi32>
        tpu.vector_store_idx %arg7[%parallel_loop3A_334], %parallel_loop3A_328 : memref<22528xf32, #tpu.memory_space<vmem>>[vector<16xi32>], vector<16xf32>,
        %parallel_loop3A_335 = arith.constant 16 : i32
        %parallel_loop3A_336 = arith.muli %parallel_loop3A_335, %parallel_loop3A_274 : i32
        %parallel_loop3A_337 = arith.constant 5 : i32
        %parallel_loop3A_338 = arith.index_cast %parallel_loop3A_337 : i32 to index
        %parallel_loop3A_339 = arith.index_cast %parallel_loop3A_336 : i32 to index
        %parallel_loop3A_340 = tpu.vector_load %arg5[%parallel_loop3A_338, %parallel_loop3A_339] {strides = array<i32>} : memref<16x1408xf32, #tpu.memory_space<vmem>>, vector<16xf32>,
        %parallel_loop3A_341 = arith.constant 256 : i32
        %parallel_loop3A_342 = arith.muli %parallel_loop3A_341, %parallel_loop3A_274 : i32
        %parallel_loop3A_343 = arith.constant 5 : i32
        %parallel_loop3A_344 = arith.addi %parallel_loop3A_342, %parallel_loop3A_343 : i32
        %parallel_loop3A_345 = vector.broadcast %parallel_loop3A_344 : i32 to vector<16xi32>
        %parallel_loop3A_346 = arith.addi %mul3A_170, %parallel_loop3A_345 : vector<16xi32>
        tpu.vector_store_idx %arg7[%parallel_loop3A_346], %parallel_loop3A_340 : memref<22528xf32, #tpu.memory_space<vmem>>[vector<16xi32>], vector<16xf32>,
        %parallel_loop3A_347 = arith.constant 16 : i32
        %parallel_loop3A_348 = arith.muli %parallel_loop3A_347, %parallel_loop3A_274 : i32
        %parallel_loop3A_349 = arith.constant 6 : i32
        %parallel_loop3A_350 = arith.index_cast %parallel_loop3A_349 : i32 to index
        %parallel_loop3A_351 = arith.index_cast %parallel_loop3A_348 : i32 to index
        %parallel_loop3A_352 = tpu.vector_load %arg5[%parallel_loop3A_350, %parallel_loop3A_351] {strides = array<i32>} : memref<16x1408xf32, #tpu.memory_space<vmem>>, vector<16xf32>,
        %parallel_loop3A_353 = arith.constant 256 : i32
        %parallel_loop3A_354 = arith.muli %parallel_loop3A_353, %parallel_loop3A_274 : i32
        %parallel_loop3A_355 = arith.constant 6 : i32
        %parallel_loop3A_356 = arith.addi %parallel_loop3A_354, %parallel_loop3A_355 : i32
        %parallel_loop3A_357 = vector.broadcast %parallel_loop3A_356 : i32 to vector<16xi32>
        %parallel_loop3A_358 = arith.addi %mul3A_170, %parallel_loop3A_357 : vector<16xi32>
        tpu.vector_store_idx %arg7[%parallel_loop3A_358], %parallel_loop3A_352 : memref<22528xf32, #tpu.memory_space<vmem>>[vector<16xi32>], vector<16xf32>,
        %parallel_loop3A_359 = arith.constant 16 : i32
        %parallel_loop3A_360 = arith.muli %parallel_loop3A_359, %parallel_loop3A_274 : i32
        %parallel_loop3A_361 = arith.constant 7 : i32
        %parallel_loop3A_362 = arith.index_cast %parallel_loop3A_361 : i32 to index
        %parallel_loop3A_363 = arith.index_cast %parallel_loop3A_360 : i32 to index
        %parallel_loop3A_364 = tpu.vector_load %arg5[%parallel_loop3A_362, %parallel_loop3A_363] {strides = array<i32>} : memref<16x1408xf32, #tpu.memory_space<vmem>>, vector<16xf32>,
        %parallel_loop3A_365 = arith.constant 256 : i32
        %parallel_loop3A_366 = arith.muli %parallel_loop3A_365, %parallel_loop3A_274 : i32
        %parallel_loop3A_367 = arith.constant 7 : i32
        %parallel_loop3A_368 = arith.addi %parallel_loop3A_366, %parallel_loop3A_367 : i32
        %parallel_loop3A_369 = vector.broadcast %parallel_loop3A_368 : i32 to vector<16xi32>
        %parallel_loop3A_370 = arith.addi %mul3A_170, %parallel_loop3A_369 : vector<16xi32>
        tpu.vector_store_idx %arg7[%parallel_loop3A_370], %parallel_loop3A_364 : memref<22528xf32, #tpu.memory_space<vmem>>[vector<16xi32>], vector<16xf32>,
        %parallel_loop3A_371 = arith.constant 16 : i32
        %parallel_loop3A_372 = arith.muli %parallel_loop3A_371, %parallel_loop3A_274 : i32
        %parallel_loop3A_373 = arith.constant 8 : i32
        %parallel_loop3A_374 = arith.index_cast %parallel_loop3A_373 : i32 to index
        %parallel_loop3A_375 = arith.index_cast %parallel_loop3A_372 : i32 to index
        %parallel_loop3A_376 = tpu.vector_load %arg5[%parallel_loop3A_374, %parallel_loop3A_375] {strides = array<i32>} : memref<16x1408xf32, #tpu.memory_space<vmem>>, vector<16xf32>,
        %parallel_loop3A_377 = arith.constant 256 : i32
        %parallel_loop3A_378 = arith.muli %parallel_loop3A_377, %parallel_loop3A_274 : i32
        %parallel_loop3A_379 = arith.constant 8 : i32
        %parallel_loop3A_380 = arith.addi %parallel_loop3A_378, %parallel_loop3A_379 : i32
        %parallel_loop3A_381 = vector.broadcast %parallel_loop3A_380 : i32 to vector<16xi32>
        %parallel_loop3A_382 = arith.addi %mul3A_170, %parallel_loop3A_381 : vector<16xi32>
        tpu.vector_store_idx %arg7[%parallel_loop3A_382], %parallel_loop3A_376 : memref<22528xf32, #tpu.memory_space<vmem>>[vector<16xi32>], vector<16xf32>,
        %parallel_loop3A_383 = arith.constant 16 : i32
        %parallel_loop3A_384 = arith.muli %parallel_loop3A_383, %parallel_loop3A_274 : i32
        %parallel_loop3A_385 = arith.constant 9 : i32
        %parallel_loop3A_386 = arith.index_cast %parallel_loop3A_385 : i32 to index
        %parallel_loop3A_387 = arith.index_cast %parallel_loop3A_384 : i32 to index
        %parallel_loop3A_388 = tpu.vector_load %arg5[%parallel_loop3A_386, %parallel_loop3A_387] {strides = array<i32>} : memref<16x1408xf32, #tpu.memory_space<vmem>>, vector<16xf32>,
        %parallel_loop3A_389 = arith.constant 256 : i32
        %parallel_loop3A_390 = arith.muli %parallel_loop3A_389, %parallel_loop3A_274 : i32
        %parallel_loop3A_391 = arith.constant 9 : i32
        %parallel_loop3A_392 = arith.addi %parallel_loop3A_390, %parallel_loop3A_391 : i32
        %parallel_loop3A_393 = vector.broadcast %parallel_loop3A_392 : i32 to vector<16xi32>
        %parallel_loop3A_394 = arith.addi %mul3A_170, %parallel_loop3A_393 : vector<16xi32>
        tpu.vector_store_idx %arg7[%parallel_loop3A_394], %parallel_loop3A_388 : memref<22528xf32, #tpu.memory_space<vmem>>[vector<16xi32>], vector<16xf32>,
        %parallel_loop3A_395 = arith.constant 16 : i32
        %parallel_loop3A_396 = arith.muli %parallel_loop3A_395, %parallel_loop3A_274 : i32
        %parallel_loop3A_397 = arith.constant 10 : i32
        %parallel_loop3A_398 = arith.index_cast %parallel_loop3A_397 : i32 to index
        %parallel_loop3A_399 = arith.index_cast %parallel_loop3A_396 : i32 to index
        %parallel_loop3A_400 = tpu.vector_load %arg5[%parallel_loop3A_398, %parallel_loop3A_399] {strides = array<i32>} : memref<16x1408xf32, #tpu.memory_space<vmem>>, vector<16xf32>,
        %parallel_loop3A_401 = arith.constant 256 : i32
        %parallel_loop3A_402 = arith.muli %parallel_loop3A_401, %parallel_loop3A_274 : i32
        %parallel_loop3A_403 = arith.constant 10 : i32
        %parallel_loop3A_404 = arith.addi %parallel_loop3A_402, %parallel_loop3A_403 : i32
        %parallel_loop3A_405 = vector.broadcast %parallel_loop3A_404 : i32 to vector<16xi32>
        %parallel_loop3A_406 = arith.addi %mul3A_170, %parallel_loop3A_405 : vector<16xi32>
        tpu.vector_store_idx %arg7[%parallel_loop3A_406], %parallel_loop3A_400 : memref<22528xf32, #tpu.memory_space<vmem>>[vector<16xi32>], vector<16xf32>,
        %parallel_loop3A_407 = arith.constant 16 : i32
        %parallel_loop3A_408 = arith.muli %parallel_loop3A_407, %parallel_loop3A_274 : i32
        %parallel_loop3A_409 = arith.constant 11 : i32
        %parallel_loop3A_410 = arith.index_cast %parallel_loop3A_409 : i32 to index
        %parallel_loop3A_411 = arith.index_cast %parallel_loop3A_408 : i32 to index
        %parallel_loop3A_412 = tpu.vector_load %arg5[%parallel_loop3A_410, %parallel_loop3A_411] {strides = array<i32>} : memref<16x1408xf32, #tpu.memory_space<vmem>>, vector<16xf32>,
        %parallel_loop3A_413 = arith.constant 256 : i32
        %parallel_loop3A_414 = arith.muli %parallel_loop3A_413, %parallel_loop3A_274 : i32
        %parallel_loop3A_415 = arith.constant 11 : i32
        %parallel_loop3A_416 = arith.addi %parallel_loop3A_414, %parallel_loop3A_415 : i32
        %parallel_loop3A_417 = vector.broadcast %parallel_loop3A_416 : i32 to vector<16xi32>
        %parallel_loop3A_418 = arith.addi %mul3A_170, %parallel_loop3A_417 : vector<16xi32>
        tpu.vector_store_idx %arg7[%parallel_loop3A_418], %parallel_loop3A_412 : memref<22528xf32, #tpu.memory_space<vmem>>[vector<16xi32>], vector<16xf32>,
        %parallel_loop3A_419 = arith.constant 16 : i32
        %parallel_loop3A_420 = arith.muli %parallel_loop3A_419, %parallel_loop3A_274 : i32
        %parallel_loop3A_421 = arith.constant 12 : i32
        %parallel_loop3A_422 = arith.index_cast %parallel_loop3A_421 : i32 to index
        %parallel_loop3A_423 = arith.index_cast %parallel_loop3A_420 : i32 to index
        %parallel_loop3A_424 = tpu.vector_load %arg5[%parallel_loop3A_422, %parallel_loop3A_423] {strides = array<i32>} : memref<16x1408xf32, #tpu.memory_space<vmem>>, vector<16xf32>,
        %parallel_loop3A_425 = arith.constant 256 : i32
        %parallel_loop3A_426 = arith.muli %parallel_loop3A_425, %parallel_loop3A_274 : i32
        %parallel_loop3A_427 = arith.constant 12 : i32
        %parallel_loop3A_428 = arith.addi %parallel_loop3A_426, %parallel_loop3A_427 : i32
        %parallel_loop3A_429 = vector.broadcast %parallel_loop3A_428 : i32 to vector<16xi32>
        %parallel_loop3A_430 = arith.addi %mul3A_170, %parallel_loop3A_429 : vector<16xi32>
        tpu.vector_store_idx %arg7[%parallel_loop3A_430], %parallel_loop3A_424 : memref<22528xf32, #tpu.memory_space<vmem>>[vector<16xi32>], vector<16xf32>,
        %parallel_loop3A_431 = arith.constant 16 : i32
        %parallel_loop3A_432 = arith.muli %parallel_loop3A_431, %parallel_loop3A_274 : i32
        %parallel_loop3A_433 = arith.constant 13 : i32
        %parallel_loop3A_434 = arith.index_cast %parallel_loop3A_433 : i32 to index
        %parallel_loop3A_435 = arith.index_cast %parallel_loop3A_432 : i32 to index
        %parallel_loop3A_436 = tpu.vector_load %arg5[%parallel_loop3A_434, %parallel_loop3A_435] {strides = array<i32>} : memref<16x1408xf32, #tpu.memory_space<vmem>>, vector<16xf32>,
        %parallel_loop3A_437 = arith.constant 256 : i32
        %parallel_loop3A_438 = arith.muli %parallel_loop3A_437, %parallel_loop3A_274 : i32
        %parallel_loop3A_439 = arith.constant 13 : i32
        %parallel_loop3A_440 = arith.addi %parallel_loop3A_438, %parallel_loop3A_439 : i32
        %parallel_loop3A_441 = vector.broadcast %parallel_loop3A_440 : i32 to vector<16xi32>
        %parallel_loop3A_442 = arith.addi %mul3A_170, %parallel_loop3A_441 : vector<16xi32>
        tpu.vector_store_idx %arg7[%parallel_loop3A_442], %parallel_loop3A_436 : memref<22528xf32, #tpu.memory_space<vmem>>[vector<16xi32>], vector<16xf32>,
        %parallel_loop3A_443 = arith.constant 16 : i32
        %parallel_loop3A_444 = arith.muli %parallel_loop3A_443, %parallel_loop3A_274 : i32
        %parallel_loop3A_445 = arith.constant 14 : i32
        %parallel_loop3A_446 = arith.index_cast %parallel_loop3A_445 : i32 to index
        %parallel_loop3A_447 = arith.index_cast %parallel_loop3A_444 : i32 to index
        %parallel_loop3A_448 = tpu.vector_load %arg5[%parallel_loop3A_446, %parallel_loop3A_447] {strides = array<i32>} : memref<16x1408xf32, #tpu.memory_space<vmem>>, vector<16xf32>,
        %parallel_loop3A_449 = arith.constant 256 : i32
        %parallel_loop3A_450 = arith.muli %parallel_loop3A_449, %parallel_loop3A_274 : i32
        %parallel_loop3A_451 = arith.constant 14 : i32
        %parallel_loop3A_452 = arith.addi %parallel_loop3A_450, %parallel_loop3A_451 : i32
        %parallel_loop3A_453 = vector.broadcast %parallel_loop3A_452 : i32 to vector<16xi32>
        %parallel_loop3A_454 = arith.addi %mul3A_170, %parallel_loop3A_453 : vector<16xi32>
        tpu.vector_store_idx %arg7[%parallel_loop3A_454], %parallel_loop3A_448 : memref<22528xf32, #tpu.memory_space<vmem>>[vector<16xi32>], vector<16xf32>,
        %parallel_loop3A_455 = arith.constant 16 : i32
        %parallel_loop3A_456 = arith.muli %parallel_loop3A_455, %parallel_loop3A_274 : i32
        %parallel_loop3A_457 = arith.constant 15 : i32
        %parallel_loop3A_458 = arith.index_cast %parallel_loop3A_457 : i32 to index
        %parallel_loop3A_459 = arith.index_cast %parallel_loop3A_456 : i32 to index
        %parallel_loop3A_460 = tpu.vector_load %arg5[%parallel_loop3A_458, %parallel_loop3A_459] {strides = array<i32>} : memref<16x1408xf32, #tpu.memory_space<vmem>>, vector<16xf32>,
        %parallel_loop3A_461 = arith.constant 256 : i32
        %parallel_loop3A_462 = arith.muli %parallel_loop3A_461, %parallel_loop3A_274 : i32
        %parallel_loop3A_463 = arith.constant 15 : i32
        %parallel_loop3A_464 = arith.addi %parallel_loop3A_462, %parallel_loop3A_463 : i32
        %parallel_loop3A_465 = vector.broadcast %parallel_loop3A_464 : i32 to vector<16xi32>
        %parallel_loop3A_466 = arith.addi %mul3A_170, %parallel_loop3A_465 : vector<16xi32>
        tpu.vector_store_idx %arg7[%parallel_loop3A_466], %parallel_loop3A_460 : memref<22528xf32, #tpu.memory_space<vmem>>[vector<16xi32>], vector<16xf32>,
      } {sc.loop_unroll_factor = 2 : i64, sc.parallel_access}
      %mul3A_173 = arith.constant 32 : i32
      %mul3A_174 = arith.muli %mul3A_173, %mul3A_118 : i32
      %add3A_175 = arith.addi %add3A, %mul3A_174 : i32
      %rem3A_176 = arith.constant 1846 : i32
      %rem3A_177 = arith.remsi %add3A_175, %rem3A_176 : i32
      %jit3A_178 = arith.constant 71 : i32
      %div3A_179 = arith.divsi %rem3A_177, %jit3A_178 : i32
      %sign3A_180 = arith.constant 0 : i32
      %sign3A_181 = arith.cmpi sgt, %rem3A_177, %sign3A_180 : i32
      %sign3A_182 = arith.extui %sign3A_181 : i1 to i32
      %sign3A_183 = arith.constant 0 : i32
      %sign3A_184 = arith.cmpi slt, %rem3A_177, %sign3A_183 : i32
      %sign3A_185 = arith.extui %sign3A_184 : i1 to i32
      %sign3A_186 = arith.subi %sign3A_182, %sign3A_185 : i32
      %sign3A_187 = arith.constant 0 : i32
      %sign3A_188 = arith.cmpi sgt, %jit3A_178, %sign3A_187 : i32
      %sign3A_189 = arith.extui %sign3A_188 : i1 to i32
      %sign3A_190 = arith.constant 0 : i32
      %sign3A_191 = arith.cmpi slt, %jit3A_178, %sign3A_190 : i32
      %sign3A_192 = arith.extui %sign3A_191 : i1 to i32
      %sign3A_193 = arith.subi %sign3A_189, %sign3A_192 : i32
      %ne3A_194 = arith.cmpi ne, %sign3A_186, %sign3A_193 : i32
      %rem3A_195 = arith.remsi %rem3A_177, %jit3A_178 : i32
      %ne3A_196 = arith.constant 0 : i32
      %ne3A_197 = arith.cmpi ne, %rem3A_195, %ne3A_196 : i32
      %and3A_198 = arith.andi %ne3A_194, %ne3A_197 : i1
      %sub3A_199 = arith.constant 1 : i32
      %sub3A_200 = arith.subi %div3A_179, %sub3A_199 : i32
      %select_n3A_201 = arith.select %and3A_198, %sub3A_200, %div3A_179 : i32
      %rem3A_202 = arith.constant 71 : i32
      %rem3A_203 = arith.remsi %rem3A_177, %rem3A_202 : i32
      %mul3A_204 = arith.constant 1600000 : i32
      %mul3A_205 = arith.muli %select_n3A_201, %mul3A_204 : i32
      %mul3A_206 = arith.constant 22528 : i32
      %mul3A_207 = arith.muli %mul3A_206, %rem3A_203 : i32
      %add3A_208 = arith.addi %mul3A_205, %mul3A_207 : i32
      %dma_start3A_209 = tpu.memref_slice %arg4[%add3A_208] : memref<41600000xf32, #tpu.memory_space<hbm>> -> memref<22528xf32, #tpu.memory_space<hbm>>
      %dma_start3A_210 = tpu.memref_slice %arg4[%add3A_208] : memref<41600000xf32, #tpu.memory_space<hbm>> -> memref<22528xf32, #tpu.memory_space<hbm>>
      tpu.enqueue_dma source(%arg7 : memref<22528xf32, #tpu.memory_space<vmem>>) target(%dma_start3A_210 : memref<22528xf32, #tpu.memory_space<hbm>>) target_semaphore(%arg12 : memref<!tpu.dma_semaphore, #tpu.memory_space<semaphore_mem>>)
      %add3A_211 = arith.constant 2 : i32
      %add3A_212 = arith.addi %mul3A_118, %add3A_211 : i32
      %lt3A = arith.constant 58 : i32
      %lt3A_213 = arith.cmpi slt, %add3A_212, %lt3A : i32
      %convert_element_type3A_214 = arith.extui %lt3A_213 : i1 to i32
      %cond3A_215 = arith.constant 0 : i32
      %cond3A_216 = arith.cmpi ne, %convert_element_type3A_214, %cond3A_215 : i32
      scf.if %cond3A_216 {
        %add3A_274 = arith.constant 2 : i32
        %add3A_275 = arith.addi %mul3A_118, %add3A_274 : i32
        %mul3A_276 = arith.constant 32 : i32
        %mul3A_277 = arith.muli %mul3A_276, %add3A_275 : i32
        %add3A_278 = arith.addi %add3A, %mul3A_277 : i32
        %rem3A_279 = arith.constant 1846 : i32
        %rem3A_280 = arith.remsi %add3A_278, %rem3A_279 : i32
        %jit3A_281 = arith.constant 71 : i32
        %div3A_282 = arith.divsi %rem3A_280, %jit3A_281 : i32
        %sign3A_283 = arith.constant 0 : i32
        %sign3A_284 = arith.cmpi sgt, %rem3A_280, %sign3A_283 : i32
        %sign3A_285 = arith.extui %sign3A_284 : i1 to i32
        %sign3A_286 = arith.constant 0 : i32
        %sign3A_287 = arith.cmpi slt, %rem3A_280, %sign3A_286 : i32
        %sign3A_288 = arith.extui %sign3A_287 : i1 to i32
        %sign3A_289 = arith.subi %sign3A_285, %sign3A_288 : i32
        %sign3A_290 = arith.constant 0 : i32
        %sign3A_291 = arith.cmpi sgt, %jit3A_281, %sign3A_290 : i32
        %sign3A_292 = arith.extui %sign3A_291 : i1 to i32
        %sign3A_293 = arith.constant 0 : i32
        %sign3A_294 = arith.cmpi slt, %jit3A_281, %sign3A_293 : i32
        %sign3A_295 = arith.extui %sign3A_294 : i1 to i32
        %sign3A_296 = arith.subi %sign3A_292, %sign3A_295 : i32
        %ne3A_297 = arith.cmpi ne, %sign3A_289, %sign3A_296 : i32
        %rem3A_298 = arith.remsi %rem3A_280, %jit3A_281 : i32
        %ne3A_299 = arith.constant 0 : i32
        %ne3A_300 = arith.cmpi ne, %rem3A_298, %ne3A_299 : i32
        %and3A_301 = arith.andi %ne3A_297, %ne3A_300 : i1
        %sub3A_302 = arith.constant 1 : i32
        %sub3A_303 = arith.subi %div3A_282, %sub3A_302 : i32
        %select_n3A_304 = arith.select %and3A_301, %sub3A_303, %div3A_282 : i32
        %rem3A_305 = arith.constant 71 : i32
        %rem3A_306 = arith.remsi %rem3A_280, %rem3A_305 : i32
        %mul3A_307 = arith.constant 16 : i32
        %mul3A_308 = arith.muli %mul3A_307, %select_n3A_304 : i32
        %mul3A_309 = arith.constant 1408 : i32
        %mul3A_310 = arith.muli %mul3A_309, %rem3A_306 : i32
        %dma_start3A_311 = tpu.memref_slice %arg2[%mul3A_308, %mul3A_310] : memref<416x100000xf32, #tpu.memory_space<hbm>> -> memref<16x1408xf32, #tpu.memory_space<hbm>>
        %dma_start3A_312 = tpu.memref_slice %arg2[%mul3A_308, %mul3A_310] : memref<416x100000xf32, #tpu.memory_space<hbm>> -> memref<16x1408xf32, #tpu.memory_space<hbm>>
        tpu.enqueue_dma source(%dma_start3A_312 : memref<16x1408xf32, #tpu.memory_space<hbm>>) target(%arg5 : memref<16x1408xf32, #tpu.memory_space<vmem>>) target_semaphore(%arg10 : memref<!tpu.dma_semaphore, #tpu.memory_space<semaphore_mem>>)
      } else {
      }
      %dma_wait3A_217 = arith.constant 0 : i32
      %dma_wait3A_218 = arith.constant 0 : i32
      %dma_wait3A_219 = tpu.memref_slice %arg2[%dma_wait3A_217, %dma_wait3A_218] : memref<416x100000xf32, #tpu.memory_space<hbm>> -> memref<16x1408xf32, #tpu.memory_space<hbm>>
      %dma_wait3A_220 = arith.constant 0 : i32
      %dma_wait3A_221 = arith.constant 0 : i32
      %dma_wait3A_222 = tpu.memref_slice %arg2[%dma_wait3A_220, %dma_wait3A_221] : memref<416x100000xf32, #tpu.memory_space<hbm>> -> memref<16x1408xf32, #tpu.memory_space<hbm>>
      tpu.wait_dma2 semaphore(%arg11 : memref<!tpu.dma_semaphore, #tpu.memory_space<semaphore_mem>>) src(%dma_wait3A_222 : memref<16x1408xf32, #tpu.memory_space<hbm>>) dst(%arg6 : memref<16x1408xf32, #tpu.memory_space<vmem>>)
      %dma_wait3A_223 = arith.constant 0 : i32
      %dma_wait3A_224 = tpu.memref_slice %arg4[%dma_wait3A_223] : memref<41600000xf32, #tpu.memory_space<hbm>> -> memref<22528xf32, #tpu.memory_space<hbm>>
      %dma_wait3A_225 = arith.constant 0 : i32
      %dma_wait3A_226 = tpu.memref_slice %arg4[%dma_wait3A_225] : memref<41600000xf32, #tpu.memory_space<hbm>> -> memref<22528xf32, #tpu.memory_space<hbm>>
      tpu.wait_dma2 semaphore(%arg13 : memref<!tpu.dma_semaphore, #tpu.memory_space<semaphore_mem>>) src(%arg8 : memref<22528xf32, #tpu.memory_space<vmem>>) dst(%dma_wait3A_226 : memref<22528xf32, #tpu.memory_space<hbm>>)
      %iota3A_227 = tpu.iota {dimensions = array<i32: 0>} : vector<16xi32>
      %mul3A_228 = arith.constant 16 : i32
      %mul3A_229 = vector.broadcast %mul3A_228 : i32 to vector<16xi32>
      %mul3A_230 = arith.muli %iota3A_227, %mul3A_229 : vector<16xi32>
      %parallel_loop3A_231 = arith.constant 0 : i32
      %parallel_loop3A_232 = arith.constant 88 : i32
      %parallel_loop3A_233 = arith.constant 1 : i32
      scf.for %parallel_loop3A_274 = %parallel_loop3A_231 to %parallel_loop3A_232 step %parallel_loop3A_233  : i32 {
        %parallel_loop3A_275 = arith.constant 16 : i32
        %parallel_loop3A_276 = arith.muli %parallel_loop3A_275, %parallel_loop3A_274 : i32
        %parallel_loop3A_277 = arith.constant 0 : i32
        %parallel_loop3A_278 = arith.index_cast %parallel_loop3A_277 : i32 to index
        %parallel_loop3A_279 = arith.index_cast %parallel_loop3A_276 : i32 to index
        %parallel_loop3A_280 = tpu.vector_load %arg6[%parallel_loop3A_278, %parallel_loop3A_279] {strides = array<i32>} : memref<16x1408xf32, #tpu.memory_space<vmem>>, vector<16xf32>,
        %parallel_loop3A_281 = arith.constant 256 : i32
        %parallel_loop3A_282 = arith.muli %parallel_loop3A_281, %parallel_loop3A_274 : i32
        %parallel_loop3A_283 = arith.constant 0 : i32
        %parallel_loop3A_284 = arith.addi %parallel_loop3A_282, %parallel_loop3A_283 : i32
        %parallel_loop3A_285 = vector.broadcast %parallel_loop3A_284 : i32 to vector<16xi32>
        %parallel_loop3A_286 = arith.addi %mul3A_230, %parallel_loop3A_285 : vector<16xi32>
        tpu.vector_store_idx %arg8[%parallel_loop3A_286], %parallel_loop3A_280 : memref<22528xf32, #tpu.memory_space<vmem>>[vector<16xi32>], vector<16xf32>,
        %parallel_loop3A_287 = arith.constant 16 : i32
        %parallel_loop3A_288 = arith.muli %parallel_loop3A_287, %parallel_loop3A_274 : i32
        %parallel_loop3A_289 = arith.constant 1 : i32
        %parallel_loop3A_290 = arith.index_cast %parallel_loop3A_289 : i32 to index
        %parallel_loop3A_291 = arith.index_cast %parallel_loop3A_288 : i32 to index
        %parallel_loop3A_292 = tpu.vector_load %arg6[%parallel_loop3A_290, %parallel_loop3A_291] {strides = array<i32>} : memref<16x1408xf32, #tpu.memory_space<vmem>>, vector<16xf32>,
        %parallel_loop3A_293 = arith.constant 256 : i32
        %parallel_loop3A_294 = arith.muli %parallel_loop3A_293, %parallel_loop3A_274 : i32
        %parallel_loop3A_295 = arith.constant 1 : i32
        %parallel_loop3A_296 = arith.addi %parallel_loop3A_294, %parallel_loop3A_295 : i32
        %parallel_loop3A_297 = vector.broadcast %parallel_loop3A_296 : i32 to vector<16xi32>
        %parallel_loop3A_298 = arith.addi %mul3A_230, %parallel_loop3A_297 : vector<16xi32>
        tpu.vector_store_idx %arg8[%parallel_loop3A_298], %parallel_loop3A_292 : memref<22528xf32, #tpu.memory_space<vmem>>[vector<16xi32>], vector<16xf32>,
        %parallel_loop3A_299 = arith.constant 16 : i32
        %parallel_loop3A_300 = arith.muli %parallel_loop3A_299, %parallel_loop3A_274 : i32
        %parallel_loop3A_301 = arith.constant 2 : i32
        %parallel_loop3A_302 = arith.index_cast %parallel_loop3A_301 : i32 to index
        %parallel_loop3A_303 = arith.index_cast %parallel_loop3A_300 : i32 to index
        %parallel_loop3A_304 = tpu.vector_load %arg6[%parallel_loop3A_302, %parallel_loop3A_303] {strides = array<i32>} : memref<16x1408xf32, #tpu.memory_space<vmem>>, vector<16xf32>,
        %parallel_loop3A_305 = arith.constant 256 : i32
        %parallel_loop3A_306 = arith.muli %parallel_loop3A_305, %parallel_loop3A_274 : i32
        %parallel_loop3A_307 = arith.constant 2 : i32
        %parallel_loop3A_308 = arith.addi %parallel_loop3A_306, %parallel_loop3A_307 : i32
        %parallel_loop3A_309 = vector.broadcast %parallel_loop3A_308 : i32 to vector<16xi32>
        %parallel_loop3A_310 = arith.addi %mul3A_230, %parallel_loop3A_309 : vector<16xi32>
        tpu.vector_store_idx %arg8[%parallel_loop3A_310], %parallel_loop3A_304 : memref<22528xf32, #tpu.memory_space<vmem>>[vector<16xi32>], vector<16xf32>,
        %parallel_loop3A_311 = arith.constant 16 : i32
        %parallel_loop3A_312 = arith.muli %parallel_loop3A_311, %parallel_loop3A_274 : i32
        %parallel_loop3A_313 = arith.constant 3 : i32
        %parallel_loop3A_314 = arith.index_cast %parallel_loop3A_313 : i32 to index
        %parallel_loop3A_315 = arith.index_cast %parallel_loop3A_312 : i32 to index
        %parallel_loop3A_316 = tpu.vector_load %arg6[%parallel_loop3A_314, %parallel_loop3A_315] {strides = array<i32>} : memref<16x1408xf32, #tpu.memory_space<vmem>>, vector<16xf32>,
        %parallel_loop3A_317 = arith.constant 256 : i32
        %parallel_loop3A_318 = arith.muli %parallel_loop3A_317, %parallel_loop3A_274 : i32
        %parallel_loop3A_319 = arith.constant 3 : i32
        %parallel_loop3A_320 = arith.addi %parallel_loop3A_318, %parallel_loop3A_319 : i32
        %parallel_loop3A_321 = vector.broadcast %parallel_loop3A_320 : i32 to vector<16xi32>
        %parallel_loop3A_322 = arith.addi %mul3A_230, %parallel_loop3A_321 : vector<16xi32>
        tpu.vector_store_idx %arg8[%parallel_loop3A_322], %parallel_loop3A_316 : memref<22528xf32, #tpu.memory_space<vmem>>[vector<16xi32>], vector<16xf32>,
        %parallel_loop3A_323 = arith.constant 16 : i32
        %parallel_loop3A_324 = arith.muli %parallel_loop3A_323, %parallel_loop3A_274 : i32
        %parallel_loop3A_325 = arith.constant 4 : i32
        %parallel_loop3A_326 = arith.index_cast %parallel_loop3A_325 : i32 to index
        %parallel_loop3A_327 = arith.index_cast %parallel_loop3A_324 : i32 to index
        %parallel_loop3A_328 = tpu.vector_load %arg6[%parallel_loop3A_326, %parallel_loop3A_327] {strides = array<i32>} : memref<16x1408xf32, #tpu.memory_space<vmem>>, vector<16xf32>,
        %parallel_loop3A_329 = arith.constant 256 : i32
        %parallel_loop3A_330 = arith.muli %parallel_loop3A_329, %parallel_loop3A_274 : i32
        %parallel_loop3A_331 = arith.constant 4 : i32
        %parallel_loop3A_332 = arith.addi %parallel_loop3A_330, %parallel_loop3A_331 : i32
        %parallel_loop3A_333 = vector.broadcast %parallel_loop3A_332 : i32 to vector<16xi32>
        %parallel_loop3A_334 = arith.addi %mul3A_230, %parallel_loop3A_333 : vector<16xi32>
        tpu.vector_store_idx %arg8[%parallel_loop3A_334], %parallel_loop3A_328 : memref<22528xf32, #tpu.memory_space<vmem>>[vector<16xi32>], vector<16xf32>,
        %parallel_loop3A_335 = arith.constant 16 : i32
        %parallel_loop3A_336 = arith.muli %parallel_loop3A_335, %parallel_loop3A_274 : i32
        %parallel_loop3A_337 = arith.constant 5 : i32
        %parallel_loop3A_338 = arith.index_cast %parallel_loop3A_337 : i32 to index
        %parallel_loop3A_339 = arith.index_cast %parallel_loop3A_336 : i32 to index
        %parallel_loop3A_340 = tpu.vector_load %arg6[%parallel_loop3A_338, %parallel_loop3A_339] {strides = array<i32>} : memref<16x1408xf32, #tpu.memory_space<vmem>>, vector<16xf32>,
        %parallel_loop3A_341 = arith.constant 256 : i32
        %parallel_loop3A_342 = arith.muli %parallel_loop3A_341, %parallel_loop3A_274 : i32
        %parallel_loop3A_343 = arith.constant 5 : i32
        %parallel_loop3A_344 = arith.addi %parallel_loop3A_342, %parallel_loop3A_343 : i32
        %parallel_loop3A_345 = vector.broadcast %parallel_loop3A_344 : i32 to vector<16xi32>
        %parallel_loop3A_346 = arith.addi %mul3A_230, %parallel_loop3A_345 : vector<16xi32>
        tpu.vector_store_idx %arg8[%parallel_loop3A_346], %parallel_loop3A_340 : memref<22528xf32, #tpu.memory_space<vmem>>[vector<16xi32>], vector<16xf32>,
        %parallel_loop3A_347 = arith.constant 16 : i32
        %parallel_loop3A_348 = arith.muli %parallel_loop3A_347, %parallel_loop3A_274 : i32
        %parallel_loop3A_349 = arith.constant 6 : i32
        %parallel_loop3A_350 = arith.index_cast %parallel_loop3A_349 : i32 to index
        %parallel_loop3A_351 = arith.index_cast %parallel_loop3A_348 : i32 to index
        %parallel_loop3A_352 = tpu.vector_load %arg6[%parallel_loop3A_350, %parallel_loop3A_351] {strides = array<i32>} : memref<16x1408xf32, #tpu.memory_space<vmem>>, vector<16xf32>,
        %parallel_loop3A_353 = arith.constant 256 : i32
        %parallel_loop3A_354 = arith.muli %parallel_loop3A_353, %parallel_loop3A_274 : i32
        %parallel_loop3A_355 = arith.constant 6 : i32
        %parallel_loop3A_356 = arith.addi %parallel_loop3A_354, %parallel_loop3A_355 : i32
        %parallel_loop3A_357 = vector.broadcast %parallel_loop3A_356 : i32 to vector<16xi32>
        %parallel_loop3A_358 = arith.addi %mul3A_230, %parallel_loop3A_357 : vector<16xi32>
        tpu.vector_store_idx %arg8[%parallel_loop3A_358], %parallel_loop3A_352 : memref<22528xf32, #tpu.memory_space<vmem>>[vector<16xi32>], vector<16xf32>,
        %parallel_loop3A_359 = arith.constant 16 : i32
        %parallel_loop3A_360 = arith.muli %parallel_loop3A_359, %parallel_loop3A_274 : i32
        %parallel_loop3A_361 = arith.constant 7 : i32
        %parallel_loop3A_362 = arith.index_cast %parallel_loop3A_361 : i32 to index
        %parallel_loop3A_363 = arith.index_cast %parallel_loop3A_360 : i32 to index
        %parallel_loop3A_364 = tpu.vector_load %arg6[%parallel_loop3A_362, %parallel_loop3A_363] {strides = array<i32>} : memref<16x1408xf32, #tpu.memory_space<vmem>>, vector<16xf32>,
        %parallel_loop3A_365 = arith.constant 256 : i32
        %parallel_loop3A_366 = arith.muli %parallel_loop3A_365, %parallel_loop3A_274 : i32
        %parallel_loop3A_367 = arith.constant 7 : i32
        %parallel_loop3A_368 = arith.addi %parallel_loop3A_366, %parallel_loop3A_367 : i32
        %parallel_loop3A_369 = vector.broadcast %parallel_loop3A_368 : i32 to vector<16xi32>
        %parallel_loop3A_370 = arith.addi %mul3A_230, %parallel_loop3A_369 : vector<16xi32>
        tpu.vector_store_idx %arg8[%parallel_loop3A_370], %parallel_loop3A_364 : memref<22528xf32, #tpu.memory_space<vmem>>[vector<16xi32>], vector<16xf32>,
        %parallel_loop3A_371 = arith.constant 16 : i32
        %parallel_loop3A_372 = arith.muli %parallel_loop3A_371, %parallel_loop3A_274 : i32
        %parallel_loop3A_373 = arith.constant 8 : i32
        %parallel_loop3A_374 = arith.index_cast %parallel_loop3A_373 : i32 to index
        %parallel_loop3A_375 = arith.index_cast %parallel_loop3A_372 : i32 to index
        %parallel_loop3A_376 = tpu.vector_load %arg6[%parallel_loop3A_374, %parallel_loop3A_375] {strides = array<i32>} : memref<16x1408xf32, #tpu.memory_space<vmem>>, vector<16xf32>,
        %parallel_loop3A_377 = arith.constant 256 : i32
        %parallel_loop3A_378 = arith.muli %parallel_loop3A_377, %parallel_loop3A_274 : i32
        %parallel_loop3A_379 = arith.constant 8 : i32
        %parallel_loop3A_380 = arith.addi %parallel_loop3A_378, %parallel_loop3A_379 : i32
        %parallel_loop3A_381 = vector.broadcast %parallel_loop3A_380 : i32 to vector<16xi32>
        %parallel_loop3A_382 = arith.addi %mul3A_230, %parallel_loop3A_381 : vector<16xi32>
        tpu.vector_store_idx %arg8[%parallel_loop3A_382], %parallel_loop3A_376 : memref<22528xf32, #tpu.memory_space<vmem>>[vector<16xi32>], vector<16xf32>,
        %parallel_loop3A_383 = arith.constant 16 : i32
        %parallel_loop3A_384 = arith.muli %parallel_loop3A_383, %parallel_loop3A_274 : i32
        %parallel_loop3A_385 = arith.constant 9 : i32
        %parallel_loop3A_386 = arith.index_cast %parallel_loop3A_385 : i32 to index
        %parallel_loop3A_387 = arith.index_cast %parallel_loop3A_384 : i32 to index
        %parallel_loop3A_388 = tpu.vector_load %arg6[%parallel_loop3A_386, %parallel_loop3A_387] {strides = array<i32>} : memref<16x1408xf32, #tpu.memory_space<vmem>>, vector<16xf32>,
        %parallel_loop3A_389 = arith.constant 256 : i32
        %parallel_loop3A_390 = arith.muli %parallel_loop3A_389, %parallel_loop3A_274 : i32
        %parallel_loop3A_391 = arith.constant 9 : i32
        %parallel_loop3A_392 = arith.addi %parallel_loop3A_390, %parallel_loop3A_391 : i32
        %parallel_loop3A_393 = vector.broadcast %parallel_loop3A_392 : i32 to vector<16xi32>
        %parallel_loop3A_394 = arith.addi %mul3A_230, %parallel_loop3A_393 : vector<16xi32>
        tpu.vector_store_idx %arg8[%parallel_loop3A_394], %parallel_loop3A_388 : memref<22528xf32, #tpu.memory_space<vmem>>[vector<16xi32>], vector<16xf32>,
        %parallel_loop3A_395 = arith.constant 16 : i32
        %parallel_loop3A_396 = arith.muli %parallel_loop3A_395, %parallel_loop3A_274 : i32
        %parallel_loop3A_397 = arith.constant 10 : i32
        %parallel_loop3A_398 = arith.index_cast %parallel_loop3A_397 : i32 to index
        %parallel_loop3A_399 = arith.index_cast %parallel_loop3A_396 : i32 to index
        %parallel_loop3A_400 = tpu.vector_load %arg6[%parallel_loop3A_398, %parallel_loop3A_399] {strides = array<i32>} : memref<16x1408xf32, #tpu.memory_space<vmem>>, vector<16xf32>,
        %parallel_loop3A_401 = arith.constant 256 : i32
        %parallel_loop3A_402 = arith.muli %parallel_loop3A_401, %parallel_loop3A_274 : i32
        %parallel_loop3A_403 = arith.constant 10 : i32
        %parallel_loop3A_404 = arith.addi %parallel_loop3A_402, %parallel_loop3A_403 : i32
        %parallel_loop3A_405 = vector.broadcast %parallel_loop3A_404 : i32 to vector<16xi32>
        %parallel_loop3A_406 = arith.addi %mul3A_230, %parallel_loop3A_405 : vector<16xi32>
        tpu.vector_store_idx %arg8[%parallel_loop3A_406], %parallel_loop3A_400 : memref<22528xf32, #tpu.memory_space<vmem>>[vector<16xi32>], vector<16xf32>,
        %parallel_loop3A_407 = arith.constant 16 : i32
        %parallel_loop3A_408 = arith.muli %parallel_loop3A_407, %parallel_loop3A_274 : i32
        %parallel_loop3A_409 = arith.constant 11 : i32
        %parallel_loop3A_410 = arith.index_cast %parallel_loop3A_409 : i32 to index
        %parallel_loop3A_411 = arith.index_cast %parallel_loop3A_408 : i32 to index
        %parallel_loop3A_412 = tpu.vector_load %arg6[%parallel_loop3A_410, %parallel_loop3A_411] {strides = array<i32>} : memref<16x1408xf32, #tpu.memory_space<vmem>>, vector<16xf32>,
        %parallel_loop3A_413 = arith.constant 256 : i32
        %parallel_loop3A_414 = arith.muli %parallel_loop3A_413, %parallel_loop3A_274 : i32
        %parallel_loop3A_415 = arith.constant 11 : i32
        %parallel_loop3A_416 = arith.addi %parallel_loop3A_414, %parallel_loop3A_415 : i32
        %parallel_loop3A_417 = vector.broadcast %parallel_loop3A_416 : i32 to vector<16xi32>
        %parallel_loop3A_418 = arith.addi %mul3A_230, %parallel_loop3A_417 : vector<16xi32>
        tpu.vector_store_idx %arg8[%parallel_loop3A_418], %parallel_loop3A_412 : memref<22528xf32, #tpu.memory_space<vmem>>[vector<16xi32>], vector<16xf32>,
        %parallel_loop3A_419 = arith.constant 16 : i32
        %parallel_loop3A_420 = arith.muli %parallel_loop3A_419, %parallel_loop3A_274 : i32
        %parallel_loop3A_421 = arith.constant 12 : i32
        %parallel_loop3A_422 = arith.index_cast %parallel_loop3A_421 : i32 to index
        %parallel_loop3A_423 = arith.index_cast %parallel_loop3A_420 : i32 to index
        %parallel_loop3A_424 = tpu.vector_load %arg6[%parallel_loop3A_422, %parallel_loop3A_423] {strides = array<i32>} : memref<16x1408xf32, #tpu.memory_space<vmem>>, vector<16xf32>,
        %parallel_loop3A_425 = arith.constant 256 : i32
        %parallel_loop3A_426 = arith.muli %parallel_loop3A_425, %parallel_loop3A_274 : i32
        %parallel_loop3A_427 = arith.constant 12 : i32
        %parallel_loop3A_428 = arith.addi %parallel_loop3A_426, %parallel_loop3A_427 : i32
        %parallel_loop3A_429 = vector.broadcast %parallel_loop3A_428 : i32 to vector<16xi32>
        %parallel_loop3A_430 = arith.addi %mul3A_230, %parallel_loop3A_429 : vector<16xi32>
        tpu.vector_store_idx %arg8[%parallel_loop3A_430], %parallel_loop3A_424 : memref<22528xf32, #tpu.memory_space<vmem>>[vector<16xi32>], vector<16xf32>,
        %parallel_loop3A_431 = arith.constant 16 : i32
        %parallel_loop3A_432 = arith.muli %parallel_loop3A_431, %parallel_loop3A_274 : i32
        %parallel_loop3A_433 = arith.constant 13 : i32
        %parallel_loop3A_434 = arith.index_cast %parallel_loop3A_433 : i32 to index
        %parallel_loop3A_435 = arith.index_cast %parallel_loop3A_432 : i32 to index
        %parallel_loop3A_436 = tpu.vector_load %arg6[%parallel_loop3A_434, %parallel_loop3A_435] {strides = array<i32>} : memref<16x1408xf32, #tpu.memory_space<vmem>>, vector<16xf32>,
        %parallel_loop3A_437 = arith.constant 256 : i32
        %parallel_loop3A_438 = arith.muli %parallel_loop3A_437, %parallel_loop3A_274 : i32
        %parallel_loop3A_439 = arith.constant 13 : i32
        %parallel_loop3A_440 = arith.addi %parallel_loop3A_438, %parallel_loop3A_439 : i32
        %parallel_loop3A_441 = vector.broadcast %parallel_loop3A_440 : i32 to vector<16xi32>
        %parallel_loop3A_442 = arith.addi %mul3A_230, %parallel_loop3A_441 : vector<16xi32>
        tpu.vector_store_idx %arg8[%parallel_loop3A_442], %parallel_loop3A_436 : memref<22528xf32, #tpu.memory_space<vmem>>[vector<16xi32>], vector<16xf32>,
        %parallel_loop3A_443 = arith.constant 16 : i32
        %parallel_loop3A_444 = arith.muli %parallel_loop3A_443, %parallel_loop3A_274 : i32
        %parallel_loop3A_445 = arith.constant 14 : i32
        %parallel_loop3A_446 = arith.index_cast %parallel_loop3A_445 : i32 to index
        %parallel_loop3A_447 = arith.index_cast %parallel_loop3A_444 : i32 to index
        %parallel_loop3A_448 = tpu.vector_load %arg6[%parallel_loop3A_446, %parallel_loop3A_447] {strides = array<i32>} : memref<16x1408xf32, #tpu.memory_space<vmem>>, vector<16xf32>,
        %parallel_loop3A_449 = arith.constant 256 : i32
        %parallel_loop3A_450 = arith.muli %parallel_loop3A_449, %parallel_loop3A_274 : i32
        %parallel_loop3A_451 = arith.constant 14 : i32
        %parallel_loop3A_452 = arith.addi %parallel_loop3A_450, %parallel_loop3A_451 : i32
        %parallel_loop3A_453 = vector.broadcast %parallel_loop3A_452 : i32 to vector<16xi32>
        %parallel_loop3A_454 = arith.addi %mul3A_230, %parallel_loop3A_453 : vector<16xi32>
        tpu.vector_store_idx %arg8[%parallel_loop3A_454], %parallel_loop3A_448 : memref<22528xf32, #tpu.memory_space<vmem>>[vector<16xi32>], vector<16xf32>,
        %parallel_loop3A_455 = arith.constant 16 : i32
        %parallel_loop3A_456 = arith.muli %parallel_loop3A_455, %parallel_loop3A_274 : i32
        %parallel_loop3A_457 = arith.constant 15 : i32
        %parallel_loop3A_458 = arith.index_cast %parallel_loop3A_457 : i32 to index
        %parallel_loop3A_459 = arith.index_cast %parallel_loop3A_456 : i32 to index
        %parallel_loop3A_460 = tpu.vector_load %arg6[%parallel_loop3A_458, %parallel_loop3A_459] {strides = array<i32>} : memref<16x1408xf32, #tpu.memory_space<vmem>>, vector<16xf32>,
        %parallel_loop3A_461 = arith.constant 256 : i32
        %parallel_loop3A_462 = arith.muli %parallel_loop3A_461, %parallel_loop3A_274 : i32
        %parallel_loop3A_463 = arith.constant 15 : i32
        %parallel_loop3A_464 = arith.addi %parallel_loop3A_462, %parallel_loop3A_463 : i32
        %parallel_loop3A_465 = vector.broadcast %parallel_loop3A_464 : i32 to vector<16xi32>
        %parallel_loop3A_466 = arith.addi %mul3A_230, %parallel_loop3A_465 : vector<16xi32>
        tpu.vector_store_idx %arg8[%parallel_loop3A_466], %parallel_loop3A_460 : memref<22528xf32, #tpu.memory_space<vmem>>[vector<16xi32>], vector<16xf32>,
      } {sc.loop_unroll_factor = 2 : i64, sc.parallel_access}
      %add3A_234 = arith.constant 1 : i32
      %add3A_235 = arith.addi %mul3A_118, %add3A_234 : i32
      %mul3A_236 = arith.constant 32 : i32
      %mul3A_237 = arith.muli %mul3A_236, %add3A_235 : i32
      %add3A_238 = arith.addi %add3A, %mul3A_237 : i32
      %rem3A_239 = arith.constant 1846 : i32
      %rem3A_240 = arith.remsi %add3A_238, %rem3A_239 : i32
      %jit3A_241 = arith.constant 71 : i32
      %div3A_242 = arith.divsi %rem3A_240, %jit3A_241 : i32
      %sign3A_243 = arith.constant 0 : i32
      %sign3A_244 = arith.cmpi sgt, %rem3A_240, %sign3A_243 : i32
      %sign3A_245 = arith.extui %sign3A_244 : i1 to i32
      %sign3A_246 = arith.constant 0 : i32
      %sign3A_247 = arith.cmpi slt, %rem3A_240, %sign3A_246 : i32
      %sign3A_248 = arith.extui %sign3A_247 : i1 to i32
      %sign3A_249 = arith.subi %sign3A_245, %sign3A_248 : i32
      %sign3A_250 = arith.constant 0 : i32
      %sign3A_251 = arith.cmpi sgt, %jit3A_241, %sign3A_250 : i32
      %sign3A_252 = arith.extui %sign3A_251 : i1 to i32
      %sign3A_253 = arith.constant 0 : i32
      %sign3A_254 = arith.cmpi slt, %jit3A_241, %sign3A_253 : i32
      %sign3A_255 = arith.extui %sign3A_254 : i1 to i32
      %sign3A_256 = arith.subi %sign3A_252, %sign3A_255 : i32
      %ne3A_257 = arith.cmpi ne, %sign3A_249, %sign3A_256 : i32
      %rem3A_258 = arith.remsi %rem3A_240, %jit3A_241 : i32
      %ne3A_259 = arith.constant 0 : i32
      %ne3A_260 = arith.cmpi ne, %rem3A_258, %ne3A_259 : i32
      %and3A_261 = arith.andi %ne3A_257, %ne3A_260 : i1
      %sub3A_262 = arith.constant 1 : i32
      %sub3A_263 = arith.subi %div3A_242, %sub3A_262 : i32
      %select_n3A_264 = arith.select %and3A_261, %sub3A_263, %div3A_242 : i32
      %rem3A_265 = arith.constant 71 : i32
      %rem3A_266 = arith.remsi %rem3A_240, %rem3A_265 : i32
      %mul3A_267 = arith.constant 1600000 : i32
      %mul3A_268 = arith.muli %select_n3A_264, %mul3A_267 : i32
      %mul3A_269 = arith.constant 22528 : i32
      %mul3A_270 = arith.muli %mul3A_269, %rem3A_266 : i32
      %add3A_271 = arith.addi %mul3A_268, %mul3A_270 : i32
      %dma_start3A_272 = tpu.memref_slice %arg4[%add3A_271] : memref<41600000xf32, #tpu.memory_space<hbm>> -> memref<22528xf32, #tpu.memory_space<hbm>>
      %dma_start3A_273 = tpu.memref_slice %arg4[%add3A_271] : memref<41600000xf32, #tpu.memory_space<hbm>> -> memref<22528xf32, #tpu.memory_space<hbm>>
      tpu.enqueue_dma source(%arg8 : memref<22528xf32, #tpu.memory_space<vmem>>) target(%dma_start3A_273 : memref<22528xf32, #tpu.memory_space<hbm>>) target_semaphore(%arg13 : memref<!tpu.dma_semaphore, #tpu.memory_space<semaphore_mem>>)
    }
    %scan3A_108 = arith.constant 29 : i32
    %dma_wait3A = arith.constant 0 : i32
    %dma_wait3A_109 = tpu.memref_slice %arg4[%dma_wait3A] : memref<41600000xf32, #tpu.memory_space<hbm>> -> memref<22528xf32, #tpu.memory_space<hbm>>
    %dma_wait3A_110 = arith.constant 0 : i32
    %dma_wait3A_111 = tpu.memref_slice %arg4[%dma_wait3A_110] : memref<41600000xf32, #tpu.memory_space<hbm>> -> memref<22528xf32, #tpu.memory_space<hbm>>
    tpu.wait_dma2 semaphore(%arg12 : memref<!tpu.dma_semaphore, #tpu.memory_space<semaphore_mem>>) src(%arg7 : memref<22528xf32, #tpu.memory_space<vmem>>) dst(%dma_wait3A_111 : memref<22528xf32, #tpu.memory_space<hbm>>)
    %dma_wait3A_112 = arith.constant 0 : i32
    %dma_wait3A_113 = tpu.memref_slice %arg4[%dma_wait3A_112] : memref<41600000xf32, #tpu.memory_space<hbm>> -> memref<22528xf32, #tpu.memory_space<hbm>>
    %dma_wait3A_114 = arith.constant 0 : i32
    %dma_wait3A_115 = tpu.memref_slice %arg4[%dma_wait3A_114] : memref<41600000xf32, #tpu.memory_space<hbm>> -> memref<22528xf32, #tpu.memory_space<hbm>>
    tpu.wait_dma2 semaphore(%arg13 : memref<!tpu.dma_semaphore, #tpu.memory_space<semaphore_mem>>) src(%arg8 : memref<22528xf32, #tpu.memory_space<vmem>>) dst(%dma_wait3A_115 : memref<22528xf32, #tpu.memory_space<hbm>>)
    return
  }
}

#map = affine_map<(d0, d1) -> (0, 0, 0)>
#map1 = affine_map<(d0, d1) -> (0, 0)>
module attributes {stable_mosaic.version = 14 : i64} {
  func.func @_gather_body(%arg0: i32, %arg1: i32, %arg2: memref<32x104x128xi32, #tpu.memory_space<hbm>>, %arg3: memref<2600000x16xf32, #tpu.memory_space<hbm>>, %arg4: memref<425984x16xf32, #tpu.memory_space<hbm>>, %arg5: memref<104x128xi32, #tpu.memory_space<vmem>>, %arg6: memref<1024x16xf32, #tpu.memory_space<vmem>>, %arg7: memref<1024x16xf32, #tpu.memory_space<vmem>>, %arg8: memref<!tpu.dma_semaphore, #tpu.memory_space<semaphore_mem>>, %arg9: memref<!tpu.dma_semaphore, #tpu.memory_space<semaphore_mem>>, %arg10: memref<!tpu.dma_semaphore, #tpu.memory_space<semaphore_mem>>) attributes {dimension_semantics = [#tpu.dimension_semantics<core_parallel>, #tpu.dimension_semantics<subcore_parallel>], iteration_bounds = array<i64: 2, 16>, scalar_prefetch = 0 : i64, scratch_operands = 6 : i64, tpu.core_type = #tpu.core_type<sc_vector_subcore>, window_params = [{transform_indices = #map}, {transform_indices = #map1}, {transform_indices = #map1}]} {
    %mul3A = arith.constant 2 : i32
    %mul3A_0 = arith.muli %arg1, %mul3A : i32
    %add3A = arith.addi %mul3A_0, %arg0 : i32
    "tpu.region"() ({
      %run_scoped3A = tpu.sem_alloc : memref<!tpu.dma_semaphore, #tpu.memory_space<semaphore_mem>>
      %dma_start3A_206 = arith.constant 0 : i32
      %dma_start3A_207 = arith.constant 0 : i32
      %dma_start3A_208 = tpu.memref_slice %arg2[%add3A, %dma_start3A_206, %dma_start3A_207] : memref<32x104x128xi32, #tpu.memory_space<hbm>> -> memref<1x104x128xi32, #tpu.memory_space<hbm>>
      %dma_start3A_209 = tpu.memref_squeeze %dma_start3A_208 : memref<1x104x128xi32, #tpu.memory_space<hbm>> -> memref<104x128xi32, #tpu.memory_space<hbm>>
      %dma_start3A_210 = arith.constant 0 : i32
      %dma_start3A_211 = arith.constant 0 : i32
      %dma_start3A_212 = tpu.memref_slice %arg2[%add3A, %dma_start3A_210, %dma_start3A_211] : memref<32x104x128xi32, #tpu.memory_space<hbm>> -> memref<1x104x128xi32, #tpu.memory_space<hbm>>
      %dma_start3A_213 = tpu.memref_squeeze %dma_start3A_212 : memref<1x104x128xi32, #tpu.memory_space<hbm>> -> memref<104x128xi32, #tpu.memory_space<hbm>>
      tpu.enqueue_dma source(%dma_start3A_213 : memref<104x128xi32, #tpu.memory_space<hbm>>) target(%arg5 : memref<104x128xi32, #tpu.memory_space<vmem>>) target_semaphore(%run_scoped3A : memref<!tpu.dma_semaphore, #tpu.memory_space<semaphore_mem>>)
      %dma_wait3A_214 = arith.constant 0 : i32
      %dma_wait3A_215 = arith.constant 0 : i32
      %dma_wait3A_216 = tpu.memref_slice %arg2[%add3A, %dma_wait3A_214, %dma_wait3A_215] : memref<32x104x128xi32, #tpu.memory_space<hbm>> -> memref<1x104x128xi32, #tpu.memory_space<hbm>>
      %dma_wait3A_217 = tpu.memref_squeeze %dma_wait3A_216 : memref<1x104x128xi32, #tpu.memory_space<hbm>> -> memref<104x128xi32, #tpu.memory_space<hbm>>
      %dma_wait3A_218 = arith.constant 0 : i32
      %dma_wait3A_219 = arith.constant 0 : i32
      %dma_wait3A_220 = tpu.memref_slice %arg2[%add3A, %dma_wait3A_218, %dma_wait3A_219] : memref<32x104x128xi32, #tpu.memory_space<hbm>> -> memref<1x104x128xi32, #tpu.memory_space<hbm>>
      %dma_wait3A_221 = tpu.memref_squeeze %dma_wait3A_220 : memref<1x104x128xi32, #tpu.memory_space<hbm>> -> memref<104x128xi32, #tpu.memory_space<hbm>>
      tpu.wait_dma2 semaphore(%run_scoped3A : memref<!tpu.dma_semaphore, #tpu.memory_space<semaphore_mem>>) src(%dma_wait3A_221 : memref<104x128xi32, #tpu.memory_space<hbm>>) dst(%arg5 : memref<104x128xi32, #tpu.memory_space<vmem>>)
      tpu.yield
    }) : () -> ()
    %mul3A_1 = arith.constant 13312 : i32
    %mul3A_2 = arith.muli %add3A, %mul3A_1 : i32
    %add3A_3 = arith.constant 0 : i32
    %add3A_4 = arith.addi %mul3A_2, %add3A_3 : i32
    %dma_start3A = arith.constant 0 : i32
    %dma_start3A_5 = tpu.memref_slice %arg4[%add3A_4, %dma_start3A] : memref<425984x16xf32, #tpu.memory_space<hbm>> -> memref<1024x16xf32, #tpu.memory_space<hbm>>
    %dma_start3A_6 = arith.constant 0 : i32
    %dma_start3A_7 = tpu.memref_slice %arg4[%add3A_4, %dma_start3A_6] : memref<425984x16xf32, #tpu.memory_space<hbm>> -> memref<1024x16xf32, #tpu.memory_space<hbm>>
    tpu.enqueue_dma source(%arg6 : memref<1024x16xf32, #tpu.memory_space<vmem>>) target(%dma_start3A_7 : memref<1024x16xf32, #tpu.memory_space<hbm>>) target_semaphore(%arg9 : memref<!tpu.dma_semaphore, #tpu.memory_space<semaphore_mem>>)
    %mul3A_8 = arith.constant 13312 : i32
    %mul3A_9 = arith.muli %add3A, %mul3A_8 : i32
    %add3A_10 = arith.constant 1024 : i32
    %add3A_11 = arith.addi %mul3A_9, %add3A_10 : i32
    %dma_start3A_12 = arith.constant 0 : i32
    %dma_start3A_13 = tpu.memref_slice %arg4[%add3A_11, %dma_start3A_12] : memref<425984x16xf32, #tpu.memory_space<hbm>> -> memref<1024x16xf32, #tpu.memory_space<hbm>>
    %dma_start3A_14 = arith.constant 0 : i32
    %dma_start3A_15 = tpu.memref_slice %arg4[%add3A_11, %dma_start3A_14] : memref<425984x16xf32, #tpu.memory_space<hbm>> -> memref<1024x16xf32, #tpu.memory_space<hbm>>
    tpu.enqueue_dma source(%arg7 : memref<1024x16xf32, #tpu.memory_space<vmem>>) target(%dma_start3A_15 : memref<1024x16xf32, #tpu.memory_space<hbm>>) target_semaphore(%arg10 : memref<!tpu.dma_semaphore, #tpu.memory_space<semaphore_mem>>)
    %scan3A = arith.constant 0 : i32
    %scan3A_16 = arith.constant 0 : i32
    %scan3A_17 = arith.constant 6 : i32
    %scan3A_18 = arith.addi %scan3A_16, %scan3A_17 : i32
    %scan3A_19 = arith.constant 1 : i32
    scf.for %scan3A_206 = %scan3A_16 to %scan3A_18 step %scan3A_19  : i32 {
      %mul3A_207 = arith.constant 2 : i32
      %mul3A_208 = arith.muli %mul3A_207, %scan3A_206 : i32
      %dma_wait3A_209 = arith.constant 0 : i32
      %dma_wait3A_210 = arith.constant 0 : i32
      %dma_wait3A_211 = tpu.memref_slice %arg4[%dma_wait3A_209, %dma_wait3A_210] : memref<425984x16xf32, #tpu.memory_space<hbm>> -> memref<1024x16xf32, #tpu.memory_space<hbm>>
      %dma_wait3A_212 = arith.constant 0 : i32
      %dma_wait3A_213 = arith.constant 0 : i32
      %dma_wait3A_214 = tpu.memref_slice %arg4[%dma_wait3A_212, %dma_wait3A_213] : memref<425984x16xf32, #tpu.memory_space<hbm>> -> memref<1024x16xf32, #tpu.memory_space<hbm>>
      tpu.wait_dma2 semaphore(%arg9 : memref<!tpu.dma_semaphore, #tpu.memory_space<semaphore_mem>>) src(%arg6 : memref<1024x16xf32, #tpu.memory_space<vmem>>) dst(%dma_wait3A_214 : memref<1024x16xf32, #tpu.memory_space<hbm>>)
      %mul3A_215 = arith.constant 8 : i32
      %mul3A_216 = arith.muli %mul3A_208, %mul3A_215 : i32
      %add3A_217 = arith.constant 0 : i32
      %add3A_218 = arith.addi %mul3A_216, %add3A_217 : i32
      %dma_start3A_219 = arith.constant 0 : i32
      %dma_start3A_220 = arith.constant 0 : i32
      %dma_start3A_221 = tpu.memref_slice %arg6[%dma_start3A_219, %dma_start3A_220] : memref<1024x16xf32, #tpu.memory_space<vmem>> -> memref<128x16xf32, #tpu.memory_space<vmem>>
      %dma_start3A_222 = arith.constant 0 : i32
      %dma_start3A_223 = tpu.memref_slice %arg5[%add3A_218, %dma_start3A_222] : memref<104x128xi32, #tpu.memory_space<vmem>> -> memref<1x128xi32, #tpu.memory_space<vmem>>
      %dma_start3A_224 = tpu.memref_squeeze %dma_start3A_223 : memref<1x128xi32, #tpu.memory_space<vmem>> -> memref<128xi32, #tpu.memory_space<vmem>>
      %dma_start3A_225 = arith.constant 0 : i32
      %dma_start3A_226 = arith.constant 0 : i32
      %dma_start3A_227 = tpu.memref_slice %arg3[%dma_start3A_225, %dma_start3A_226] : memref<2600000x16xf32, #tpu.memory_space<hbm>> -> memref<2600000x16xf32, #tpu.memory_space<hbm>>
      tpu.enqueue_indirect_dma source(%dma_start3A_227 : memref<2600000x16xf32, #tpu.memory_space<hbm>>) target(%dma_start3A_221 : memref<128x16xf32, #tpu.memory_space<vmem>>) offsets(%dma_start3A_224 : memref<128xi32, #tpu.memory_space<vmem>>) semaphore(%arg8 : memref<!tpu.dma_semaphore, #tpu.memory_space<semaphore_mem>>)
      %mul3A_228 = arith.constant 8 : i32
      %mul3A_229 = arith.muli %mul3A_208, %mul3A_228 : i32
      %add3A_230 = arith.constant 1 : i32
      %add3A_231 = arith.addi %mul3A_229, %add3A_230 : i32
      %dma_start3A_232 = arith.constant 128 : i32
      %dma_start3A_233 = arith.constant 0 : i32
      %dma_start3A_234 = tpu.memref_slice %arg6[%dma_start3A_232, %dma_start3A_233] : memref<1024x16xf32, #tpu.memory_space<vmem>> -> memref<128x16xf32, #tpu.memory_space<vmem>>
      %dma_start3A_235 = arith.constant 0 : i32
      %dma_start3A_236 = tpu.memref_slice %arg5[%add3A_231, %dma_start3A_235] : memref<104x128xi32, #tpu.memory_space<vmem>> -> memref<1x128xi32, #tpu.memory_space<vmem>>
      %dma_start3A_237 = tpu.memref_squeeze %dma_start3A_236 : memref<1x128xi32, #tpu.memory_space<vmem>> -> memref<128xi32, #tpu.memory_space<vmem>>
      %dma_start3A_238 = arith.constant 0 : i32
      %dma_start3A_239 = arith.constant 0 : i32
      %dma_start3A_240 = tpu.memref_slice %arg3[%dma_start3A_238, %dma_start3A_239] : memref<2600000x16xf32, #tpu.memory_space<hbm>> -> memref<2600000x16xf32, #tpu.memory_space<hbm>>
      tpu.enqueue_indirect_dma source(%dma_start3A_240 : memref<2600000x16xf32, #tpu.memory_space<hbm>>) target(%dma_start3A_234 : memref<128x16xf32, #tpu.memory_space<vmem>>) offsets(%dma_start3A_237 : memref<128xi32, #tpu.memory_space<vmem>>) semaphore(%arg8 : memref<!tpu.dma_semaphore, #tpu.memory_space<semaphore_mem>>)
      %mul3A_241 = arith.constant 8 : i32
      %mul3A_242 = arith.muli %mul3A_208, %mul3A_241 : i32
      %add3A_243 = arith.constant 2 : i32
      %add3A_244 = arith.addi %mul3A_242, %add3A_243 : i32
      %dma_start3A_245 = arith.constant 256 : i32
      %dma_start3A_246 = arith.constant 0 : i32
      %dma_start3A_247 = tpu.memref_slice %arg6[%dma_start3A_245, %dma_start3A_246] : memref<1024x16xf32, #tpu.memory_space<vmem>> -> memref<128x16xf32, #tpu.memory_space<vmem>>
      %dma_start3A_248 = arith.constant 0 : i32
      %dma_start3A_249 = tpu.memref_slice %arg5[%add3A_244, %dma_start3A_248] : memref<104x128xi32, #tpu.memory_space<vmem>> -> memref<1x128xi32, #tpu.memory_space<vmem>>
      %dma_start3A_250 = tpu.memref_squeeze %dma_start3A_249 : memref<1x128xi32, #tpu.memory_space<vmem>> -> memref<128xi32, #tpu.memory_space<vmem>>
      %dma_start3A_251 = arith.constant 0 : i32
      %dma_start3A_252 = arith.constant 0 : i32
      %dma_start3A_253 = tpu.memref_slice %arg3[%dma_start3A_251, %dma_start3A_252] : memref<2600000x16xf32, #tpu.memory_space<hbm>> -> memref<2600000x16xf32, #tpu.memory_space<hbm>>
      tpu.enqueue_indirect_dma source(%dma_start3A_253 : memref<2600000x16xf32, #tpu.memory_space<hbm>>) target(%dma_start3A_247 : memref<128x16xf32, #tpu.memory_space<vmem>>) offsets(%dma_start3A_250 : memref<128xi32, #tpu.memory_space<vmem>>) semaphore(%arg8 : memref<!tpu.dma_semaphore, #tpu.memory_space<semaphore_mem>>)
      %mul3A_254 = arith.constant 8 : i32
      %mul3A_255 = arith.muli %mul3A_208, %mul3A_254 : i32
      %add3A_256 = arith.constant 3 : i32
      %add3A_257 = arith.addi %mul3A_255, %add3A_256 : i32
      %dma_start3A_258 = arith.constant 384 : i32
      %dma_start3A_259 = arith.constant 0 : i32
      %dma_start3A_260 = tpu.memref_slice %arg6[%dma_start3A_258, %dma_start3A_259] : memref<1024x16xf32, #tpu.memory_space<vmem>> -> memref<128x16xf32, #tpu.memory_space<vmem>>
      %dma_start3A_261 = arith.constant 0 : i32
      %dma_start3A_262 = tpu.memref_slice %arg5[%add3A_257, %dma_start3A_261] : memref<104x128xi32, #tpu.memory_space<vmem>> -> memref<1x128xi32, #tpu.memory_space<vmem>>
      %dma_start3A_263 = tpu.memref_squeeze %dma_start3A_262 : memref<1x128xi32, #tpu.memory_space<vmem>> -> memref<128xi32, #tpu.memory_space<vmem>>
      %dma_start3A_264 = arith.constant 0 : i32
      %dma_start3A_265 = arith.constant 0 : i32
      %dma_start3A_266 = tpu.memref_slice %arg3[%dma_start3A_264, %dma_start3A_265] : memref<2600000x16xf32, #tpu.memory_space<hbm>> -> memref<2600000x16xf32, #tpu.memory_space<hbm>>
      tpu.enqueue_indirect_dma source(%dma_start3A_266 : memref<2600000x16xf32, #tpu.memory_space<hbm>>) target(%dma_start3A_260 : memref<128x16xf32, #tpu.memory_space<vmem>>) offsets(%dma_start3A_263 : memref<128xi32, #tpu.memory_space<vmem>>) semaphore(%arg8 : memref<!tpu.dma_semaphore, #tpu.memory_space<semaphore_mem>>)
      %mul3A_267 = arith.constant 8 : i32
      %mul3A_268 = arith.muli %mul3A_208, %mul3A_267 : i32
      %add3A_269 = arith.constant 4 : i32
      %add3A_270 = arith.addi %mul3A_268, %add3A_269 : i32
      %dma_start3A_271 = arith.constant 512 : i32
      %dma_start3A_272 = arith.constant 0 : i32
      %dma_start3A_273 = tpu.memref_slice %arg6[%dma_start3A_271, %dma_start3A_272] : memref<1024x16xf32, #tpu.memory_space<vmem>> -> memref<128x16xf32, #tpu.memory_space<vmem>>
      %dma_start3A_274 = arith.constant 0 : i32
      %dma_start3A_275 = tpu.memref_slice %arg5[%add3A_270, %dma_start3A_274] : memref<104x128xi32, #tpu.memory_space<vmem>> -> memref<1x128xi32, #tpu.memory_space<vmem>>
      %dma_start3A_276 = tpu.memref_squeeze %dma_start3A_275 : memref<1x128xi32, #tpu.memory_space<vmem>> -> memref<128xi32, #tpu.memory_space<vmem>>
      %dma_start3A_277 = arith.constant 0 : i32
      %dma_start3A_278 = arith.constant 0 : i32
      %dma_start3A_279 = tpu.memref_slice %arg3[%dma_start3A_277, %dma_start3A_278] : memref<2600000x16xf32, #tpu.memory_space<hbm>> -> memref<2600000x16xf32, #tpu.memory_space<hbm>>
      tpu.enqueue_indirect_dma source(%dma_start3A_279 : memref<2600000x16xf32, #tpu.memory_space<hbm>>) target(%dma_start3A_273 : memref<128x16xf32, #tpu.memory_space<vmem>>) offsets(%dma_start3A_276 : memref<128xi32, #tpu.memory_space<vmem>>) semaphore(%arg8 : memref<!tpu.dma_semaphore, #tpu.memory_space<semaphore_mem>>)
      %mul3A_280 = arith.constant 8 : i32
      %mul3A_281 = arith.muli %mul3A_208, %mul3A_280 : i32
      %add3A_282 = arith.constant 5 : i32
      %add3A_283 = arith.addi %mul3A_281, %add3A_282 : i32
      %dma_start3A_284 = arith.constant 640 : i32
      %dma_start3A_285 = arith.constant 0 : i32
      %dma_start3A_286 = tpu.memref_slice %arg6[%dma_start3A_284, %dma_start3A_285] : memref<1024x16xf32, #tpu.memory_space<vmem>> -> memref<128x16xf32, #tpu.memory_space<vmem>>
      %dma_start3A_287 = arith.constant 0 : i32
      %dma_start3A_288 = tpu.memref_slice %arg5[%add3A_283, %dma_start3A_287] : memref<104x128xi32, #tpu.memory_space<vmem>> -> memref<1x128xi32, #tpu.memory_space<vmem>>
      %dma_start3A_289 = tpu.memref_squeeze %dma_start3A_288 : memref<1x128xi32, #tpu.memory_space<vmem>> -> memref<128xi32, #tpu.memory_space<vmem>>
      %dma_start3A_290 = arith.constant 0 : i32
      %dma_start3A_291 = arith.constant 0 : i32
      %dma_start3A_292 = tpu.memref_slice %arg3[%dma_start3A_290, %dma_start3A_291] : memref<2600000x16xf32, #tpu.memory_space<hbm>> -> memref<2600000x16xf32, #tpu.memory_space<hbm>>
      tpu.enqueue_indirect_dma source(%dma_start3A_292 : memref<2600000x16xf32, #tpu.memory_space<hbm>>) target(%dma_start3A_286 : memref<128x16xf32, #tpu.memory_space<vmem>>) offsets(%dma_start3A_289 : memref<128xi32, #tpu.memory_space<vmem>>) semaphore(%arg8 : memref<!tpu.dma_semaphore, #tpu.memory_space<semaphore_mem>>)
      %mul3A_293 = arith.constant 8 : i32
      %mul3A_294 = arith.muli %mul3A_208, %mul3A_293 : i32
      %add3A_295 = arith.constant 6 : i32
      %add3A_296 = arith.addi %mul3A_294, %add3A_295 : i32
      %dma_start3A_297 = arith.constant 768 : i32
      %dma_start3A_298 = arith.constant 0 : i32
      %dma_start3A_299 = tpu.memref_slice %arg6[%dma_start3A_297, %dma_start3A_298] : memref<1024x16xf32, #tpu.memory_space<vmem>> -> memref<128x16xf32, #tpu.memory_space<vmem>>
      %dma_start3A_300 = arith.constant 0 : i32
      %dma_start3A_301 = tpu.memref_slice %arg5[%add3A_296, %dma_start3A_300] : memref<104x128xi32, #tpu.memory_space<vmem>> -> memref<1x128xi32, #tpu.memory_space<vmem>>
      %dma_start3A_302 = tpu.memref_squeeze %dma_start3A_301 : memref<1x128xi32, #tpu.memory_space<vmem>> -> memref<128xi32, #tpu.memory_space<vmem>>
      %dma_start3A_303 = arith.constant 0 : i32
      %dma_start3A_304 = arith.constant 0 : i32
      %dma_start3A_305 = tpu.memref_slice %arg3[%dma_start3A_303, %dma_start3A_304] : memref<2600000x16xf32, #tpu.memory_space<hbm>> -> memref<2600000x16xf32, #tpu.memory_space<hbm>>
      tpu.enqueue_indirect_dma source(%dma_start3A_305 : memref<2600000x16xf32, #tpu.memory_space<hbm>>) target(%dma_start3A_299 : memref<128x16xf32, #tpu.memory_space<vmem>>) offsets(%dma_start3A_302 : memref<128xi32, #tpu.memory_space<vmem>>) semaphore(%arg8 : memref<!tpu.dma_semaphore, #tpu.memory_space<semaphore_mem>>)
      %mul3A_306 = arith.constant 8 : i32
      %mul3A_307 = arith.muli %mul3A_208, %mul3A_306 : i32
      %add3A_308 = arith.constant 7 : i32
      %add3A_309 = arith.addi %mul3A_307, %add3A_308 : i32
      %dma_start3A_310 = arith.constant 896 : i32
      %dma_start3A_311 = arith.constant 0 : i32
      %dma_start3A_312 = tpu.memref_slice %arg6[%dma_start3A_310, %dma_start3A_311] : memref<1024x16xf32, #tpu.memory_space<vmem>> -> memref<128x16xf32, #tpu.memory_space<vmem>>
      %dma_start3A_313 = arith.constant 0 : i32
      %dma_start3A_314 = tpu.memref_slice %arg5[%add3A_309, %dma_start3A_313] : memref<104x128xi32, #tpu.memory_space<vmem>> -> memref<1x128xi32, #tpu.memory_space<vmem>>
      %dma_start3A_315 = tpu.memref_squeeze %dma_start3A_314 : memref<1x128xi32, #tpu.memory_space<vmem>> -> memref<128xi32, #tpu.memory_space<vmem>>
      %dma_start3A_316 = arith.constant 0 : i32
      %dma_start3A_317 = arith.constant 0 : i32
      %dma_start3A_318 = tpu.memref_slice %arg3[%dma_start3A_316, %dma_start3A_317] : memref<2600000x16xf32, #tpu.memory_space<hbm>> -> memref<2600000x16xf32, #tpu.memory_space<hbm>>
      tpu.enqueue_indirect_dma source(%dma_start3A_318 : memref<2600000x16xf32, #tpu.memory_space<hbm>>) target(%dma_start3A_312 : memref<128x16xf32, #tpu.memory_space<vmem>>) offsets(%dma_start3A_315 : memref<128xi32, #tpu.memory_space<vmem>>) semaphore(%arg8 : memref<!tpu.dma_semaphore, #tpu.memory_space<semaphore_mem>>)
      %dma_wait3A_319 = arith.constant 0 : i32
      %dma_wait3A_320 = arith.constant 0 : i32
      %dma_wait3A_321 = tpu.memref_slice %arg6[%dma_wait3A_319, %dma_wait3A_320] : memref<1024x16xf32, #tpu.memory_space<vmem>> -> memref<128x16xf32, #tpu.memory_space<vmem>>
      %dma_wait3A_322 = arith.constant 0 : i32
      %dma_wait3A_323 = tpu.memref_slice %arg5[%add3A_218, %dma_wait3A_322] : memref<104x128xi32, #tpu.memory_space<vmem>> -> memref<1x128xi32, #tpu.memory_space<vmem>>
      %dma_wait3A_324 = tpu.memref_squeeze %dma_wait3A_323 : memref<1x128xi32, #tpu.memory_space<vmem>> -> memref<128xi32, #tpu.memory_space<vmem>>
      %dma_wait3A_325 = arith.constant 0 : i32
      %dma_wait3A_326 = arith.constant 0 : i32
      %dma_wait3A_327 = tpu.memref_slice %arg3[%dma_wait3A_325, %dma_wait3A_326] : memref<2600000x16xf32, #tpu.memory_space<hbm>> -> memref<2600000x16xf32, #tpu.memory_space<hbm>>
      tpu.wait_indirect_dma semaphore(%arg8 : memref<!tpu.dma_semaphore, #tpu.memory_space<semaphore_mem>>) src(%dma_wait3A_327 : memref<2600000x16xf32, #tpu.memory_space<hbm>>) dst(%dma_wait3A_321 : memref<128x16xf32, #tpu.memory_space<vmem>>)
      %dma_wait3A_328 = arith.constant 128 : i32
      %dma_wait3A_329 = arith.constant 0 : i32
      %dma_wait3A_330 = tpu.memref_slice %arg6[%dma_wait3A_328, %dma_wait3A_329] : memref<1024x16xf32, #tpu.memory_space<vmem>> -> memref<128x16xf32, #tpu.memory_space<vmem>>
      %dma_wait3A_331 = arith.constant 0 : i32
      %dma_wait3A_332 = tpu.memref_slice %arg5[%add3A_231, %dma_wait3A_331] : memref<104x128xi32, #tpu.memory_space<vmem>> -> memref<1x128xi32, #tpu.memory_space<vmem>>
      %dma_wait3A_333 = tpu.memref_squeeze %dma_wait3A_332 : memref<1x128xi32, #tpu.memory_space<vmem>> -> memref<128xi32, #tpu.memory_space<vmem>>
      %dma_wait3A_334 = arith.constant 0 : i32
      %dma_wait3A_335 = arith.constant 0 : i32
      %dma_wait3A_336 = tpu.memref_slice %arg3[%dma_wait3A_334, %dma_wait3A_335] : memref<2600000x16xf32, #tpu.memory_space<hbm>> -> memref<2600000x16xf32, #tpu.memory_space<hbm>>
      tpu.wait_indirect_dma semaphore(%arg8 : memref<!tpu.dma_semaphore, #tpu.memory_space<semaphore_mem>>) src(%dma_wait3A_336 : memref<2600000x16xf32, #tpu.memory_space<hbm>>) dst(%dma_wait3A_330 : memref<128x16xf32, #tpu.memory_space<vmem>>)
      %dma_wait3A_337 = arith.constant 256 : i32
      %dma_wait3A_338 = arith.constant 0 : i32
      %dma_wait3A_339 = tpu.memref_slice %arg6[%dma_wait3A_337, %dma_wait3A_338] : memref<1024x16xf32, #tpu.memory_space<vmem>> -> memref<128x16xf32, #tpu.memory_space<vmem>>
      %dma_wait3A_340 = arith.constant 0 : i32
      %dma_wait3A_341 = tpu.memref_slice %arg5[%add3A_244, %dma_wait3A_340] : memref<104x128xi32, #tpu.memory_space<vmem>> -> memref<1x128xi32, #tpu.memory_space<vmem>>
      %dma_wait3A_342 = tpu.memref_squeeze %dma_wait3A_341 : memref<1x128xi32, #tpu.memory_space<vmem>> -> memref<128xi32, #tpu.memory_space<vmem>>
      %dma_wait3A_343 = arith.constant 0 : i32
      %dma_wait3A_344 = arith.constant 0 : i32
      %dma_wait3A_345 = tpu.memref_slice %arg3[%dma_wait3A_343, %dma_wait3A_344] : memref<2600000x16xf32, #tpu.memory_space<hbm>> -> memref<2600000x16xf32, #tpu.memory_space<hbm>>
      tpu.wait_indirect_dma semaphore(%arg8 : memref<!tpu.dma_semaphore, #tpu.memory_space<semaphore_mem>>) src(%dma_wait3A_345 : memref<2600000x16xf32, #tpu.memory_space<hbm>>) dst(%dma_wait3A_339 : memref<128x16xf32, #tpu.memory_space<vmem>>)
      %dma_wait3A_346 = arith.constant 384 : i32
      %dma_wait3A_347 = arith.constant 0 : i32
      %dma_wait3A_348 = tpu.memref_slice %arg6[%dma_wait3A_346, %dma_wait3A_347] : memref<1024x16xf32, #tpu.memory_space<vmem>> -> memref<128x16xf32, #tpu.memory_space<vmem>>
      %dma_wait3A_349 = arith.constant 0 : i32
      %dma_wait3A_350 = tpu.memref_slice %arg5[%add3A_257, %dma_wait3A_349] : memref<104x128xi32, #tpu.memory_space<vmem>> -> memref<1x128xi32, #tpu.memory_space<vmem>>
      %dma_wait3A_351 = tpu.memref_squeeze %dma_wait3A_350 : memref<1x128xi32, #tpu.memory_space<vmem>> -> memref<128xi32, #tpu.memory_space<vmem>>
      %dma_wait3A_352 = arith.constant 0 : i32
      %dma_wait3A_353 = arith.constant 0 : i32
      %dma_wait3A_354 = tpu.memref_slice %arg3[%dma_wait3A_352, %dma_wait3A_353] : memref<2600000x16xf32, #tpu.memory_space<hbm>> -> memref<2600000x16xf32, #tpu.memory_space<hbm>>
      tpu.wait_indirect_dma semaphore(%arg8 : memref<!tpu.dma_semaphore, #tpu.memory_space<semaphore_mem>>) src(%dma_wait3A_354 : memref<2600000x16xf32, #tpu.memory_space<hbm>>) dst(%dma_wait3A_348 : memref<128x16xf32, #tpu.memory_space<vmem>>)
      %dma_wait3A_355 = arith.constant 512 : i32
      %dma_wait3A_356 = arith.constant 0 : i32
      %dma_wait3A_357 = tpu.memref_slice %arg6[%dma_wait3A_355, %dma_wait3A_356] : memref<1024x16xf32, #tpu.memory_space<vmem>> -> memref<128x16xf32, #tpu.memory_space<vmem>>
      %dma_wait3A_358 = arith.constant 0 : i32
      %dma_wait3A_359 = tpu.memref_slice %arg5[%add3A_270, %dma_wait3A_358] : memref<104x128xi32, #tpu.memory_space<vmem>> -> memref<1x128xi32, #tpu.memory_space<vmem>>
      %dma_wait3A_360 = tpu.memref_squeeze %dma_wait3A_359 : memref<1x128xi32, #tpu.memory_space<vmem>> -> memref<128xi32, #tpu.memory_space<vmem>>
      %dma_wait3A_361 = arith.constant 0 : i32
      %dma_wait3A_362 = arith.constant 0 : i32
      %dma_wait3A_363 = tpu.memref_slice %arg3[%dma_wait3A_361, %dma_wait3A_362] : memref<2600000x16xf32, #tpu.memory_space<hbm>> -> memref<2600000x16xf32, #tpu.memory_space<hbm>>
      tpu.wait_indirect_dma semaphore(%arg8 : memref<!tpu.dma_semaphore, #tpu.memory_space<semaphore_mem>>) src(%dma_wait3A_363 : memref<2600000x16xf32, #tpu.memory_space<hbm>>) dst(%dma_wait3A_357 : memref<128x16xf32, #tpu.memory_space<vmem>>)
      %dma_wait3A_364 = arith.constant 640 : i32
      %dma_wait3A_365 = arith.constant 0 : i32
      %dma_wait3A_366 = tpu.memref_slice %arg6[%dma_wait3A_364, %dma_wait3A_365] : memref<1024x16xf32, #tpu.memory_space<vmem>> -> memref<128x16xf32, #tpu.memory_space<vmem>>
      %dma_wait3A_367 = arith.constant 0 : i32
      %dma_wait3A_368 = tpu.memref_slice %arg5[%add3A_283, %dma_wait3A_367] : memref<104x128xi32, #tpu.memory_space<vmem>> -> memref<1x128xi32, #tpu.memory_space<vmem>>
      %dma_wait3A_369 = tpu.memref_squeeze %dma_wait3A_368 : memref<1x128xi32, #tpu.memory_space<vmem>> -> memref<128xi32, #tpu.memory_space<vmem>>
      %dma_wait3A_370 = arith.constant 0 : i32
      %dma_wait3A_371 = arith.constant 0 : i32
      %dma_wait3A_372 = tpu.memref_slice %arg3[%dma_wait3A_370, %dma_wait3A_371] : memref<2600000x16xf32, #tpu.memory_space<hbm>> -> memref<2600000x16xf32, #tpu.memory_space<hbm>>
      tpu.wait_indirect_dma semaphore(%arg8 : memref<!tpu.dma_semaphore, #tpu.memory_space<semaphore_mem>>) src(%dma_wait3A_372 : memref<2600000x16xf32, #tpu.memory_space<hbm>>) dst(%dma_wait3A_366 : memref<128x16xf32, #tpu.memory_space<vmem>>)
      %dma_wait3A_373 = arith.constant 768 : i32
      %dma_wait3A_374 = arith.constant 0 : i32
      %dma_wait3A_375 = tpu.memref_slice %arg6[%dma_wait3A_373, %dma_wait3A_374] : memref<1024x16xf32, #tpu.memory_space<vmem>> -> memref<128x16xf32, #tpu.memory_space<vmem>>
      %dma_wait3A_376 = arith.constant 0 : i32
      %dma_wait3A_377 = tpu.memref_slice %arg5[%add3A_296, %dma_wait3A_376] : memref<104x128xi32, #tpu.memory_space<vmem>> -> memref<1x128xi32, #tpu.memory_space<vmem>>
      %dma_wait3A_378 = tpu.memref_squeeze %dma_wait3A_377 : memref<1x128xi32, #tpu.memory_space<vmem>> -> memref<128xi32, #tpu.memory_space<vmem>>
      %dma_wait3A_379 = arith.constant 0 : i32
      %dma_wait3A_380 = arith.constant 0 : i32
      %dma_wait3A_381 = tpu.memref_slice %arg3[%dma_wait3A_379, %dma_wait3A_380] : memref<2600000x16xf32, #tpu.memory_space<hbm>> -> memref<2600000x16xf32, #tpu.memory_space<hbm>>
      tpu.wait_indirect_dma semaphore(%arg8 : memref<!tpu.dma_semaphore, #tpu.memory_space<semaphore_mem>>) src(%dma_wait3A_381 : memref<2600000x16xf32, #tpu.memory_space<hbm>>) dst(%dma_wait3A_375 : memref<128x16xf32, #tpu.memory_space<vmem>>)
      %dma_wait3A_382 = arith.constant 896 : i32
      %dma_wait3A_383 = arith.constant 0 : i32
      %dma_wait3A_384 = tpu.memref_slice %arg6[%dma_wait3A_382, %dma_wait3A_383] : memref<1024x16xf32, #tpu.memory_space<vmem>> -> memref<128x16xf32, #tpu.memory_space<vmem>>
      %dma_wait3A_385 = arith.constant 0 : i32
      %dma_wait3A_386 = tpu.memref_slice %arg5[%add3A_309, %dma_wait3A_385] : memref<104x128xi32, #tpu.memory_space<vmem>> -> memref<1x128xi32, #tpu.memory_space<vmem>>
      %dma_wait3A_387 = tpu.memref_squeeze %dma_wait3A_386 : memref<1x128xi32, #tpu.memory_space<vmem>> -> memref<128xi32, #tpu.memory_space<vmem>>
      %dma_wait3A_388 = arith.constant 0 : i32
      %dma_wait3A_389 = arith.constant 0 : i32
      %dma_wait3A_390 = tpu.memref_slice %arg3[%dma_wait3A_388, %dma_wait3A_389] : memref<2600000x16xf32, #tpu.memory_space<hbm>> -> memref<2600000x16xf32, #tpu.memory_space<hbm>>
      tpu.wait_indirect_dma semaphore(%arg8 : memref<!tpu.dma_semaphore, #tpu.memory_space<semaphore_mem>>) src(%dma_wait3A_390 : memref<2600000x16xf32, #tpu.memory_space<hbm>>) dst(%dma_wait3A_384 : memref<128x16xf32, #tpu.memory_space<vmem>>)
      %mul3A_391 = arith.constant 13312 : i32
      %mul3A_392 = arith.muli %add3A, %mul3A_391 : i32
      %mul3A_393 = arith.constant 1024 : i32
      %mul3A_394 = arith.muli %mul3A_208, %mul3A_393 : i32
      %add3A_395 = arith.addi %mul3A_392, %mul3A_394 : i32
      %dma_start3A_396 = arith.constant 0 : i32
      %dma_start3A_397 = tpu.memref_slice %arg4[%add3A_395, %dma_start3A_396] : memref<425984x16xf32, #tpu.memory_space<hbm>> -> memref<1024x16xf32, #tpu.memory_space<hbm>>
      %dma_start3A_398 = arith.constant 0 : i32
      %dma_start3A_399 = tpu.memref_slice %arg4[%add3A_395, %dma_start3A_398] : memref<425984x16xf32, #tpu.memory_space<hbm>> -> memref<1024x16xf32, #tpu.memory_space<hbm>>
      tpu.enqueue_dma source(%arg6 : memref<1024x16xf32, #tpu.memory_space<vmem>>) target(%dma_start3A_399 : memref<1024x16xf32, #tpu.memory_space<hbm>>) target_semaphore(%arg9 : memref<!tpu.dma_semaphore, #tpu.memory_space<semaphore_mem>>)
      %dma_wait3A_400 = arith.constant 0 : i32
      %dma_wait3A_401 = arith.constant 0 : i32
      %dma_wait3A_402 = tpu.memref_slice %arg4[%dma_wait3A_400, %dma_wait3A_401] : memref<425984x16xf32, #tpu.memory_space<hbm>> -> memref<1024x16xf32, #tpu.memory_space<hbm>>
      %dma_wait3A_403 = arith.constant 0 : i32
      %dma_wait3A_404 = arith.constant 0 : i32
      %dma_wait3A_405 = tpu.memref_slice %arg4[%dma_wait3A_403, %dma_wait3A_404] : memref<425984x16xf32, #tpu.memory_space<hbm>> -> memref<1024x16xf32, #tpu.memory_space<hbm>>
      tpu.wait_dma2 semaphore(%arg10 : memref<!tpu.dma_semaphore, #tpu.memory_space<semaphore_mem>>) src(%arg7 : memref<1024x16xf32, #tpu.memory_space<vmem>>) dst(%dma_wait3A_405 : memref<1024x16xf32, #tpu.memory_space<hbm>>)
      %add3A_406 = arith.constant 1 : i32
      %add3A_407 = arith.addi %mul3A_208, %add3A_406 : i32
      %mul3A_408 = arith.constant 8 : i32
      %mul3A_409 = arith.muli %add3A_407, %mul3A_408 : i32
      %add3A_410 = arith.constant 0 : i32
      %add3A_411 = arith.addi %mul3A_409, %add3A_410 : i32
      %dma_start3A_412 = arith.constant 0 : i32
      %dma_start3A_413 = arith.constant 0 : i32
      %dma_start3A_414 = tpu.memref_slice %arg7[%dma_start3A_412, %dma_start3A_413] : memref<1024x16xf32, #tpu.memory_space<vmem>> -> memref<128x16xf32, #tpu.memory_space<vmem>>
      %dma_start3A_415 = arith.constant 0 : i32
      %dma_start3A_416 = tpu.memref_slice %arg5[%add3A_411, %dma_start3A_415] : memref<104x128xi32, #tpu.memory_space<vmem>> -> memref<1x128xi32, #tpu.memory_space<vmem>>
      %dma_start3A_417 = tpu.memref_squeeze %dma_start3A_416 : memref<1x128xi32, #tpu.memory_space<vmem>> -> memref<128xi32, #tpu.memory_space<vmem>>
      %dma_start3A_418 = arith.constant 0 : i32
      %dma_start3A_419 = arith.constant 0 : i32
      %dma_start3A_420 = tpu.memref_slice %arg3[%dma_start3A_418, %dma_start3A_419] : memref<2600000x16xf32, #tpu.memory_space<hbm>> -> memref<2600000x16xf32, #tpu.memory_space<hbm>>
      tpu.enqueue_indirect_dma source(%dma_start3A_420 : memref<2600000x16xf32, #tpu.memory_space<hbm>>) target(%dma_start3A_414 : memref<128x16xf32, #tpu.memory_space<vmem>>) offsets(%dma_start3A_417 : memref<128xi32, #tpu.memory_space<vmem>>) semaphore(%arg8 : memref<!tpu.dma_semaphore, #tpu.memory_space<semaphore_mem>>)
      %mul3A_421 = arith.constant 8 : i32
      %mul3A_422 = arith.muli %add3A_407, %mul3A_421 : i32
      %add3A_423 = arith.constant 1 : i32
      %add3A_424 = arith.addi %mul3A_422, %add3A_423 : i32
      %dma_start3A_425 = arith.constant 128 : i32
      %dma_start3A_426 = arith.constant 0 : i32
      %dma_start3A_427 = tpu.memref_slice %arg7[%dma_start3A_425, %dma_start3A_426] : memref<1024x16xf32, #tpu.memory_space<vmem>> -> memref<128x16xf32, #tpu.memory_space<vmem>>
      %dma_start3A_428 = arith.constant 0 : i32
      %dma_start3A_429 = tpu.memref_slice %arg5[%add3A_424, %dma_start3A_428] : memref<104x128xi32, #tpu.memory_space<vmem>> -> memref<1x128xi32, #tpu.memory_space<vmem>>
      %dma_start3A_430 = tpu.memref_squeeze %dma_start3A_429 : memref<1x128xi32, #tpu.memory_space<vmem>> -> memref<128xi32, #tpu.memory_space<vmem>>
      %dma_start3A_431 = arith.constant 0 : i32
      %dma_start3A_432 = arith.constant 0 : i32
      %dma_start3A_433 = tpu.memref_slice %arg3[%dma_start3A_431, %dma_start3A_432] : memref<2600000x16xf32, #tpu.memory_space<hbm>> -> memref<2600000x16xf32, #tpu.memory_space<hbm>>
      tpu.enqueue_indirect_dma source(%dma_start3A_433 : memref<2600000x16xf32, #tpu.memory_space<hbm>>) target(%dma_start3A_427 : memref<128x16xf32, #tpu.memory_space<vmem>>) offsets(%dma_start3A_430 : memref<128xi32, #tpu.memory_space<vmem>>) semaphore(%arg8 : memref<!tpu.dma_semaphore, #tpu.memory_space<semaphore_mem>>)
      %mul3A_434 = arith.constant 8 : i32
      %mul3A_435 = arith.muli %add3A_407, %mul3A_434 : i32
      %add3A_436 = arith.constant 2 : i32
      %add3A_437 = arith.addi %mul3A_435, %add3A_436 : i32
      %dma_start3A_438 = arith.constant 256 : i32
      %dma_start3A_439 = arith.constant 0 : i32
      %dma_start3A_440 = tpu.memref_slice %arg7[%dma_start3A_438, %dma_start3A_439] : memref<1024x16xf32, #tpu.memory_space<vmem>> -> memref<128x16xf32, #tpu.memory_space<vmem>>
      %dma_start3A_441 = arith.constant 0 : i32
      %dma_start3A_442 = tpu.memref_slice %arg5[%add3A_437, %dma_start3A_441] : memref<104x128xi32, #tpu.memory_space<vmem>> -> memref<1x128xi32, #tpu.memory_space<vmem>>
      %dma_start3A_443 = tpu.memref_squeeze %dma_start3A_442 : memref<1x128xi32, #tpu.memory_space<vmem>> -> memref<128xi32, #tpu.memory_space<vmem>>
      %dma_start3A_444 = arith.constant 0 : i32
      %dma_start3A_445 = arith.constant 0 : i32
      %dma_start3A_446 = tpu.memref_slice %arg3[%dma_start3A_444, %dma_start3A_445] : memref<2600000x16xf32, #tpu.memory_space<hbm>> -> memref<2600000x16xf32, #tpu.memory_space<hbm>>
      tpu.enqueue_indirect_dma source(%dma_start3A_446 : memref<2600000x16xf32, #tpu.memory_space<hbm>>) target(%dma_start3A_440 : memref<128x16xf32, #tpu.memory_space<vmem>>) offsets(%dma_start3A_443 : memref<128xi32, #tpu.memory_space<vmem>>) semaphore(%arg8 : memref<!tpu.dma_semaphore, #tpu.memory_space<semaphore_mem>>)
      %mul3A_447 = arith.constant 8 : i32
      %mul3A_448 = arith.muli %add3A_407, %mul3A_447 : i32
      %add3A_449 = arith.constant 3 : i32
      %add3A_450 = arith.addi %mul3A_448, %add3A_449 : i32
      %dma_start3A_451 = arith.constant 384 : i32
      %dma_start3A_452 = arith.constant 0 : i32
      %dma_start3A_453 = tpu.memref_slice %arg7[%dma_start3A_451, %dma_start3A_452] : memref<1024x16xf32, #tpu.memory_space<vmem>> -> memref<128x16xf32, #tpu.memory_space<vmem>>
      %dma_start3A_454 = arith.constant 0 : i32
      %dma_start3A_455 = tpu.memref_slice %arg5[%add3A_450, %dma_start3A_454] : memref<104x128xi32, #tpu.memory_space<vmem>> -> memref<1x128xi32, #tpu.memory_space<vmem>>
      %dma_start3A_456 = tpu.memref_squeeze %dma_start3A_455 : memref<1x128xi32, #tpu.memory_space<vmem>> -> memref<128xi32, #tpu.memory_space<vmem>>
      %dma_start3A_457 = arith.constant 0 : i32
      %dma_start3A_458 = arith.constant 0 : i32
      %dma_start3A_459 = tpu.memref_slice %arg3[%dma_start3A_457, %dma_start3A_458] : memref<2600000x16xf32, #tpu.memory_space<hbm>> -> memref<2600000x16xf32, #tpu.memory_space<hbm>>
      tpu.enqueue_indirect_dma source(%dma_start3A_459 : memref<2600000x16xf32, #tpu.memory_space<hbm>>) target(%dma_start3A_453 : memref<128x16xf32, #tpu.memory_space<vmem>>) offsets(%dma_start3A_456 : memref<128xi32, #tpu.memory_space<vmem>>) semaphore(%arg8 : memref<!tpu.dma_semaphore, #tpu.memory_space<semaphore_mem>>)
      %mul3A_460 = arith.constant 8 : i32
      %mul3A_461 = arith.muli %add3A_407, %mul3A_460 : i32
      %add3A_462 = arith.constant 4 : i32
      %add3A_463 = arith.addi %mul3A_461, %add3A_462 : i32
      %dma_start3A_464 = arith.constant 512 : i32
      %dma_start3A_465 = arith.constant 0 : i32
      %dma_start3A_466 = tpu.memref_slice %arg7[%dma_start3A_464, %dma_start3A_465] : memref<1024x16xf32, #tpu.memory_space<vmem>> -> memref<128x16xf32, #tpu.memory_space<vmem>>
      %dma_start3A_467 = arith.constant 0 : i32
      %dma_start3A_468 = tpu.memref_slice %arg5[%add3A_463, %dma_start3A_467] : memref<104x128xi32, #tpu.memory_space<vmem>> -> memref<1x128xi32, #tpu.memory_space<vmem>>
      %dma_start3A_469 = tpu.memref_squeeze %dma_start3A_468 : memref<1x128xi32, #tpu.memory_space<vmem>> -> memref<128xi32, #tpu.memory_space<vmem>>
      %dma_start3A_470 = arith.constant 0 : i32
      %dma_start3A_471 = arith.constant 0 : i32
      %dma_start3A_472 = tpu.memref_slice %arg3[%dma_start3A_470, %dma_start3A_471] : memref<2600000x16xf32, #tpu.memory_space<hbm>> -> memref<2600000x16xf32, #tpu.memory_space<hbm>>
      tpu.enqueue_indirect_dma source(%dma_start3A_472 : memref<2600000x16xf32, #tpu.memory_space<hbm>>) target(%dma_start3A_466 : memref<128x16xf32, #tpu.memory_space<vmem>>) offsets(%dma_start3A_469 : memref<128xi32, #tpu.memory_space<vmem>>) semaphore(%arg8 : memref<!tpu.dma_semaphore, #tpu.memory_space<semaphore_mem>>)
      %mul3A_473 = arith.constant 8 : i32
      %mul3A_474 = arith.muli %add3A_407, %mul3A_473 : i32
      %add3A_475 = arith.constant 5 : i32
      %add3A_476 = arith.addi %mul3A_474, %add3A_475 : i32
      %dma_start3A_477 = arith.constant 640 : i32
      %dma_start3A_478 = arith.constant 0 : i32
      %dma_start3A_479 = tpu.memref_slice %arg7[%dma_start3A_477, %dma_start3A_478] : memref<1024x16xf32, #tpu.memory_space<vmem>> -> memref<128x16xf32, #tpu.memory_space<vmem>>
      %dma_start3A_480 = arith.constant 0 : i32
      %dma_start3A_481 = tpu.memref_slice %arg5[%add3A_476, %dma_start3A_480] : memref<104x128xi32, #tpu.memory_space<vmem>> -> memref<1x128xi32, #tpu.memory_space<vmem>>
      %dma_start3A_482 = tpu.memref_squeeze %dma_start3A_481 : memref<1x128xi32, #tpu.memory_space<vmem>> -> memref<128xi32, #tpu.memory_space<vmem>>
      %dma_start3A_483 = arith.constant 0 : i32
      %dma_start3A_484 = arith.constant 0 : i32
      %dma_start3A_485 = tpu.memref_slice %arg3[%dma_start3A_483, %dma_start3A_484] : memref<2600000x16xf32, #tpu.memory_space<hbm>> -> memref<2600000x16xf32, #tpu.memory_space<hbm>>
      tpu.enqueue_indirect_dma source(%dma_start3A_485 : memref<2600000x16xf32, #tpu.memory_space<hbm>>) target(%dma_start3A_479 : memref<128x16xf32, #tpu.memory_space<vmem>>) offsets(%dma_start3A_482 : memref<128xi32, #tpu.memory_space<vmem>>) semaphore(%arg8 : memref<!tpu.dma_semaphore, #tpu.memory_space<semaphore_mem>>)
      %mul3A_486 = arith.constant 8 : i32
      %mul3A_487 = arith.muli %add3A_407, %mul3A_486 : i32
      %add3A_488 = arith.constant 6 : i32
      %add3A_489 = arith.addi %mul3A_487, %add3A_488 : i32
      %dma_start3A_490 = arith.constant 768 : i32
      %dma_start3A_491 = arith.constant 0 : i32
      %dma_start3A_492 = tpu.memref_slice %arg7[%dma_start3A_490, %dma_start3A_491] : memref<1024x16xf32, #tpu.memory_space<vmem>> -> memref<128x16xf32, #tpu.memory_space<vmem>>
      %dma_start3A_493 = arith.constant 0 : i32
      %dma_start3A_494 = tpu.memref_slice %arg5[%add3A_489, %dma_start3A_493] : memref<104x128xi32, #tpu.memory_space<vmem>> -> memref<1x128xi32, #tpu.memory_space<vmem>>
      %dma_start3A_495 = tpu.memref_squeeze %dma_start3A_494 : memref<1x128xi32, #tpu.memory_space<vmem>> -> memref<128xi32, #tpu.memory_space<vmem>>
      %dma_start3A_496 = arith.constant 0 : i32
      %dma_start3A_497 = arith.constant 0 : i32
      %dma_start3A_498 = tpu.memref_slice %arg3[%dma_start3A_496, %dma_start3A_497] : memref<2600000x16xf32, #tpu.memory_space<hbm>> -> memref<2600000x16xf32, #tpu.memory_space<hbm>>
      tpu.enqueue_indirect_dma source(%dma_start3A_498 : memref<2600000x16xf32, #tpu.memory_space<hbm>>) target(%dma_start3A_492 : memref<128x16xf32, #tpu.memory_space<vmem>>) offsets(%dma_start3A_495 : memref<128xi32, #tpu.memory_space<vmem>>) semaphore(%arg8 : memref<!tpu.dma_semaphore, #tpu.memory_space<semaphore_mem>>)
      %mul3A_499 = arith.constant 8 : i32
      %mul3A_500 = arith.muli %add3A_407, %mul3A_499 : i32
      %add3A_501 = arith.constant 7 : i32
      %add3A_502 = arith.addi %mul3A_500, %add3A_501 : i32
      %dma_start3A_503 = arith.constant 896 : i32
      %dma_start3A_504 = arith.constant 0 : i32
      %dma_start3A_505 = tpu.memref_slice %arg7[%dma_start3A_503, %dma_start3A_504] : memref<1024x16xf32, #tpu.memory_space<vmem>> -> memref<128x16xf32, #tpu.memory_space<vmem>>
      %dma_start3A_506 = arith.constant 0 : i32
      %dma_start3A_507 = tpu.memref_slice %arg5[%add3A_502, %dma_start3A_506] : memref<104x128xi32, #tpu.memory_space<vmem>> -> memref<1x128xi32, #tpu.memory_space<vmem>>
      %dma_start3A_508 = tpu.memref_squeeze %dma_start3A_507 : memref<1x128xi32, #tpu.memory_space<vmem>> -> memref<128xi32, #tpu.memory_space<vmem>>
      %dma_start3A_509 = arith.constant 0 : i32
      %dma_start3A_510 = arith.constant 0 : i32
      %dma_start3A_511 = tpu.memref_slice %arg3[%dma_start3A_509, %dma_start3A_510] : memref<2600000x16xf32, #tpu.memory_space<hbm>> -> memref<2600000x16xf32, #tpu.memory_space<hbm>>
      tpu.enqueue_indirect_dma source(%dma_start3A_511 : memref<2600000x16xf32, #tpu.memory_space<hbm>>) target(%dma_start3A_505 : memref<128x16xf32, #tpu.memory_space<vmem>>) offsets(%dma_start3A_508 : memref<128xi32, #tpu.memory_space<vmem>>) semaphore(%arg8 : memref<!tpu.dma_semaphore, #tpu.memory_space<semaphore_mem>>)
      %dma_wait3A_512 = arith.constant 0 : i32
      %dma_wait3A_513 = arith.constant 0 : i32
      %dma_wait3A_514 = tpu.memref_slice %arg7[%dma_wait3A_512, %dma_wait3A_513] : memref<1024x16xf32, #tpu.memory_space<vmem>> -> memref<128x16xf32, #tpu.memory_space<vmem>>
      %dma_wait3A_515 = arith.constant 0 : i32
      %dma_wait3A_516 = tpu.memref_slice %arg5[%add3A_411, %dma_wait3A_515] : memref<104x128xi32, #tpu.memory_space<vmem>> -> memref<1x128xi32, #tpu.memory_space<vmem>>
      %dma_wait3A_517 = tpu.memref_squeeze %dma_wait3A_516 : memref<1x128xi32, #tpu.memory_space<vmem>> -> memref<128xi32, #tpu.memory_space<vmem>>
      %dma_wait3A_518 = arith.constant 0 : i32
      %dma_wait3A_519 = arith.constant 0 : i32
      %dma_wait3A_520 = tpu.memref_slice %arg3[%dma_wait3A_518, %dma_wait3A_519] : memref<2600000x16xf32, #tpu.memory_space<hbm>> -> memref<2600000x16xf32, #tpu.memory_space<hbm>>
      tpu.wait_indirect_dma semaphore(%arg8 : memref<!tpu.dma_semaphore, #tpu.memory_space<semaphore_mem>>) src(%dma_wait3A_520 : memref<2600000x16xf32, #tpu.memory_space<hbm>>) dst(%dma_wait3A_514 : memref<128x16xf32, #tpu.memory_space<vmem>>)
      %dma_wait3A_521 = arith.constant 128 : i32
      %dma_wait3A_522 = arith.constant 0 : i32
      %dma_wait3A_523 = tpu.memref_slice %arg7[%dma_wait3A_521, %dma_wait3A_522] : memref<1024x16xf32, #tpu.memory_space<vmem>> -> memref<128x16xf32, #tpu.memory_space<vmem>>
      %dma_wait3A_524 = arith.constant 0 : i32
      %dma_wait3A_525 = tpu.memref_slice %arg5[%add3A_424, %dma_wait3A_524] : memref<104x128xi32, #tpu.memory_space<vmem>> -> memref<1x128xi32, #tpu.memory_space<vmem>>
      %dma_wait3A_526 = tpu.memref_squeeze %dma_wait3A_525 : memref<1x128xi32, #tpu.memory_space<vmem>> -> memref<128xi32, #tpu.memory_space<vmem>>
      %dma_wait3A_527 = arith.constant 0 : i32
      %dma_wait3A_528 = arith.constant 0 : i32
      %dma_wait3A_529 = tpu.memref_slice %arg3[%dma_wait3A_527, %dma_wait3A_528] : memref<2600000x16xf32, #tpu.memory_space<hbm>> -> memref<2600000x16xf32, #tpu.memory_space<hbm>>
      tpu.wait_indirect_dma semaphore(%arg8 : memref<!tpu.dma_semaphore, #tpu.memory_space<semaphore_mem>>) src(%dma_wait3A_529 : memref<2600000x16xf32, #tpu.memory_space<hbm>>) dst(%dma_wait3A_523 : memref<128x16xf32, #tpu.memory_space<vmem>>)
      %dma_wait3A_530 = arith.constant 256 : i32
      %dma_wait3A_531 = arith.constant 0 : i32
      %dma_wait3A_532 = tpu.memref_slice %arg7[%dma_wait3A_530, %dma_wait3A_531] : memref<1024x16xf32, #tpu.memory_space<vmem>> -> memref<128x16xf32, #tpu.memory_space<vmem>>
      %dma_wait3A_533 = arith.constant 0 : i32
      %dma_wait3A_534 = tpu.memref_slice %arg5[%add3A_437, %dma_wait3A_533] : memref<104x128xi32, #tpu.memory_space<vmem>> -> memref<1x128xi32, #tpu.memory_space<vmem>>
      %dma_wait3A_535 = tpu.memref_squeeze %dma_wait3A_534 : memref<1x128xi32, #tpu.memory_space<vmem>> -> memref<128xi32, #tpu.memory_space<vmem>>
      %dma_wait3A_536 = arith.constant 0 : i32
      %dma_wait3A_537 = arith.constant 0 : i32
      %dma_wait3A_538 = tpu.memref_slice %arg3[%dma_wait3A_536, %dma_wait3A_537] : memref<2600000x16xf32, #tpu.memory_space<hbm>> -> memref<2600000x16xf32, #tpu.memory_space<hbm>>
      tpu.wait_indirect_dma semaphore(%arg8 : memref<!tpu.dma_semaphore, #tpu.memory_space<semaphore_mem>>) src(%dma_wait3A_538 : memref<2600000x16xf32, #tpu.memory_space<hbm>>) dst(%dma_wait3A_532 : memref<128x16xf32, #tpu.memory_space<vmem>>)
      %dma_wait3A_539 = arith.constant 384 : i32
      %dma_wait3A_540 = arith.constant 0 : i32
      %dma_wait3A_541 = tpu.memref_slice %arg7[%dma_wait3A_539, %dma_wait3A_540] : memref<1024x16xf32, #tpu.memory_space<vmem>> -> memref<128x16xf32, #tpu.memory_space<vmem>>
      %dma_wait3A_542 = arith.constant 0 : i32
      %dma_wait3A_543 = tpu.memref_slice %arg5[%add3A_450, %dma_wait3A_542] : memref<104x128xi32, #tpu.memory_space<vmem>> -> memref<1x128xi32, #tpu.memory_space<vmem>>
      %dma_wait3A_544 = tpu.memref_squeeze %dma_wait3A_543 : memref<1x128xi32, #tpu.memory_space<vmem>> -> memref<128xi32, #tpu.memory_space<vmem>>
      %dma_wait3A_545 = arith.constant 0 : i32
      %dma_wait3A_546 = arith.constant 0 : i32
      %dma_wait3A_547 = tpu.memref_slice %arg3[%dma_wait3A_545, %dma_wait3A_546] : memref<2600000x16xf32, #tpu.memory_space<hbm>> -> memref<2600000x16xf32, #tpu.memory_space<hbm>>
      tpu.wait_indirect_dma semaphore(%arg8 : memref<!tpu.dma_semaphore, #tpu.memory_space<semaphore_mem>>) src(%dma_wait3A_547 : memref<2600000x16xf32, #tpu.memory_space<hbm>>) dst(%dma_wait3A_541 : memref<128x16xf32, #tpu.memory_space<vmem>>)
      %dma_wait3A_548 = arith.constant 512 : i32
      %dma_wait3A_549 = arith.constant 0 : i32
      %dma_wait3A_550 = tpu.memref_slice %arg7[%dma_wait3A_548, %dma_wait3A_549] : memref<1024x16xf32, #tpu.memory_space<vmem>> -> memref<128x16xf32, #tpu.memory_space<vmem>>
      %dma_wait3A_551 = arith.constant 0 : i32
      %dma_wait3A_552 = tpu.memref_slice %arg5[%add3A_463, %dma_wait3A_551] : memref<104x128xi32, #tpu.memory_space<vmem>> -> memref<1x128xi32, #tpu.memory_space<vmem>>
      %dma_wait3A_553 = tpu.memref_squeeze %dma_wait3A_552 : memref<1x128xi32, #tpu.memory_space<vmem>> -> memref<128xi32, #tpu.memory_space<vmem>>
      %dma_wait3A_554 = arith.constant 0 : i32
      %dma_wait3A_555 = arith.constant 0 : i32
      %dma_wait3A_556 = tpu.memref_slice %arg3[%dma_wait3A_554, %dma_wait3A_555] : memref<2600000x16xf32, #tpu.memory_space<hbm>> -> memref<2600000x16xf32, #tpu.memory_space<hbm>>
      tpu.wait_indirect_dma semaphore(%arg8 : memref<!tpu.dma_semaphore, #tpu.memory_space<semaphore_mem>>) src(%dma_wait3A_556 : memref<2600000x16xf32, #tpu.memory_space<hbm>>) dst(%dma_wait3A_550 : memref<128x16xf32, #tpu.memory_space<vmem>>)
      %dma_wait3A_557 = arith.constant 640 : i32
      %dma_wait3A_558 = arith.constant 0 : i32
      %dma_wait3A_559 = tpu.memref_slice %arg7[%dma_wait3A_557, %dma_wait3A_558] : memref<1024x16xf32, #tpu.memory_space<vmem>> -> memref<128x16xf32, #tpu.memory_space<vmem>>
      %dma_wait3A_560 = arith.constant 0 : i32
      %dma_wait3A_561 = tpu.memref_slice %arg5[%add3A_476, %dma_wait3A_560] : memref<104x128xi32, #tpu.memory_space<vmem>> -> memref<1x128xi32, #tpu.memory_space<vmem>>
      %dma_wait3A_562 = tpu.memref_squeeze %dma_wait3A_561 : memref<1x128xi32, #tpu.memory_space<vmem>> -> memref<128xi32, #tpu.memory_space<vmem>>
      %dma_wait3A_563 = arith.constant 0 : i32
      %dma_wait3A_564 = arith.constant 0 : i32
      %dma_wait3A_565 = tpu.memref_slice %arg3[%dma_wait3A_563, %dma_wait3A_564] : memref<2600000x16xf32, #tpu.memory_space<hbm>> -> memref<2600000x16xf32, #tpu.memory_space<hbm>>
      tpu.wait_indirect_dma semaphore(%arg8 : memref<!tpu.dma_semaphore, #tpu.memory_space<semaphore_mem>>) src(%dma_wait3A_565 : memref<2600000x16xf32, #tpu.memory_space<hbm>>) dst(%dma_wait3A_559 : memref<128x16xf32, #tpu.memory_space<vmem>>)
      %dma_wait3A_566 = arith.constant 768 : i32
      %dma_wait3A_567 = arith.constant 0 : i32
      %dma_wait3A_568 = tpu.memref_slice %arg7[%dma_wait3A_566, %dma_wait3A_567] : memref<1024x16xf32, #tpu.memory_space<vmem>> -> memref<128x16xf32, #tpu.memory_space<vmem>>
      %dma_wait3A_569 = arith.constant 0 : i32
      %dma_wait3A_570 = tpu.memref_slice %arg5[%add3A_489, %dma_wait3A_569] : memref<104x128xi32, #tpu.memory_space<vmem>> -> memref<1x128xi32, #tpu.memory_space<vmem>>
      %dma_wait3A_571 = tpu.memref_squeeze %dma_wait3A_570 : memref<1x128xi32, #tpu.memory_space<vmem>> -> memref<128xi32, #tpu.memory_space<vmem>>
      %dma_wait3A_572 = arith.constant 0 : i32
      %dma_wait3A_573 = arith.constant 0 : i32
      %dma_wait3A_574 = tpu.memref_slice %arg3[%dma_wait3A_572, %dma_wait3A_573] : memref<2600000x16xf32, #tpu.memory_space<hbm>> -> memref<2600000x16xf32, #tpu.memory_space<hbm>>
      tpu.wait_indirect_dma semaphore(%arg8 : memref<!tpu.dma_semaphore, #tpu.memory_space<semaphore_mem>>) src(%dma_wait3A_574 : memref<2600000x16xf32, #tpu.memory_space<hbm>>) dst(%dma_wait3A_568 : memref<128x16xf32, #tpu.memory_space<vmem>>)
      %dma_wait3A_575 = arith.constant 896 : i32
      %dma_wait3A_576 = arith.constant 0 : i32
      %dma_wait3A_577 = tpu.memref_slice %arg7[%dma_wait3A_575, %dma_wait3A_576] : memref<1024x16xf32, #tpu.memory_space<vmem>> -> memref<128x16xf32, #tpu.memory_space<vmem>>
      %dma_wait3A_578 = arith.constant 0 : i32
      %dma_wait3A_579 = tpu.memref_slice %arg5[%add3A_502, %dma_wait3A_578] : memref<104x128xi32, #tpu.memory_space<vmem>> -> memref<1x128xi32, #tpu.memory_space<vmem>>
      %dma_wait3A_580 = tpu.memref_squeeze %dma_wait3A_579 : memref<1x128xi32, #tpu.memory_space<vmem>> -> memref<128xi32, #tpu.memory_space<vmem>>
      %dma_wait3A_581 = arith.constant 0 : i32
      %dma_wait3A_582 = arith.constant 0 : i32
      %dma_wait3A_583 = tpu.memref_slice %arg3[%dma_wait3A_581, %dma_wait3A_582] : memref<2600000x16xf32, #tpu.memory_space<hbm>> -> memref<2600000x16xf32, #tpu.memory_space<hbm>>
      tpu.wait_indirect_dma semaphore(%arg8 : memref<!tpu.dma_semaphore, #tpu.memory_space<semaphore_mem>>) src(%dma_wait3A_583 : memref<2600000x16xf32, #tpu.memory_space<hbm>>) dst(%dma_wait3A_577 : memref<128x16xf32, #tpu.memory_space<vmem>>)
      %add3A_584 = arith.constant 1 : i32
      %add3A_585 = arith.addi %mul3A_208, %add3A_584 : i32
      %mul3A_586 = arith.constant 13312 : i32
      %mul3A_587 = arith.muli %add3A, %mul3A_586 : i32
      %mul3A_588 = arith.constant 1024 : i32
      %mul3A_589 = arith.muli %add3A_585, %mul3A_588 : i32
      %add3A_590 = arith.addi %mul3A_587, %mul3A_589 : i32
      %dma_start3A_591 = arith.constant 0 : i32
      %dma_start3A_592 = tpu.memref_slice %arg4[%add3A_590, %dma_start3A_591] : memref<425984x16xf32, #tpu.memory_space<hbm>> -> memref<1024x16xf32, #tpu.memory_space<hbm>>
      %dma_start3A_593 = arith.constant 0 : i32
      %dma_start3A_594 = tpu.memref_slice %arg4[%add3A_590, %dma_start3A_593] : memref<425984x16xf32, #tpu.memory_space<hbm>> -> memref<1024x16xf32, #tpu.memory_space<hbm>>
      tpu.enqueue_dma source(%arg7 : memref<1024x16xf32, #tpu.memory_space<vmem>>) target(%dma_start3A_594 : memref<1024x16xf32, #tpu.memory_space<hbm>>) target_semaphore(%arg10 : memref<!tpu.dma_semaphore, #tpu.memory_space<semaphore_mem>>)
    }
    %scan3A_20 = arith.constant 6 : i32
    %dma_wait3A = arith.constant 0 : i32
    %dma_wait3A_21 = arith.constant 0 : i32
    %dma_wait3A_22 = tpu.memref_slice %arg4[%dma_wait3A, %dma_wait3A_21] : memref<425984x16xf32, #tpu.memory_space<hbm>> -> memref<1024x16xf32, #tpu.memory_space<hbm>>
    %dma_wait3A_23 = arith.constant 0 : i32
    %dma_wait3A_24 = arith.constant 0 : i32
    %dma_wait3A_25 = tpu.memref_slice %arg4[%dma_wait3A_23, %dma_wait3A_24] : memref<425984x16xf32, #tpu.memory_space<hbm>> -> memref<1024x16xf32, #tpu.memory_space<hbm>>
    tpu.wait_dma2 semaphore(%arg9 : memref<!tpu.dma_semaphore, #tpu.memory_space<semaphore_mem>>) src(%arg6 : memref<1024x16xf32, #tpu.memory_space<vmem>>) dst(%dma_wait3A_25 : memref<1024x16xf32, #tpu.memory_space<hbm>>)
    %dma_start3A_26 = arith.constant 96 : i32
    %dma_start3A_27 = arith.constant 0 : i32
    %dma_start3A_28 = arith.constant 0 : i32
    %dma_start3A_29 = tpu.memref_slice %arg6[%dma_start3A_27, %dma_start3A_28] : memref<1024x16xf32, #tpu.memory_space<vmem>> -> memref<128x16xf32, #tpu.memory_space<vmem>>
    %dma_start3A_30 = arith.constant 0 : i32
    %dma_start3A_31 = tpu.memref_slice %arg5[%dma_start3A_26, %dma_start3A_30] : memref<104x128xi32, #tpu.memory_space<vmem>> -> memref<1x128xi32, #tpu.memory_space<vmem>>
    %dma_start3A_32 = tpu.memref_squeeze %dma_start3A_31 : memref<1x128xi32, #tpu.memory_space<vmem>> -> memref<128xi32, #tpu.memory_space<vmem>>
    %dma_start3A_33 = arith.constant 0 : i32
    %dma_start3A_34 = arith.constant 0 : i32
    %dma_start3A_35 = tpu.memref_slice %arg3[%dma_start3A_33, %dma_start3A_34] : memref<2600000x16xf32, #tpu.memory_space<hbm>> -> memref<2600000x16xf32, #tpu.memory_space<hbm>>
    tpu.enqueue_indirect_dma source(%dma_start3A_35 : memref<2600000x16xf32, #tpu.memory_space<hbm>>) target(%dma_start3A_29 : memref<128x16xf32, #tpu.memory_space<vmem>>) offsets(%dma_start3A_32 : memref<128xi32, #tpu.memory_space<vmem>>) semaphore(%arg8 : memref<!tpu.dma_semaphore, #tpu.memory_space<semaphore_mem>>)
    %dma_start3A_36 = arith.constant 97 : i32
    %dma_start3A_37 = arith.constant 128 : i32
    %dma_start3A_38 = arith.constant 0 : i32
    %dma_start3A_39 = tpu.memref_slice %arg6[%dma_start3A_37, %dma_start3A_38] : memref<1024x16xf32, #tpu.memory_space<vmem>> -> memref<128x16xf32, #tpu.memory_space<vmem>>
    %dma_start3A_40 = arith.constant 0 : i32
    %dma_start3A_41 = tpu.memref_slice %arg5[%dma_start3A_36, %dma_start3A_40] : memref<104x128xi32, #tpu.memory_space<vmem>> -> memref<1x128xi32, #tpu.memory_space<vmem>>
    %dma_start3A_42 = tpu.memref_squeeze %dma_start3A_41 : memref<1x128xi32, #tpu.memory_space<vmem>> -> memref<128xi32, #tpu.memory_space<vmem>>
    %dma_start3A_43 = arith.constant 0 : i32
    %dma_start3A_44 = arith.constant 0 : i32
    %dma_start3A_45 = tpu.memref_slice %arg3[%dma_start3A_43, %dma_start3A_44] : memref<2600000x16xf32, #tpu.memory_space<hbm>> -> memref<2600000x16xf32, #tpu.memory_space<hbm>>
    tpu.enqueue_indirect_dma source(%dma_start3A_45 : memref<2600000x16xf32, #tpu.memory_space<hbm>>) target(%dma_start3A_39 : memref<128x16xf32, #tpu.memory_space<vmem>>) offsets(%dma_start3A_42 : memref<128xi32, #tpu.memory_space<vmem>>) semaphore(%arg8 : memref<!tpu.dma_semaphore, #tpu.memory_space<semaphore_mem>>)
    %dma_start3A_46 = arith.constant 98 : i32
    %dma_start3A_47 = arith.constant 256 : i32
    %dma_start3A_48 = arith.constant 0 : i32
    %dma_start3A_49 = tpu.memref_slice %arg6[%dma_start3A_47, %dma_start3A_48] : memref<1024x16xf32, #tpu.memory_space<vmem>> -> memref<128x16xf32, #tpu.memory_space<vmem>>
    %dma_start3A_50 = arith.constant 0 : i32
    %dma_start3A_51 = tpu.memref_slice %arg5[%dma_start3A_46, %dma_start3A_50] : memref<104x128xi32, #tpu.memory_space<vmem>> -> memref<1x128xi32, #tpu.memory_space<vmem>>
    %dma_start3A_52 = tpu.memref_squeeze %dma_start3A_51 : memref<1x128xi32, #tpu.memory_space<vmem>> -> memref<128xi32, #tpu.memory_space<vmem>>
    %dma_start3A_53 = arith.constant 0 : i32
    %dma_start3A_54 = arith.constant 0 : i32
    %dma_start3A_55 = tpu.memref_slice %arg3[%dma_start3A_53, %dma_start3A_54] : memref<2600000x16xf32, #tpu.memory_space<hbm>> -> memref<2600000x16xf32, #tpu.memory_space<hbm>>
    tpu.enqueue_indirect_dma source(%dma_start3A_55 : memref<2600000x16xf32, #tpu.memory_space<hbm>>) target(%dma_start3A_49 : memref<128x16xf32, #tpu.memory_space<vmem>>) offsets(%dma_start3A_52 : memref<128xi32, #tpu.memory_space<vmem>>) semaphore(%arg8 : memref<!tpu.dma_semaphore, #tpu.memory_space<semaphore_mem>>)
    %dma_start3A_56 = arith.constant 99 : i32
    %dma_start3A_57 = arith.constant 384 : i32
    %dma_start3A_58 = arith.constant 0 : i32
    %dma_start3A_59 = tpu.memref_slice %arg6[%dma_start3A_57, %dma_start3A_58] : memref<1024x16xf32, #tpu.memory_space<vmem>> -> memref<128x16xf32, #tpu.memory_space<vmem>>
    %dma_start3A_60 = arith.constant 0 : i32
    %dma_start3A_61 = tpu.memref_slice %arg5[%dma_start3A_56, %dma_start3A_60] : memref<104x128xi32, #tpu.memory_space<vmem>> -> memref<1x128xi32, #tpu.memory_space<vmem>>
    %dma_start3A_62 = tpu.memref_squeeze %dma_start3A_61 : memref<1x128xi32, #tpu.memory_space<vmem>> -> memref<128xi32, #tpu.memory_space<vmem>>
    %dma_start3A_63 = arith.constant 0 : i32
    %dma_start3A_64 = arith.constant 0 : i32
    %dma_start3A_65 = tpu.memref_slice %arg3[%dma_start3A_63, %dma_start3A_64] : memref<2600000x16xf32, #tpu.memory_space<hbm>> -> memref<2600000x16xf32, #tpu.memory_space<hbm>>
    tpu.enqueue_indirect_dma source(%dma_start3A_65 : memref<2600000x16xf32, #tpu.memory_space<hbm>>) target(%dma_start3A_59 : memref<128x16xf32, #tpu.memory_space<vmem>>) offsets(%dma_start3A_62 : memref<128xi32, #tpu.memory_space<vmem>>) semaphore(%arg8 : memref<!tpu.dma_semaphore, #tpu.memory_space<semaphore_mem>>)
    %dma_start3A_66 = arith.constant 100 : i32
    %dma_start3A_67 = arith.constant 512 : i32
    %dma_start3A_68 = arith.constant 0 : i32
    %dma_start3A_69 = tpu.memref_slice %arg6[%dma_start3A_67, %dma_start3A_68] : memref<1024x16xf32, #tpu.memory_space<vmem>> -> memref<128x16xf32, #tpu.memory_space<vmem>>
    %dma_start3A_70 = arith.constant 0 : i32
    %dma_start3A_71 = tpu.memref_slice %arg5[%dma_start3A_66, %dma_start3A_70] : memref<104x128xi32, #tpu.memory_space<vmem>> -> memref<1x128xi32, #tpu.memory_space<vmem>>
    %dma_start3A_72 = tpu.memref_squeeze %dma_start3A_71 : memref<1x128xi32, #tpu.memory_space<vmem>> -> memref<128xi32, #tpu.memory_space<vmem>>
    %dma_start3A_73 = arith.constant 0 : i32
    %dma_start3A_74 = arith.constant 0 : i32
    %dma_start3A_75 = tpu.memref_slice %arg3[%dma_start3A_73, %dma_start3A_74] : memref<2600000x16xf32, #tpu.memory_space<hbm>> -> memref<2600000x16xf32, #tpu.memory_space<hbm>>
    tpu.enqueue_indirect_dma source(%dma_start3A_75 : memref<2600000x16xf32, #tpu.memory_space<hbm>>) target(%dma_start3A_69 : memref<128x16xf32, #tpu.memory_space<vmem>>) offsets(%dma_start3A_72 : memref<128xi32, #tpu.memory_space<vmem>>) semaphore(%arg8 : memref<!tpu.dma_semaphore, #tpu.memory_space<semaphore_mem>>)
    %dma_start3A_76 = arith.constant 101 : i32
    %dma_start3A_77 = arith.constant 640 : i32
    %dma_start3A_78 = arith.constant 0 : i32
    %dma_start3A_79 = tpu.memref_slice %arg6[%dma_start3A_77, %dma_start3A_78] : memref<1024x16xf32, #tpu.memory_space<vmem>> -> memref<128x16xf32, #tpu.memory_space<vmem>>
    %dma_start3A_80 = arith.constant 0 : i32
    %dma_start3A_81 = tpu.memref_slice %arg5[%dma_start3A_76, %dma_start3A_80] : memref<104x128xi32, #tpu.memory_space<vmem>> -> memref<1x128xi32, #tpu.memory_space<vmem>>
    %dma_start3A_82 = tpu.memref_squeeze %dma_start3A_81 : memref<1x128xi32, #tpu.memory_space<vmem>> -> memref<128xi32, #tpu.memory_space<vmem>>
    %dma_start3A_83 = arith.constant 0 : i32
    %dma_start3A_84 = arith.constant 0 : i32
    %dma_start3A_85 = tpu.memref_slice %arg3[%dma_start3A_83, %dma_start3A_84] : memref<2600000x16xf32, #tpu.memory_space<hbm>> -> memref<2600000x16xf32, #tpu.memory_space<hbm>>
    tpu.enqueue_indirect_dma source(%dma_start3A_85 : memref<2600000x16xf32, #tpu.memory_space<hbm>>) target(%dma_start3A_79 : memref<128x16xf32, #tpu.memory_space<vmem>>) offsets(%dma_start3A_82 : memref<128xi32, #tpu.memory_space<vmem>>) semaphore(%arg8 : memref<!tpu.dma_semaphore, #tpu.memory_space<semaphore_mem>>)
    %dma_start3A_86 = arith.constant 102 : i32
    %dma_start3A_87 = arith.constant 768 : i32
    %dma_start3A_88 = arith.constant 0 : i32
    %dma_start3A_89 = tpu.memref_slice %arg6[%dma_start3A_87, %dma_start3A_88] : memref<1024x16xf32, #tpu.memory_space<vmem>> -> memref<128x16xf32, #tpu.memory_space<vmem>>
    %dma_start3A_90 = arith.constant 0 : i32
    %dma_start3A_91 = tpu.memref_slice %arg5[%dma_start3A_86, %dma_start3A_90] : memref<104x128xi32, #tpu.memory_space<vmem>> -> memref<1x128xi32, #tpu.memory_space<vmem>>
    %dma_start3A_92 = tpu.memref_squeeze %dma_start3A_91 : memref<1x128xi32, #tpu.memory_space<vmem>> -> memref<128xi32, #tpu.memory_space<vmem>>
    %dma_start3A_93 = arith.constant 0 : i32
    %dma_start3A_94 = arith.constant 0 : i32
    %dma_start3A_95 = tpu.memref_slice %arg3[%dma_start3A_93, %dma_start3A_94] : memref<2600000x16xf32, #tpu.memory_space<hbm>> -> memref<2600000x16xf32, #tpu.memory_space<hbm>>
    tpu.enqueue_indirect_dma source(%dma_start3A_95 : memref<2600000x16xf32, #tpu.memory_space<hbm>>) target(%dma_start3A_89 : memref<128x16xf32, #tpu.memory_space<vmem>>) offsets(%dma_start3A_92 : memref<128xi32, #tpu.memory_space<vmem>>) semaphore(%arg8 : memref<!tpu.dma_semaphore, #tpu.memory_space<semaphore_mem>>)
    %dma_start3A_96 = arith.constant 103 : i32
    %dma_start3A_97 = arith.constant 896 : i32
    %dma_start3A_98 = arith.constant 0 : i32
    %dma_start3A_99 = tpu.memref_slice %arg6[%dma_start3A_97, %dma_start3A_98] : memref<1024x16xf32, #tpu.memory_space<vmem>> -> memref<128x16xf32, #tpu.memory_space<vmem>>
    %dma_start3A_100 = arith.constant 0 : i32
    %dma_start3A_101 = tpu.memref_slice %arg5[%dma_start3A_96, %dma_start3A_100] : memref<104x128xi32, #tpu.memory_space<vmem>> -> memref<1x128xi32, #tpu.memory_space<vmem>>
    %dma_start3A_102 = tpu.memref_squeeze %dma_start3A_101 : memref<1x128xi32, #tpu.memory_space<vmem>> -> memref<128xi32, #tpu.memory_space<vmem>>
    %dma_start3A_103 = arith.constant 0 : i32
    %dma_start3A_104 = arith.constant 0 : i32
    %dma_start3A_105 = tpu.memref_slice %arg3[%dma_start3A_103, %dma_start3A_104] : memref<2600000x16xf32, #tpu.memory_space<hbm>> -> memref<2600000x16xf32, #tpu.memory_space<hbm>>
    tpu.enqueue_indirect_dma source(%dma_start3A_105 : memref<2600000x16xf32, #tpu.memory_space<hbm>>) target(%dma_start3A_99 : memref<128x16xf32, #tpu.memory_space<vmem>>) offsets(%dma_start3A_102 : memref<128xi32, #tpu.memory_space<vmem>>) semaphore(%arg8 : memref<!tpu.dma_semaphore, #tpu.memory_space<semaphore_mem>>)
    %dma_wait3A_106 = arith.constant 96 : i32
    %dma_wait3A_107 = arith.constant 0 : i32
    %dma_wait3A_108 = arith.constant 0 : i32
    %dma_wait3A_109 = tpu.memref_slice %arg6[%dma_wait3A_107, %dma_wait3A_108] : memref<1024x16xf32, #tpu.memory_space<vmem>> -> memref<128x16xf32, #tpu.memory_space<vmem>>
    %dma_wait3A_110 = arith.constant 0 : i32
    %dma_wait3A_111 = tpu.memref_slice %arg5[%dma_wait3A_106, %dma_wait3A_110] : memref<104x128xi32, #tpu.memory_space<vmem>> -> memref<1x128xi32, #tpu.memory_space<vmem>>
    %dma_wait3A_112 = tpu.memref_squeeze %dma_wait3A_111 : memref<1x128xi32, #tpu.memory_space<vmem>> -> memref<128xi32, #tpu.memory_space<vmem>>
    %dma_wait3A_113 = arith.constant 0 : i32
    %dma_wait3A_114 = arith.constant 0 : i32
    %dma_wait3A_115 = tpu.memref_slice %arg3[%dma_wait3A_113, %dma_wait3A_114] : memref<2600000x16xf32, #tpu.memory_space<hbm>> -> memref<2600000x16xf32, #tpu.memory_space<hbm>>
    tpu.wait_indirect_dma semaphore(%arg8 : memref<!tpu.dma_semaphore, #tpu.memory_space<semaphore_mem>>) src(%dma_wait3A_115 : memref<2600000x16xf32, #tpu.memory_space<hbm>>) dst(%dma_wait3A_109 : memref<128x16xf32, #tpu.memory_space<vmem>>)
    %dma_wait3A_116 = arith.constant 97 : i32
    %dma_wait3A_117 = arith.constant 128 : i32
    %dma_wait3A_118 = arith.constant 0 : i32
    %dma_wait3A_119 = tpu.memref_slice %arg6[%dma_wait3A_117, %dma_wait3A_118] : memref<1024x16xf32, #tpu.memory_space<vmem>> -> memref<128x16xf32, #tpu.memory_space<vmem>>
    %dma_wait3A_120 = arith.constant 0 : i32
    %dma_wait3A_121 = tpu.memref_slice %arg5[%dma_wait3A_116, %dma_wait3A_120] : memref<104x128xi32, #tpu.memory_space<vmem>> -> memref<1x128xi32, #tpu.memory_space<vmem>>
    %dma_wait3A_122 = tpu.memref_squeeze %dma_wait3A_121 : memref<1x128xi32, #tpu.memory_space<vmem>> -> memref<128xi32, #tpu.memory_space<vmem>>
    %dma_wait3A_123 = arith.constant 0 : i32
    %dma_wait3A_124 = arith.constant 0 : i32
    %dma_wait3A_125 = tpu.memref_slice %arg3[%dma_wait3A_123, %dma_wait3A_124] : memref<2600000x16xf32, #tpu.memory_space<hbm>> -> memref<2600000x16xf32, #tpu.memory_space<hbm>>
    tpu.wait_indirect_dma semaphore(%arg8 : memref<!tpu.dma_semaphore, #tpu.memory_space<semaphore_mem>>) src(%dma_wait3A_125 : memref<2600000x16xf32, #tpu.memory_space<hbm>>) dst(%dma_wait3A_119 : memref<128x16xf32, #tpu.memory_space<vmem>>)
    %dma_wait3A_126 = arith.constant 98 : i32
    %dma_wait3A_127 = arith.constant 256 : i32
    %dma_wait3A_128 = arith.constant 0 : i32
    %dma_wait3A_129 = tpu.memref_slice %arg6[%dma_wait3A_127, %dma_wait3A_128] : memref<1024x16xf32, #tpu.memory_space<vmem>> -> memref<128x16xf32, #tpu.memory_space<vmem>>
    %dma_wait3A_130 = arith.constant 0 : i32
    %dma_wait3A_131 = tpu.memref_slice %arg5[%dma_wait3A_126, %dma_wait3A_130] : memref<104x128xi32, #tpu.memory_space<vmem>> -> memref<1x128xi32, #tpu.memory_space<vmem>>
    %dma_wait3A_132 = tpu.memref_squeeze %dma_wait3A_131 : memref<1x128xi32, #tpu.memory_space<vmem>> -> memref<128xi32, #tpu.memory_space<vmem>>
    %dma_wait3A_133 = arith.constant 0 : i32
    %dma_wait3A_134 = arith.constant 0 : i32
    %dma_wait3A_135 = tpu.memref_slice %arg3[%dma_wait3A_133, %dma_wait3A_134] : memref<2600000x16xf32, #tpu.memory_space<hbm>> -> memref<2600000x16xf32, #tpu.memory_space<hbm>>
    tpu.wait_indirect_dma semaphore(%arg8 : memref<!tpu.dma_semaphore, #tpu.memory_space<semaphore_mem>>) src(%dma_wait3A_135 : memref<2600000x16xf32, #tpu.memory_space<hbm>>) dst(%dma_wait3A_129 : memref<128x16xf32, #tpu.memory_space<vmem>>)
    %dma_wait3A_136 = arith.constant 99 : i32
    %dma_wait3A_137 = arith.constant 384 : i32
    %dma_wait3A_138 = arith.constant 0 : i32
    %dma_wait3A_139 = tpu.memref_slice %arg6[%dma_wait3A_137, %dma_wait3A_138] : memref<1024x16xf32, #tpu.memory_space<vmem>> -> memref<128x16xf32, #tpu.memory_space<vmem>>
    %dma_wait3A_140 = arith.constant 0 : i32
    %dma_wait3A_141 = tpu.memref_slice %arg5[%dma_wait3A_136, %dma_wait3A_140] : memref<104x128xi32, #tpu.memory_space<vmem>> -> memref<1x128xi32, #tpu.memory_space<vmem>>
    %dma_wait3A_142 = tpu.memref_squeeze %dma_wait3A_141 : memref<1x128xi32, #tpu.memory_space<vmem>> -> memref<128xi32, #tpu.memory_space<vmem>>
    %dma_wait3A_143 = arith.constant 0 : i32
    %dma_wait3A_144 = arith.constant 0 : i32
    %dma_wait3A_145 = tpu.memref_slice %arg3[%dma_wait3A_143, %dma_wait3A_144] : memref<2600000x16xf32, #tpu.memory_space<hbm>> -> memref<2600000x16xf32, #tpu.memory_space<hbm>>
    tpu.wait_indirect_dma semaphore(%arg8 : memref<!tpu.dma_semaphore, #tpu.memory_space<semaphore_mem>>) src(%dma_wait3A_145 : memref<2600000x16xf32, #tpu.memory_space<hbm>>) dst(%dma_wait3A_139 : memref<128x16xf32, #tpu.memory_space<vmem>>)
    %dma_wait3A_146 = arith.constant 100 : i32
    %dma_wait3A_147 = arith.constant 512 : i32
    %dma_wait3A_148 = arith.constant 0 : i32
    %dma_wait3A_149 = tpu.memref_slice %arg6[%dma_wait3A_147, %dma_wait3A_148] : memref<1024x16xf32, #tpu.memory_space<vmem>> -> memref<128x16xf32, #tpu.memory_space<vmem>>
    %dma_wait3A_150 = arith.constant 0 : i32
    %dma_wait3A_151 = tpu.memref_slice %arg5[%dma_wait3A_146, %dma_wait3A_150] : memref<104x128xi32, #tpu.memory_space<vmem>> -> memref<1x128xi32, #tpu.memory_space<vmem>>
    %dma_wait3A_152 = tpu.memref_squeeze %dma_wait3A_151 : memref<1x128xi32, #tpu.memory_space<vmem>> -> memref<128xi32, #tpu.memory_space<vmem>>
    %dma_wait3A_153 = arith.constant 0 : i32
    %dma_wait3A_154 = arith.constant 0 : i32
    %dma_wait3A_155 = tpu.memref_slice %arg3[%dma_wait3A_153, %dma_wait3A_154] : memref<2600000x16xf32, #tpu.memory_space<hbm>> -> memref<2600000x16xf32, #tpu.memory_space<hbm>>
    tpu.wait_indirect_dma semaphore(%arg8 : memref<!tpu.dma_semaphore, #tpu.memory_space<semaphore_mem>>) src(%dma_wait3A_155 : memref<2600000x16xf32, #tpu.memory_space<hbm>>) dst(%dma_wait3A_149 : memref<128x16xf32, #tpu.memory_space<vmem>>)
    %dma_wait3A_156 = arith.constant 101 : i32
    %dma_wait3A_157 = arith.constant 640 : i32
    %dma_wait3A_158 = arith.constant 0 : i32
    %dma_wait3A_159 = tpu.memref_slice %arg6[%dma_wait3A_157, %dma_wait3A_158] : memref<1024x16xf32, #tpu.memory_space<vmem>> -> memref<128x16xf32, #tpu.memory_space<vmem>>
    %dma_wait3A_160 = arith.constant 0 : i32
    %dma_wait3A_161 = tpu.memref_slice %arg5[%dma_wait3A_156, %dma_wait3A_160] : memref<104x128xi32, #tpu.memory_space<vmem>> -> memref<1x128xi32, #tpu.memory_space<vmem>>
    %dma_wait3A_162 = tpu.memref_squeeze %dma_wait3A_161 : memref<1x128xi32, #tpu.memory_space<vmem>> -> memref<128xi32, #tpu.memory_space<vmem>>
    %dma_wait3A_163 = arith.constant 0 : i32
    %dma_wait3A_164 = arith.constant 0 : i32
    %dma_wait3A_165 = tpu.memref_slice %arg3[%dma_wait3A_163, %dma_wait3A_164] : memref<2600000x16xf32, #tpu.memory_space<hbm>> -> memref<2600000x16xf32, #tpu.memory_space<hbm>>
    tpu.wait_indirect_dma semaphore(%arg8 : memref<!tpu.dma_semaphore, #tpu.memory_space<semaphore_mem>>) src(%dma_wait3A_165 : memref<2600000x16xf32, #tpu.memory_space<hbm>>) dst(%dma_wait3A_159 : memref<128x16xf32, #tpu.memory_space<vmem>>)
    %dma_wait3A_166 = arith.constant 102 : i32
    %dma_wait3A_167 = arith.constant 768 : i32
    %dma_wait3A_168 = arith.constant 0 : i32
    %dma_wait3A_169 = tpu.memref_slice %arg6[%dma_wait3A_167, %dma_wait3A_168] : memref<1024x16xf32, #tpu.memory_space<vmem>> -> memref<128x16xf32, #tpu.memory_space<vmem>>
    %dma_wait3A_170 = arith.constant 0 : i32
    %dma_wait3A_171 = tpu.memref_slice %arg5[%dma_wait3A_166, %dma_wait3A_170] : memref<104x128xi32, #tpu.memory_space<vmem>> -> memref<1x128xi32, #tpu.memory_space<vmem>>
    %dma_wait3A_172 = tpu.memref_squeeze %dma_wait3A_171 : memref<1x128xi32, #tpu.memory_space<vmem>> -> memref<128xi32, #tpu.memory_space<vmem>>
    %dma_wait3A_173 = arith.constant 0 : i32
    %dma_wait3A_174 = arith.constant 0 : i32
    %dma_wait3A_175 = tpu.memref_slice %arg3[%dma_wait3A_173, %dma_wait3A_174] : memref<2600000x16xf32, #tpu.memory_space<hbm>> -> memref<2600000x16xf32, #tpu.memory_space<hbm>>
    tpu.wait_indirect_dma semaphore(%arg8 : memref<!tpu.dma_semaphore, #tpu.memory_space<semaphore_mem>>) src(%dma_wait3A_175 : memref<2600000x16xf32, #tpu.memory_space<hbm>>) dst(%dma_wait3A_169 : memref<128x16xf32, #tpu.memory_space<vmem>>)
    %dma_wait3A_176 = arith.constant 103 : i32
    %dma_wait3A_177 = arith.constant 896 : i32
    %dma_wait3A_178 = arith.constant 0 : i32
    %dma_wait3A_179 = tpu.memref_slice %arg6[%dma_wait3A_177, %dma_wait3A_178] : memref<1024x16xf32, #tpu.memory_space<vmem>> -> memref<128x16xf32, #tpu.memory_space<vmem>>
    %dma_wait3A_180 = arith.constant 0 : i32
    %dma_wait3A_181 = tpu.memref_slice %arg5[%dma_wait3A_176, %dma_wait3A_180] : memref<104x128xi32, #tpu.memory_space<vmem>> -> memref<1x128xi32, #tpu.memory_space<vmem>>
    %dma_wait3A_182 = tpu.memref_squeeze %dma_wait3A_181 : memref<1x128xi32, #tpu.memory_space<vmem>> -> memref<128xi32, #tpu.memory_space<vmem>>
    %dma_wait3A_183 = arith.constant 0 : i32
    %dma_wait3A_184 = arith.constant 0 : i32
    %dma_wait3A_185 = tpu.memref_slice %arg3[%dma_wait3A_183, %dma_wait3A_184] : memref<2600000x16xf32, #tpu.memory_space<hbm>> -> memref<2600000x16xf32, #tpu.memory_space<hbm>>
    tpu.wait_indirect_dma semaphore(%arg8 : memref<!tpu.dma_semaphore, #tpu.memory_space<semaphore_mem>>) src(%dma_wait3A_185 : memref<2600000x16xf32, #tpu.memory_space<hbm>>) dst(%dma_wait3A_179 : memref<128x16xf32, #tpu.memory_space<vmem>>)
    %mul3A_186 = arith.constant 13312 : i32
    %mul3A_187 = arith.muli %add3A, %mul3A_186 : i32
    %add3A_188 = arith.constant 12288 : i32
    %add3A_189 = arith.addi %mul3A_187, %add3A_188 : i32
    %dma_start3A_190 = arith.constant 0 : i32
    %dma_start3A_191 = tpu.memref_slice %arg4[%add3A_189, %dma_start3A_190] : memref<425984x16xf32, #tpu.memory_space<hbm>> -> memref<1024x16xf32, #tpu.memory_space<hbm>>
    %dma_start3A_192 = arith.constant 0 : i32
    %dma_start3A_193 = tpu.memref_slice %arg4[%add3A_189, %dma_start3A_192] : memref<425984x16xf32, #tpu.memory_space<hbm>> -> memref<1024x16xf32, #tpu.memory_space<hbm>>
    tpu.enqueue_dma source(%arg6 : memref<1024x16xf32, #tpu.memory_space<vmem>>) target(%dma_start3A_193 : memref<1024x16xf32, #tpu.memory_space<hbm>>) target_semaphore(%arg9 : memref<!tpu.dma_semaphore, #tpu.memory_space<semaphore_mem>>)
    %dma_wait3A_194 = arith.constant 0 : i32
    %dma_wait3A_195 = arith.constant 0 : i32
    %dma_wait3A_196 = tpu.memref_slice %arg4[%dma_wait3A_194, %dma_wait3A_195] : memref<425984x16xf32, #tpu.memory_space<hbm>> -> memref<1024x16xf32, #tpu.memory_space<hbm>>
    %dma_wait3A_197 = arith.constant 0 : i32
    %dma_wait3A_198 = arith.constant 0 : i32
    %dma_wait3A_199 = tpu.memref_slice %arg4[%dma_wait3A_197, %dma_wait3A_198] : memref<425984x16xf32, #tpu.memory_space<hbm>> -> memref<1024x16xf32, #tpu.memory_space<hbm>>
    tpu.wait_dma2 semaphore(%arg9 : memref<!tpu.dma_semaphore, #tpu.memory_space<semaphore_mem>>) src(%arg6 : memref<1024x16xf32, #tpu.memory_space<vmem>>) dst(%dma_wait3A_199 : memref<1024x16xf32, #tpu.memory_space<hbm>>)
    %dma_wait3A_200 = arith.constant 0 : i32
    %dma_wait3A_201 = arith.constant 0 : i32
    %dma_wait3A_202 = tpu.memref_slice %arg4[%dma_wait3A_200, %dma_wait3A_201] : memref<425984x16xf32, #tpu.memory_space<hbm>> -> memref<1024x16xf32, #tpu.memory_space<hbm>>
    %dma_wait3A_203 = arith.constant 0 : i32
    %dma_wait3A_204 = arith.constant 0 : i32
    %dma_wait3A_205 = tpu.memref_slice %arg4[%dma_wait3A_203, %dma_wait3A_204] : memref<425984x16xf32, #tpu.memory_space<hbm>> -> memref<1024x16xf32, #tpu.memory_space<hbm>>
    tpu.wait_dma2 semaphore(%arg10 : memref<!tpu.dma_semaphore, #tpu.memory_space<semaphore_mem>>) src(%arg7 : memref<1024x16xf32, #tpu.memory_space<vmem>>) dst(%dma_wait3A_205 : memref<1024x16xf32, #tpu.memory_space<hbm>>)
    return
  }
}

module attributes {stable_mosaic.version = 14 : i64} {
  func.func @_mlp_body(%arg0: i32, %arg1: memref<2048x13xf32, #tpu.memory_space<vmem>>, %arg2: memref<2048x416xf32, #tpu.memory_space<vmem>>, %arg3: memref<13x256xf32, #tpu.memory_space<vmem>>, %arg4: memref<416x256xf32, #tpu.memory_space<vmem>>, %arg5: memref<1x256xf32, #tpu.memory_space<vmem>>, %arg6: memref<256x128xf32, #tpu.memory_space<vmem>>, %arg7: memref<1x128xf32, #tpu.memory_space<vmem>>, %arg8: memref<128x64xf32, #tpu.memory_space<vmem>>, %arg9: memref<1x64xf32, #tpu.memory_space<vmem>>, %arg10: memref<1x64xf32, #tpu.memory_space<vmem>>, %arg11: memref<1x1xf32, #tpu.memory_space<vmem>>, %arg12: memref<1x13xf32, #tpu.memory_space<vmem>>, %arg13: memref<2048x1xf32, #tpu.memory_space<vmem>>) attributes {dimension_semantics = [#tpu.dimension_semantics<arbitrary>], iteration_bounds = array<i64: 8>, scalar_prefetch = 0 : i64, scratch_operands = 0 : i64, tpu.core_type = #tpu.core_type<tc>, window_params = [{transform_indices = @transform_0, window_bounds = array<i64: 2048, 13>}, {transform_indices = @transform_1, window_bounds = array<i64: 2048, 416>}, {pipeline_mode = #tpu.pipeline_mode<synchronous>, transform_indices = @transform_2, window_bounds = array<i64: 13, 256>}, {pipeline_mode = #tpu.pipeline_mode<synchronous>, transform_indices = @transform_3, window_bounds = array<i64: 416, 256>}, {pipeline_mode = #tpu.pipeline_mode<synchronous>, transform_indices = @transform_4, window_bounds = array<i64: 1, 256>}, {pipeline_mode = #tpu.pipeline_mode<synchronous>, transform_indices = @transform_5, window_bounds = array<i64: 256, 128>}, {pipeline_mode = #tpu.pipeline_mode<synchronous>, transform_indices = @transform_6, window_bounds = array<i64: 1, 128>}, {pipeline_mode = #tpu.pipeline_mode<synchronous>, transform_indices = @transform_7, window_bounds = array<i64: 128, 64>}, {pipeline_mode = #tpu.pipeline_mode<synchronous>, transform_indices = @transform_8, window_bounds = array<i64: 1, 64>}, {pipeline_mode = #tpu.pipeline_mode<synchronous>, transform_indices = @transform_9, window_bounds = array<i64: 1, 64>}, {pipeline_mode = #tpu.pipeline_mode<synchronous>, transform_indices = @transform_10, window_bounds = array<i64: 1, 1>}, {pipeline_mode = #tpu.pipeline_mode<synchronous>, transform_indices = @transform_11, window_bounds = array<i64: 1, 13>}, {transform_indices = @transform_12, window_bounds = array<i64: 2048, 1>}]} {
    %get3A = arith.constant 0 : index
    %get3A_0 = arith.constant 0 : index
    %get3A_1 = vector.load %arg1[%get3A, %get3A_0] : memref<2048x13xf32, #tpu.memory_space<vmem>>, vector<2048x13xf32>
    %get3A_2 = arith.constant 0 : index
    %get3A_3 = arith.constant 0 : index
    %get3A_4 = vector.load %arg3[%get3A_2, %get3A_3] : memref<13x256xf32, #tpu.memory_space<vmem>>, vector<13x256xf32>
    %dot_general3A = arith.constant dense<0.000000e+00> : vector<2048x256xf32>
    %dot_general3A_5 = tpu.matmul %get3A_1, %get3A_4, %dot_general3A {dimension_numbers = #tpu.dot_dimension_numbers<[1], [0], [0], [1], [0, 0, 1, 1], [], []>, transpose_lhs_hint = false} : vector<2048x13xf32>, vector<13x256xf32>, vector<2048x256xf32> -> vector<2048x256xf32>
    %get3A_6 = arith.constant 0 : index
    %get3A_7 = arith.constant 0 : index
    %get3A_8 = vector.load %arg2[%get3A_6, %get3A_7] : memref<2048x416xf32, #tpu.memory_space<vmem>>, vector<2048x416xf32>
    %get3A_9 = arith.constant 0 : index
    %get3A_10 = arith.constant 0 : index
    %get3A_11 = vector.load %arg4[%get3A_9, %get3A_10] : memref<416x256xf32, #tpu.memory_space<vmem>>, vector<416x256xf32>
    %dot_general3A_12 = arith.constant dense<0.000000e+00> : vector<2048x256xf32>
    %dot_general3A_13 = tpu.matmul %get3A_8, %get3A_11, %dot_general3A_12 {dimension_numbers = #tpu.dot_dimension_numbers<[1], [0], [0], [1], [0, 0, 1, 1], [], []>, transpose_lhs_hint = false} : vector<2048x416xf32>, vector<416x256xf32>, vector<2048x256xf32> -> vector<2048x256xf32>
    %add3A = arith.addf %dot_general3A_5, %dot_general3A_13 : vector<2048x256xf32>
    %get3A_14 = arith.constant 0 : index
    %get3A_15 = arith.constant 0 : index
    %get3A_16 = vector.load %arg5[%get3A_14, %get3A_15] : memref<1x256xf32, #tpu.memory_space<vmem>>, vector<1x256xf32>
    %add3A_17 = vector.broadcast %get3A_16 : vector<1x256xf32> to vector<2048x256xf32>
    %add3A_18 = arith.addf %add3A, %add3A_17 : vector<2048x256xf32>
    %max3A = arith.constant 0.000000e+00 : f32
    %max3A_19 = vector.broadcast %max3A : f32 to vector<2048x256xf32>
    %max3A_20 = arith.maximumf %add3A_18, %max3A_19 : vector<2048x256xf32>
    %get3A_21 = arith.constant 0 : index
    %get3A_22 = arith.constant 0 : index
    %get3A_23 = vector.load %arg6[%get3A_21, %get3A_22] : memref<256x128xf32, #tpu.memory_space<vmem>>, vector<256x128xf32>
    %dot_general3A_24 = arith.constant dense<0.000000e+00> : vector<2048x128xf32>
    %dot_general3A_25 = tpu.matmul %max3A_20, %get3A_23, %dot_general3A_24 {dimension_numbers = #tpu.dot_dimension_numbers<[1], [0], [0], [1], [0, 0, 1, 1], [], []>, transpose_lhs_hint = false} : vector<2048x256xf32>, vector<256x128xf32>, vector<2048x128xf32> -> vector<2048x128xf32>
    %get3A_26 = arith.constant 0 : index
    %get3A_27 = arith.constant 0 : index
    %get3A_28 = vector.load %arg7[%get3A_26, %get3A_27] : memref<1x128xf32, #tpu.memory_space<vmem>>, vector<1x128xf32>
    %add3A_29 = vector.broadcast %get3A_28 : vector<1x128xf32> to vector<2048x128xf32>
    %add3A_30 = arith.addf %dot_general3A_25, %add3A_29 : vector<2048x128xf32>
    %max3A_31 = arith.constant 0.000000e+00 : f32
    %max3A_32 = vector.broadcast %max3A_31 : f32 to vector<2048x128xf32>
    %max3A_33 = arith.maximumf %add3A_30, %max3A_32 : vector<2048x128xf32>
    %get3A_34 = arith.constant 0 : index
    %get3A_35 = arith.constant 0 : index
    %get3A_36 = vector.load %arg8[%get3A_34, %get3A_35] : memref<128x64xf32, #tpu.memory_space<vmem>>, vector<128x64xf32>
    %dot_general3A_37 = arith.constant dense<0.000000e+00> : vector<2048x64xf32>
    %dot_general3A_38 = tpu.matmul %max3A_33, %get3A_36, %dot_general3A_37 {dimension_numbers = #tpu.dot_dimension_numbers<[1], [0], [0], [1], [0, 0, 1, 1], [], []>, transpose_lhs_hint = false} : vector<2048x128xf32>, vector<128x64xf32>, vector<2048x64xf32> -> vector<2048x64xf32>
    %get3A_39 = arith.constant 0 : index
    %get3A_40 = arith.constant 0 : index
    %get3A_41 = vector.load %arg9[%get3A_39, %get3A_40] : memref<1x64xf32, #tpu.memory_space<vmem>>, vector<1x64xf32>
    %add3A_42 = vector.broadcast %get3A_41 : vector<1x64xf32> to vector<2048x64xf32>
    %add3A_43 = arith.addf %dot_general3A_38, %add3A_42 : vector<2048x64xf32>
    %max3A_44 = arith.constant 0.000000e+00 : f32
    %max3A_45 = vector.broadcast %max3A_44 : f32 to vector<2048x64xf32>
    %max3A_46 = arith.maximumf %add3A_43, %max3A_45 : vector<2048x64xf32>
    %get3A_47 = arith.constant 0 : index
    %get3A_48 = arith.constant 0 : index
    %get3A_49 = vector.load %arg10[%get3A_47, %get3A_48] : memref<1x64xf32, #tpu.memory_space<vmem>>, vector<1x64xf32>
    %mul3A = vector.broadcast %get3A_49 : vector<1x64xf32> to vector<2048x64xf32>
    %mul3A_50 = arith.mulf %max3A_46, %mul3A : vector<2048x64xf32>
    %reduce_sum3A = arith.constant dense<0.000000e+00> : vector<2048xf32>
    %reduce_sum3A_51 = vector.multi_reduction <add>, %mul3A_50, %reduce_sum3A [1] : vector<2048x64xf32> to vector<2048xf32>
    %broadcast_in_dim3A = vector.shape_cast %reduce_sum3A_51 : vector<2048xf32> to vector<2048x1xf32>
    %get3A_52 = arith.constant 0 : index
    %get3A_53 = arith.constant 0 : index
    %get3A_54 = vector.load %arg12[%get3A_52, %get3A_53] : memref<1x13xf32, #tpu.memory_space<vmem>>, vector<1x13xf32>
    %mul3A_55 = vector.broadcast %get3A_54 : vector<1x13xf32> to vector<2048x13xf32>
    %mul3A_56 = arith.mulf %get3A_1, %mul3A_55 : vector<2048x13xf32>
    %reduce_sum3A_57 = arith.constant dense<0.000000e+00> : vector<2048xf32>
    %reduce_sum3A_58 = vector.multi_reduction <add>, %mul3A_56, %reduce_sum3A_57 [1] : vector<2048x13xf32> to vector<2048xf32>
    %broadcast_in_dim3A_59 = vector.shape_cast %reduce_sum3A_58 : vector<2048xf32> to vector<2048x1xf32>
    %add3A_60 = arith.addf %broadcast_in_dim3A, %broadcast_in_dim3A_59 : vector<2048x1xf32>
    %get3A_61 = arith.constant 0 : index
    %get3A_62 = arith.constant 0 : index
    %get3A_63 = vector.load %arg11[%get3A_61, %get3A_62] : memref<1x1xf32, #tpu.memory_space<vmem>>, vector<1x1xf32>
    %add3A_64 = vector.broadcast %get3A_63 : vector<1x1xf32> to vector<2048x1xf32>
    %add3A_65 = arith.addf %add3A_60, %add3A_64 : vector<2048x1xf32>
    %mul3A_66 = arith.constant 5.000000e-01 : f32
    %mul3A_67 = vector.broadcast %mul3A_66 : f32 to vector<2048x1xf32>
    %mul3A_68 = arith.mulf %mul3A_67, %add3A_65 : vector<2048x1xf32>
    %logistic3A = arith.negf %mul3A_68 : vector<2048x1xf32>
    %logistic3A_69 = math.exp %logistic3A : vector<2048x1xf32>
    %logistic3A_70 = arith.constant 1.000000e+00 : f32
    %logistic3A_71 = vector.broadcast %logistic3A_70 : f32 to vector<2048x1xf32>
    %logistic3A_72 = arith.addf %logistic3A_71, %logistic3A_69 : vector<2048x1xf32>
    %logistic3A_73 = arith.divf %logistic3A_71, %logistic3A_72 : vector<2048x1xf32>
    %swap3A = arith.constant 0 : index
    %swap3A_74 = arith.constant 0 : index
    %swap3A_75 = vector.load %arg13[%swap3A, %swap3A_74] : memref<2048x1xf32, #tpu.memory_space<vmem>>, vector<2048x1xf32>
    tpu.vector_store %arg13[%swap3A, %swap3A_74], %logistic3A_73 {strides = array<i32>} : memref<2048x1xf32, #tpu.memory_space<vmem>>, vector<2048x1xf32>,
    return
  }
  func.func @transform_0(%arg0: i32) -> (i32, i32) {
    %c0_i32 = arith.constant 0 : i32
    %c0_i32_0 = arith.constant 0 : i32
    return %arg0, %c0_i32 : i32, i32
  }
  func.func @transform_1(%arg0: i32) -> (i32, i32) {
    %c0_i32 = arith.constant 0 : i32
    %c0_i32_0 = arith.constant 0 : i32
    return %arg0, %c0_i32 : i32, i32
  }
  func.func @transform_2(%arg0: i32) -> (i32, i32) {
    %c0_i32 = arith.constant 0 : i32
    %c0_i32_0 = arith.constant 0 : i32
    %c0_i32_1 = arith.constant 0 : i32
    return %c0_i32, %c0_i32_0 : i32, i32
  }
  func.func @transform_3(%arg0: i32) -> (i32, i32) {
    %c0_i32 = arith.constant 0 : i32
    %c0_i32_0 = arith.constant 0 : i32
    %c0_i32_1 = arith.constant 0 : i32
    return %c0_i32, %c0_i32_0 : i32, i32
  }
  func.func @transform_4(%arg0: i32) -> (i32, i32) {
    %c0_i32 = arith.constant 0 : i32
    %c0_i32_0 = arith.constant 0 : i32
    %c0_i32_1 = arith.constant 0 : i32
    return %c0_i32, %c0_i32_0 : i32, i32
  }
  func.func @transform_5(%arg0: i32) -> (i32, i32) {
    %c0_i32 = arith.constant 0 : i32
    %c0_i32_0 = arith.constant 0 : i32
    %c0_i32_1 = arith.constant 0 : i32
    return %c0_i32, %c0_i32_0 : i32, i32
  }
  func.func @transform_6(%arg0: i32) -> (i32, i32) {
    %c0_i32 = arith.constant 0 : i32
    %c0_i32_0 = arith.constant 0 : i32
    %c0_i32_1 = arith.constant 0 : i32
    return %c0_i32, %c0_i32_0 : i32, i32
  }
  func.func @transform_7(%arg0: i32) -> (i32, i32) {
    %c0_i32 = arith.constant 0 : i32
    %c0_i32_0 = arith.constant 0 : i32
    %c0_i32_1 = arith.constant 0 : i32
    return %c0_i32, %c0_i32_0 : i32, i32
  }
  func.func @transform_8(%arg0: i32) -> (i32, i32) {
    %c0_i32 = arith.constant 0 : i32
    %c0_i32_0 = arith.constant 0 : i32
    %c0_i32_1 = arith.constant 0 : i32
    return %c0_i32, %c0_i32_0 : i32, i32
  }
  func.func @transform_9(%arg0: i32) -> (i32, i32) {
    %c0_i32 = arith.constant 0 : i32
    %c0_i32_0 = arith.constant 0 : i32
    %c0_i32_1 = arith.constant 0 : i32
    return %c0_i32, %c0_i32_0 : i32, i32
  }
  func.func @transform_10(%arg0: i32) -> (i32, i32) {
    %c0_i32 = arith.constant 0 : i32
    %c0_i32_0 = arith.constant 0 : i32
    %c0_i32_1 = arith.constant 0 : i32
    return %c0_i32, %c0_i32_0 : i32, i32
  }
  func.func @transform_11(%arg0: i32) -> (i32, i32) {
    %c0_i32 = arith.constant 0 : i32
    %c0_i32_0 = arith.constant 0 : i32
    %c0_i32_1 = arith.constant 0 : i32
    return %c0_i32, %c0_i32_0 : i32, i32
  }
  func.func @transform_12(%arg0: i32) -> (i32, i32) {
    %c0_i32 = arith.constant 0 : i32
    %c0_i32_0 = arith.constant 0 : i32
    return %arg0, %c0_i32 : i32, i32
  }
}

</mosaic_0001>

<sc_bundles>
// kernel: kernel.5.cloned.1.call-start
scs
__scs_entry_jumppad:
0x0: {  	(pc) =	sbr.rel $0x88, $3  }
0x1: {  	(tag) =	ssettag $0x0;
	lr =	simm.s32 $0x1  }
0x2: {  	[smem:$0x3F94] =	sst lr;
	_ =	strace $0xD0000000  }
0x3: {  	_ = 	snop  }
0x4: {  	_ = 	snop  }
0x5: {  	_ = 	snop  }
0x6: {  	_ = 	snop  }
0x7: {  	_ = 	snop  }
__scs_overlays_trampoline_lowered:
0x8: {  	[smem:$0x3FA3] =	sst s0  }
0x9: {  	[smem:$0x3FA4] =	sst s1  }
0xa: {  	[smem:$0x3FA5] =	sst s2  }
0xb: {  	[smem:$0x3FA6] =	sst s3  }
0xc: {  	[smem:$0x3FA7] =	sst s4  }
0xd: {  	[smem:$0x3FA8] =	sst s5  }
0xe: {  	[smem:$0x3FA9] =	sst s6  }
0xf: {  	[smem:$0x3FAA] =	sst s7  }
0x10: {  	[smem:$0x3FAB] =	sst s8  }
0x11: {  	[smem:$0x3FAC] =	sst s9;
	s0 =	simm.s32 @!p0 $0x0  }
0x12: {  	s1 =	sld [smem:$0x3F92];
	s0 =	simm.s32 @p0 $0x1  }
0x13: {  	[smem:$0x3FAD] =	sst s0;
	s0 =	simm.s32 @!p1 $0x0  }
0x14: {  	s2 =	sld [smem:$0x3F91];
	s0 =	simm.s32 @p1 $0x1  }
0x15: {  	[smem:$0x3FAE] =	sst s0;
	s0 =	simm.s32 @!p2 $0x0  }
0x16: {  	s3 =	sld [smem:$0x3FDB];
	s0 =	simm.s32 @p2 $0x1  }
0x17: {  	s4 =	simm.s32 $0x1BF5;
	[smem:$0x3FB0] =	sst s0  }
0x18: {  	s0 =	sld [smem:$0x3F93];
	_ =	swait.ge [sflag:s4], $0x0  }
0x19: {  	s7 =	sld [smem:$0x3F94]  }
0x1a: {  	s8 =	sadd.s32 $0xFFFFE003, lr  }
0x1b: {  	s9 =	sadd.s32 $0xFFFFFEF7, lr;
	s5 =	simm.s32 $0xFFFFFFFF;
	p2 =	slt.u32 s8, $0xFFFFF086  }
0x1c: {  	p1 =	slt.u32 s9, $0xF7A;
	s5 =	simm.s32 @!p2 $0x0  }
0x1d: {  	s5 =	simm.s32 @p1 $0x1;
	p0 =	seq.s32 s7, s2  }
0x1e: {  	s7 =	smul.u32 @!p0 $0xF7A, s2;
	p2 =	seq.s32 @!p0 s5, $0x0  }
0x1f: {  	s9 =	smul.u32 $0xF7A, s1;
	s8 =	simm.s32 @!p0 $0x1BF5;
	p2 =	por !p2, p0  }
0x20: {  	[sflag:s8] =	ssyncset.s32 @!p0 $0xFFFFF086;
	s6 =	sadd.s32 @!p0 s3, s7;
	s7 =	simm.s32 @!p0 $0x108  }
0x21: {  	s3 =	sadd.s32 s3, s9;
	s6 =	sadd.s32 @!p0 $0x88, s6;
	s7 =	simm.s32 @p2 $0x1082  }
0x22: {  	[simem:s7], [sflag:s8] =	dma.local @!p0 [hbm:s6], $0xF7A  }
0x23: {  	s9 =	sor.u32 $0xD0000000, s2;
	s6 =	simm.s32 $0x108;
	_ =	swait.ge @!p0 [sflag:s8], $0x0  }
0x24: {  	s3 =	sadd.s32 $0x88, s3;
	s6 =	simm.s32 @!p1 $0x1082;
	[sflag:s4] =	ssyncset.s32 $0xFFFFF086  }
0x25: {  	[simem:s6], [sflag:s4] =	dma.local [hbm:s3], $0xF7A  }
0x26: {  	[smem:$0x3F94] =	sst s1;
	(tag) =	ssettag s2;
	_ =	strace s9  }
0x27: {  	s1 =	sld [smem:$0x3FA4]  }
0x28: {  	s2 =	sld [smem:$0x3FA5]  }
0x29: {  	s4 =	sld [smem:$0x3FA7]  }
0x2a: {  	p0 =	seq.s32 s5, $0x0;
	s5 =	sld [smem:$0x3FA8]  }
0x2b: {  	s6 =	sld [smem:$0x3FA9]  }
0x2c: {  	s7 =	sld [smem:$0x3FAA]  }
0x2d: {  	s3 =	simm.s32 $0x108;
	s8 =	sld [smem:$0x3FAB]  }
0x2e: {  	s3 =	simm.s32 @!p0 $0x1082;
	s9 =	sld [smem:$0x3FAC]  }
0x2f: {  	lr =	sadd.s32 s0, s3;
	s0 =	sld [smem:$0x3FA3]  }
0x30: {  	s3 =	sld [smem:$0x3FA6]  }
0x31: {  	[smem:$0x3FAF] =	sst s10  }
0x32: {  	s10 =	sld [smem:$0x3FAD];
	_ =	sdelay $0x3  }
0x33: {  	p0 =	seq.s32 s10, $0x1;
	s10 =	sld [smem:$0x3FAF];
	_ =	sdelay $0x3  }
0x34: {  	[smem:$0x3FAF] =	sst s10  }
0x35: {  	s10 =	sld [smem:$0x3FAE];
	_ =	sdelay $0x3  }
0x36: {  	p1 =	seq.s32 s10, $0x1;
	s10 =	sld [smem:$0x3FAF];
	_ =	sdelay $0x3  }
0x37: {  	[smem:$0x3FAF] =	sst s10  }
0x38: {  	s10 =	sld [smem:$0x3FB0]  }
0x39: {  	_ = 	snop;
	(pc) =	sbr.ind lr, $3  }
0x3a: {  	_ = 	snop  }
0x3b: {  	_ = 	snop  }
0x3c: {  	p2 =	seq.s32 s10, $0x1;
	s10 =	sld [smem:$0x3FAF]  }
0x3d: {  	_ =	shalt  }
0x3e: {  	_ =	shalt  }
0x3f: {  	_ =	shalt  }
0x40: {  	_ =	shalt  }
0x41: {  	_ =	shalt  }
0x42: {  	_ =	shalt  }
0x43: {  	_ =	shalt  }
0x44: {  	_ =	shalt  }
0x45: {  	_ =	shalt  }
0x46: {  	_ =	shalt  }
0x47: {  	_ =	shalt  }
0x48: {  	_ =	shalt  }
0x49: {  	_ =	shalt  }
0x4a: {  	_ =	shalt  }
0x4b: {  	_ =	shalt  }
0x4c: {  	_ =	shalt  }
0x4d: {  	_ =	shalt  }
0x4e: {  	_ =	shalt  }
0x4f: {  	_ =	shalt  }
0x50: {  	_ =	shalt  }
0x51: {  	_ =	shalt  }
0x52: {  	_ =	shalt  }
0x53: {  	_ =	shalt  }
0x54: {  	_ =	shalt  }
0x55: {  	_ =	shalt  }
0x56: {  	_ =	shalt  }
0x57: {  	_ =	shalt  }
0x58: {  	_ =	shalt  }
0x59: {  	_ =	shalt  }
0x5a: {  	_ =	shalt  }
0x5b: {  	_ =	shalt  }
0x5c: {  	_ =	shalt  }
0x5d: {  	_ =	shalt  }
0x5e: {  	_ =	shalt  }
0x5f: {  	_ =	shalt  }
0x60: {  	_ =	shalt  }
0x61: {  	_ =	shalt  }
0x62: {  	_ =	shalt  }
0x63: {  	_ =	shalt  }
0x64: {  	_ =	shalt  }
0x65: {  	_ =	shalt  }
0x66: {  	_ =	shalt  }
0x67: {  	_ =	shalt  }
0x68: {  	_ =	shalt  }
0x69: {  	_ =	shalt  }
0x6a: {  	_ =	shalt  }
0x6b: {  	_ =	shalt  }
0x6c: {  	_ =	shalt  }
0x6d: {  	_ =	shalt  }
0x6e: {  	_ =	shalt  }
0x6f: {  	_ =	shalt  }
0x70: {  	_ =	shalt  }
0x71: {  	_ =	shalt  }
0x72: {  	_ =	shalt  }
0x73: {  	_ =	shalt  }
0x74: {  	_ =	shalt  }
0x75: {  	_ =	shalt  }
0x76: {  	_ =	shalt  }
0x77: {  	_ =	shalt  }
0x78: {  	_ =	shalt  }
0x79: {  	_ =	shalt  }
0x7a: {  	_ =	shalt  }
0x7b: {  	_ =	shalt  }
0x7c: {  	_ =	shalt  }
0x7d: {  	_ =	shalt  }
0x7e: {  	_ =	shalt  }
0x7f: {  	_ =	shalt  }
0x80: {  	_ =	shalt  }
0x81: {  	_ =	shalt  }
0x82: {  	_ =	shalt  }
0x83: {  	_ =	shalt  }
0x84: {  	_ =	shalt  }
0x85: {  	_ =	shalt  }
0x86: {  	_ =	shalt  }
0x87: {  	_ =	shalt  }
.Lfunc_end0:
.L_simem_size_0:
called_computation_lowered:
.L_overlay_start_0:
0x88: {  	s2 =	sld [smem:$0x3FD9]  }
0x89: {  	s3 =	sld [smem:$0x3FFE];
	_ =	sdelay $0x1  }
0x8a: {  	s1 =	srdreg.scid  }
0x8b: {  	s0 =	sand.u32 $0x1, s1  }
0x8c: {  	s17 =	sshll.u32 s0, $0xA;
	s2 =	sadd.s32 s3, s2  }
0x8d: {  	s2 =	sadd.s32 s2, s17  }
0x8e: {  	[smem:$0x3FBB] =	sst s2  }
0x8f: {  	_ = 	snop  }
0x90: {  	s2 =	sld [smem:$0x3FC7]  }
0x91: {  	s18 =	sld [smem:$0x3FD0];
	(tm) =	ssettm $0x1  }
0x92: {  	s4 =	sld [smem:$0x3FFB];
	_ =	sdelay $0x3  }
0x93: {  	_ =	strace s4  }
0x94: {  	s4 =	sld [smem:$0x3FFC];
	_ =	sdelay $0x3  }
0x95: {  	_ =	strace s4  }
0x96: {  	s4 =	sld [smem:$0x3FFD];
	_ =	sdelay $0x3  }
0x97: {  	_ =	strace s4  }
0x98: {  	_ =	strace $0x8FFFFFFF  }
0x99: {  	s19 =	sld [smem:$0x3FDB];
	_ =	sdelay $0x1  }
0x9a: {  	s5 =	simm.s32 $_scs_section_size  }
0x9b: {  	s6 =	simm.s32 $_size__tile_overlayer_lowered;
	s7 =	simm.s32 $_tile_overlayer_lowered  }
0x9c: {  	s22 =	simm.s32 $0x1BFF;
	s21 =	sshll.u32 s7, $0x1;
	s4 =	sadd.s32 s5, s19  }
0x9d: {  	s8 =	simm.s32 $0x0;
	s20 =	sshll.u32 s6, $0x1;
	s6 =	sadd.s32 s21, s4  }
0x9e: {  	[timem:s8], [sflag:s22] =	dma.local [hbm:s6], s20  }
0x9f: {  	_ =	swait.ge [sflag:s22], s20  }
0xa0: {  	s5 =	ssub.s32 $0x0, s20;
	[sflag:s22] =	ssyncset.done $0x0  }
0xa1: {  	[sflag:s22] =	ssyncadd.s32 s5;
	_ =	sdelay $0x1  }
0xa2: {  	s23 =	simm.s32 $0x1B8B  }
0xa3: {  	_ =	swait.ge [sflag:s23], $0x1  }
0xa4: {  	[sflag:s23] =	ssyncset.done $0x0  }
0xa5: {  	s25 =	simm.s32 $0x1B8E;
	s24 =	sld [smem:$0x3FFE];
	[sflag:s23] =	ssyncadd.s32 $0xFFFFFFFF  }
0xa6: {  	s26 =	simm.s32 $execute0_lowered;
	[smem:$0x3FD2] =	sst s25  }
0xa7: {  	s6 =	sshll.u32 s26, $0x1;
	_ =	strace $0x80000046;
	[dreg:$0x1] =	wrdreg $0xFFFFFFFF  }
0xa8: {  	s28 =	simm.s32 $_size_execute0_lowered;
	s4 =	sadd.s32 s4, s6;
	[dreg:$0x0] =	wrdreg $0x0  }
0xa9: {  	s6 =	sshll.u32 s28, $0x1;
	[dreg:$0x2] =	wrdreg s4  }
0xaa: {  	[dreg:$0x3] =	wrdreg s6  }
0xab: {  	[dreg:$0x4] =	wrdreg $0xC0  }
0xac: {  	_ =	task [dreg:s8], $0x5FFFF  }
0xad: {  	[dreg:$0x1] =	wrdreg $0xFFFFFFFF  }
0xae: {  	[dreg:$0x0] =	wrdreg $0x60  }
0xaf: {  	[dreg:$0x2] =	wrdreg s2  }
0xb0: {  	[dreg:$0x3] =	wrdreg s18  }
0xb1: {  	[dreg:$0x4] =	wrdreg s24  }
0xb2: {  	[dreg:$0x5] =	wrdreg $0x9  }
0xb3: {  	_ =	task.clear_ibuf [dreg:s8], $0x6FFFF;
	_ =	strace $0x90000046  }
0xb4: {  	s29 =	simm.s32 $0x9;
	_ =	strace $0x80000048  }
0xb5: {  	_ =	swait.ge [sflag:s29], $0x1  }
0xb6: {  	[sflag:s29] =	ssyncadd.s32 $0xFFFFFFFF  }
0xb7: {  	_ =	strace $0x90000048  }
0xb8: {  	_ =	sfence  }
0xb9: {  	s30 =	sld [smem:$0x0];
	_ =	sdelay $0x2  }
0xba: {  	s31 =	sshll.u32 s1, $0xD;
	s1 =	sshrl.u32 s1, $0x2  }
0xbb: {  	s3 =	sand.u32 $0x4000, s31;
	s1 =	sadd.s32 s1, s30  }
0xbc: {  	s0 =	sor.u32 s3, s0;
	s1 =	sshll.u32 s1, $0x11  }
0xbd: {  	s0 =	sor.u32 s1, s0  }
0xbe: {  	s0 =	sadd.s32 $0x8F2B, s0  }
0xbf: {  	[sflag:s0] =	ssyncadd.remote.s32 $0x1  }
0xc0: {  	_ =	sfence.sel $0xFFFF  }
0xc1: {  	[dreg:$0x0] =	wrdreg $0xFFFFFFFF;
	(pc) =	sbr.abs _section_cstart, $3  }
0xc2: {  	[dreg:$0x1] =	wrdreg $0xFFFFFFFF  }
0xc3: {  	_ =	task.clear_ibuf [dreg:s8], $0x2FFFF;
	_ =	strace $0x9FFFFFFF  }
0xc4: {  	(tm) =	ssettm $0x7FFFFFFF  }
0xc5: {  	_ =	shalt  }
tec
execute0_lowered:
.L_overlay_start_1:
0x0: {  	(tag) =	ssettag $0x1  }
0x1: {  	s17 =	rddreg [dreg:$0x0];
	s0 =	srdreg.scid  }
0x2: {  	s2 =	stileid.u32;
	s1 =	rddreg [dreg:$0x2];
	s5 =	simm.s32 $0x0  }
0x3: {  	s14 =	simm.s32 $0xB000;
	s0 =	sand.u32 $0x1, s0;
	s2 =	sshll.u32 s2, $0x1  }
0x4: {  	[smem:$0x7FF] =	sst s5;
	s7 =	sadd.s32 $0x1C00, s1;
	s31 =	sadd.s32 $0x32900, s1  }
0x5: {  	s6 =	sor.u32 s0, s2;
	_ =	strace $0x80000047;
	[dreg:$0x7] =	wrdreg s7  }
0x6: {  	s0 =	ssub.s32 $0x2, s0;
	[dreg:$0xd] =	wrdreg s31;
	s4 =	smul.u32 $0x580, s6  }
0x7: {  	s2 =	smul.u32 $0xB00, s6;
	s30 =	sor.u32 $0x40, s6;
	[dreg:$0x6] =	wrdreg s6  }
0x8: {  	s3 =	sshrl.u32 s0, $0x1;
	[dreg:$0xb] =	wrdreg s30;
	s29 =	sadd.s32 s17, s4  }
0x9: {  	s0 =	ssub.s32 s0, s3;
	s2 =	sadd.s32 s7, s2;
	[dreg:$0x9] =	wrdreg s29  }
0xa: {  	p0 =	sne.s32 s6, $0x1F;
	s0 =	smax.u32 s0, $0x1;
	[dreg:$0x8] =	wrdreg s2  }
0xb: {  	v0 =	vlaneseq.u32;
	s3 =	simm.s32 $0x5;
	s2 =	sadd.s32 $0x16000, s2;
	[dreg:$0xc] =	wrdreg s0  }
0xc: {  	v0 =	vmul.u32 $0x10, v0;
	s4 =	simm.s32 $0x10800;
	[dreg:$0xa] =	wrdreg s2;
	s2 =	simm.s32 $0x0  }
.LBB2_1:
.Ltmp0:
0xd: {  	(pc) =	sbr.rel @p0 .LBB2_5-.Ltmp0, $2  }
0xe: {  	_ =	sdelay $0x2  }
0xf: {  	[dreg:$0xe] =	wrdreg s2  }
0x10: {  	s0 =	simm.s32 $0x0;
	s1 =	rddreg [dreg:$0x1];
	s2 =	simm.s32 $0x16000  }
0x11: {  	[tilespmem:s2], [sflag:$0x5] =	stream.linear.gather [hbm4b:s1+s0], $0x3400, $0x38;
	[tilespmem:$0x19400] =	vst v63  }
0x12: {  	_ =	swait.ge [sflag:s3], $0x3400  }
0x13: {  	[sflag:s3] =	ssyncset.done $0x0  }
0x14: {  	s31 =	simm.s32 $0x16000;
	s1 =	rddreg [dreg:$0xd];
	[sflag:s3] =	ssyncadd.s32 $0xFFFFCC00  }
0x15: {  	[hbm4b:s1+s5] =	stream.linear.scatter [tilespmem:s31], [sflag:$0x5], $0x200, $0x38;
	[tilespmem:$0x19400] =	vst v63  }
0x16: {  	s0 =	simm.s32 $0x800;
	_ =	swait.ge [sflag:s3], $0x200  }
.LBB2_3:
0x17: {  	s2 =	sshra.s32 s0, $0x2  }
0x18: {  	[sflag:s3] =	ssyncset.done $0x0;
	s1 =	sadd.s32 $0x30D40, s1;
	p1 =	sne.s32 s0, $0xC800  }
.Ltmp1:
0x19: {  	s2 =	sadd.s32 $0x16000, s2;
	[sflag:s3] =	ssyncadd.s32 $0xFFFFFE00;
	(pc) =	sbr.rel @p1 .LBB2_3-.Ltmp1, $3  }
0x1a: {  	[hbm4b:s1+s5] =	stream.linear.scatter [tilespmem:s2], [sflag:$0x5], $0x200, $0x38;
	[tilespmem:$0x19400] =	vst v63  }
0x1b: {  	s0 =	sadd.s32 $0x800, s0;
	_ =	sdelay $0x1  }
0x1c: {  	_ =	swait.ge [sflag:s3], $0x200  }
0x1d: {  	[sflag:s3] =	ssyncset.done $0x0  }
0x1e: {  	[sflag:s3] =	ssyncadd.s32 $0xFFFFFE00  }
.LBB2_5:
0x1f: {  	s3 =	simm.s32 $0x0  }
0x20: {  	s0 =	rddreg [dreg:$0x9];
	s1 =	simm.s32 $0x2C00;
	s2 =	simm.s32 $0xC3800  }
0x21: {  	[tilespmem:s3], [sflag:$0x1] =	stream.strided.gather [hbm4b:s0+s1], $0x5800, s2, s1, $0x38;
	[tilespmem:$0x19400] =	vst v63  }
0x22: {  	s30 =	rddreg [dreg:$0x8]  }
0x23: {  	[hbm4b:s30+s3] =	stream.linear.scatter [tilespmem:s14], [sflag:$0x3], $0x5800, $0x38;
	[tilespmem:$0x19400] =	vst v63  }
0x24: {  	s31 =	rddreg [dreg:$0xa];
	s0 =	simm.s32 $0x0  }
0x25: {  	[hbm4b:s31+s3] =	stream.linear.scatter [tilespmem:s4], [sflag:$0x4], $0x5800, $0x38;
	[tilespmem:$0x19400] =	vst v63  }
.LBB2_6:
0x26: {  	s1 =	sshll.u32 s0, $0x6;
	s4 =	rddreg [dreg:$0x6]  }
0x27: {  	[dreg:$0xf] =	wrdreg s0;
	s0 =	sor.u32 s1, s4  }
0x28: {  	[dreg:$0x12] =	wrdreg s0;
	s0 =	sor.u32 $0x20, s0  }
0x29: {  	s5 =	smulhi.u32 $0x4700D503, s0;
	_ =	sdelay $0x1  }
0x2a: {  	[dreg:$0x13] =	wrdreg s1;
	s1 =	sshrl.u32 s5, $0x9  }
0x2b: {  	s1 =	smul.u32 $0x736, s1;
	_ =	sdelay $0x1  }
0x2c: {  	s0 =	ssub.s32 s0, s1  }
0x2d: {  	s1 =	smul.u32 $0x737, s0;
	_ =	sdelay $0x1  }
0x2e: {  	s2 =	sshrl.u32 s1, $0x11  }
0x2f: {  	s1 =	smul.u32 $0x47, s2;
	_ =	sdelay $0x1  }
0x30: {  	s0 =	ssub.s32 s0, s1  }
0x31: {  	s6 =	smul.u32 $0x187000, s2;
	s1 =	sand.u32 $0xFFFF, s0  }
0x32: {  	[dreg:$0x11] =	wrdreg s1;
	s1 =	smul.u32 $0x2C00, s1  }
0x33: {  	_ = 	snop  }
0x34: {  	s7 =	simm.s32 $0x2C00;
	s0 =	sadd.s32 s1, s6  }
0x35: {  	s8 =	simm.s32 $0xC3800;
	s3 =	simm.s32 $0x5800;
	s0 =	sshrl.u32 s0, $0x3  }
0x36: {  	s9 =	simm.s32 $0x1;
	[dreg:$0x10] =	wrdreg s2;
	s0 =	sadd.s32 s17, s0  }
0x37: {  	[tilespmem:s3], [sflag:$0x2] =	stream.strided.gather [hbm4b:s0+s7], $0x5800, s8, s7, $0x38;
	[tilespmem:$0x19400] =	vst v63  }
0x38: {  	_ =	swait.ge [sflag:s9], $0x5800  }
0x39: {  	[sflag:s9] =	ssyncset.done $0x0  }
0x3a: {  	s10 =	simm.s32 $0x3;
	[sflag:s9] =	ssyncadd.s32 $0xFFFFA800  }
0x3b: {  	s12 =	simm.s32 $0x0;
	s11 =	simm.s32 $0x0;
	_ =	swait.ge [sflag:s10], $0x5800  }
0x3c: {  	s1 =	sand.u32 $0x60, s12;
	s8 =	sand.u32 $0x3C00, s11;
	[sflag:s10] =	ssyncset.done $0x0  }
0x3d: {  	s13 =	simm.s32 $0x0;
	s15 =	sor.u32 s1, s8;
	[sflag:s10] =	ssyncadd.s32 $0xFFFFA800  }
0x3e: {  	v2 =	vor.u32 s13, v0;
	v1 =	vld [tilespmem:s15+$0x0];
	_ =	sdelay $0x4  }
0x3f: {  	s16 =	simm.s32 $0x1;
	[tilespmem:v2+s14+$0x0] =	vst.idx.msk $0xffff, v1  }
0x40: {  	s17 =	simm.s32 $0x10;
	v2 =	vor.u32 s16, v0;
	v1 =	vld [tilespmem:s15+$0x80]  }
0x41: {  	s7 =	sand.u32 $0x70, s17  }
0x42: {  	s18 =	simm.s32 $0x100;
	s19 =	sor.u32 s7, s8  }
0x43: {  	v3 =	vor.u32 s18, v0;
	v4 =	vld [tilespmem:s19+$0x0];
	_ =	sdelay $0x1  }
0x44: {  	s20 =	simm.s32 $0x2;
	[tilespmem:v2+s14+$0x0] =	vst.idx.msk $0xffff, v1  }
0x45: {  	v2 =	vor.u32 s20, v0;
	v1 =	vld [tilespmem:s15+$0x100];
	_ =	sdelay $0x1  }
0x46: {  	s21 =	simm.s32 $0x101;
	[tilespmem:v3+s14+$0x0] =	vst.idx.msk $0xffff, v4  }
0x47: {  	v3 =	vor.u32 s21, v0;
	v4 =	vld [tilespmem:s19+$0x80];
	_ =	sdelay $0x1  }
0x48: {  	s22 =	simm.s32 $0x3;
	[tilespmem:v2+s14+$0x0] =	vst.idx.msk $0xffff, v1  }
0x49: {  	v2 =	vor.u32 s22, v0;
	v1 =	vld [tilespmem:s15+$0x180];
	_ =	sdelay $0x1  }
0x4a: {  	s23 =	simm.s32 $0x102;
	[tilespmem:v3+s14+$0x0] =	vst.idx.msk $0xffff, v4  }
0x4b: {  	v3 =	vor.u32 s23, v0;
	v4 =	vld [tilespmem:s19+$0x100];
	_ =	sdelay $0x1  }
0x4c: {  	s24 =	simm.s32 $0x4;
	[tilespmem:v2+s14+$0x0] =	vst.idx.msk $0xffff, v1  }
0x4d: {  	v2 =	vor.u32 s24, v0;
	v1 =	vld [tilespmem:s15+$0x200];
	_ =	sdelay $0x1  }
0x4e: {  	s25 =	simm.s32 $0x100;
	s4 =	simm.s32 $0x20;
	s6 =	simm.s32 $0x103;
	[tilespmem:v3+s14+$0x0] =	vst.idx.msk $0xffff, v4  }
0x4f: {  	s5 =	sand.u32 $0x60, s4;
	s12 =	sand.u32 $0x3C00, s25;
	v3 =	vor.u32 s6, v0;
	v4 =	vld [tilespmem:s19+$0x180]  }
0x50: {  	s26 =	simm.s32 $0x200;
	s0 =	sor.u32 s5, s12  }
0x51: {  	s31 =	simm.s32 $0x5;
	[tilespmem:v2+s14+$0x0] =	vst.idx.msk $0xffff, v1;
	v1 =	vld [tilespmem:s0+$0x0];
	v2 =	vor.u32 s26, v0  }
0x52: {  	v6 =	vor.u32 s31, v0;
	v5 =	vld [tilespmem:s15+$0x280];
	_ =	sdelay $0x1  }
0x53: {  	s9 =	simm.s32 $0x104;
	s6 =	sand.u32 $0x3, s11;
	[tilespmem:v3+s14+$0x0] =	vst.idx.msk $0xffff, v4  }
0x54: {  	s3 =	sshll.u32 s6, $0x5;
	v3 =	vor.u32 s9, v0;
	v4 =	vld [tilespmem:s19+$0x200]  }
0x55: {  	s10 =	simm.s32 $0x201;
	s3 =	sadd.s32 $0x0, s3;
	[tilespmem:v2+s14+$0x0] =	vst.idx.msk $0xffff, v1  }
0x56: {  	s13 =	sor.u32 $0x300, s3;
	s9 =	simm.s32 $0x6;
	s15 =	simm.s32 $0x30;
	v2 =	vor.u32 s10, v0;
	[tilespmem:v6+s14+$0x0] =	vst.idx.msk $0xffff, v5;
	v1 =	vld [tilespmem:s0+$0x80]  }
0x57: {  	s10 =	sand.u32 $0x70, s15;
	v6 =	vor.u32 s9, v0;
	v5 =	vld [tilespmem:s13+$0x0]  }
0x58: {  	s16 =	simm.s32 $0x300;
	s9 =	sor.u32 s10, s12  }
0x59: {  	s17 =	simm.s32 $0x105;
	[tilespmem:v3+s14+$0x0] =	vst.idx.msk $0xffff, v4;
	v3 =	vor.u32 s16, v0;
	v4 =	vld [tilespmem:s9+$0x0]  }
0x5a: {  	v7 =	vor.u32 s17, v0;
	v8 =	vld [tilespmem:s19+$0x280]  }
0x5b: {  	s18 =	simm.s32 $0x202;
	[tilespmem:v2+s14+$0x0] =	vst.idx.msk $0xffff, v1  }
0x5c: {  	s20 =	sand.u32 $0x7, s11;
	s3 =	sor.u32 $0x380, s3;
	s19 =	simm.s32 $0x7;
	v2 =	vor.u32 s18, v0;
	[tilespmem:v6+s14+$0x0] =	vst.idx.msk $0xffff, v5;
	v1 =	vld [tilespmem:s0+$0x100]  }
0x5d: {  	s2 =	sshll.u32 s20, $0x4;
	v6 =	vor.u32 s19, v0;
	v5 =	vld [tilespmem:s3+$0x0]  }
0x5e: {  	s21 =	simm.s32 $0x301;
	s2 =	sadd.s32 $0x10, s2;
	[tilespmem:v3+s14+$0x0] =	vst.idx.msk $0xffff, v4  }
0x5f: {  	s23 =	sor.u32 $0x300, s2;
	s22 =	simm.s32 $0x106;
	[tilespmem:v7+s14+$0x0] =	vst.idx.msk $0xffff, v8;
	v3 =	vor.u32 s21, v0;
	v4 =	vld [tilespmem:s9+$0x80]  }
0x60: {  	v7 =	vor.u32 s22, v0;
	v8 =	vld [tilespmem:s23+$0x0]  }
0x61: {  	s25 =	simm.s32 $0x203;
	s24 =	sadd.s32 $0x2C00, s8;
	[tilespmem:v2+s14+$0x0] =	vst.idx.msk $0xffff, v1  }
0x62: {  	s31 =	simm.s32 $0x8;
	s26 =	sor.u32 s1, s24;
	v2 =	vor.u32 s25, v0;
	[tilespmem:v6+s14+$0x0] =	vst.idx.msk $0xffff, v5;
	v1 =	vld [tilespmem:s0+$0x180]  }
0x63: {  	v6 =	vor.u32 s31, v0;
	v5 =	vld [tilespmem:s26+$0x0]  }
0x64: {  	s11 =	simm.s32 $0x302;
	[tilespmem:v3+s14+$0x0] =	vst.idx.msk $0xffff, v4  }
0x65: {  	s2 =	sor.u32 $0x380, s2;
	s13 =	simm.s32 $0x107;
	[tilespmem:v7+s14+$0x0] =	vst.idx.msk $0xffff, v8;
	v3 =	vor.u32 s11, v0;
	v4 =	vld [tilespmem:s9+$0x100]  }
0x66: {  	v7 =	vor.u32 s13, v0;
	v8 =	vld [tilespmem:s2+$0x0]  }
0x67: {  	s4 =	sadd.s32 $0x2C80, s8;
	s15 =	simm.s32 $0x204;
	[tilespmem:v2+s14+$0x0] =	vst.idx.msk $0xffff, v1  }
0x68: {  	s17 =	simm.s32 $0x9;
	s16 =	sor.u32 s1, s4;
	v2 =	vor.u32 s15, v0;
	[tilespmem:v6+s14+$0x0] =	vst.idx.msk $0xffff, v5;
	v1 =	vld [tilespmem:s0+$0x200]  }
0x69: {  	v6 =	vor.u32 s17, v0;
	v5 =	vld [tilespmem:s16+$0x0]  }
0x6a: {  	s18 =	simm.s32 $0x303;
	[tilespmem:v3+s14+$0x0] =	vst.idx.msk $0xffff, v4  }
0x6b: {  	s20 =	sor.u32 s7, s24;
	s24 =	simm.s32 $0x200;
	s19 =	simm.s32 $0x108;
	[tilespmem:v7+s14+$0x0] =	vst.idx.msk $0xffff, v8;
	v3 =	vor.u32 s18, v0;
	v4 =	vld [tilespmem:s9+$0x180]  }
0x6c: {  	s4 =	sor.u32 s7, s4;
	s22 =	simm.s32 $0x205;
	s13 =	sadd.s32 $0x2D00, s8;
	v7 =	vor.u32 s19, v0;
	v8 =	vld [tilespmem:s20+$0x0]  }
0x6d: {  	s23 =	simm.s32 $0xA;
	s21 =	sor.u32 s1, s13;
	s15 =	simm.s32 $0x40;
	[tilespmem:v2+s14+$0x0] =	vst.idx.msk $0xffff, v1  }
0x6e: {  	s3 =	sand.u32 $0x3C00, s24;
	s25 =	simm.s32 $0x1;
	s2 =	sand.u32 $0x60, s15;
	v2 =	vor.u32 s22, v0;
	[tilespmem:v6+s14+$0x0] =	vst.idx.msk $0xffff, v5;
	v1 =	vld [tilespmem:s0+$0x280]  }
0x6f: {  	s26 =	simm.s32 $0x400;
	s6 =	sor.u32 s2, s3;
	v6 =	vor.u32 s23, v0;
	s0 =	sand.u32 $0x3, s25;
	v5 =	vld [tilespmem:s21+$0x0]  }
0x70: {  	s17 =	simm.s32 $0x50;
	s16 =	simm.s32 $0x304;
	[tilespmem:v3+s14+$0x0] =	vst.idx.msk $0xffff, v4;
	v3 =	vld [tilespmem:s6+$0x0];
	v4 =	vor.u32 s26, v0;
	s0 =	sshll.u32 s0, $0x5  }
0x71: {  	s31 =	simm.s32 $0x109;
	[tilespmem:v7+s14+$0x0] =	vst.idx.msk $0xffff, v8;
	v9 =	vor.u32 s16, v0;
	v7 =	vld [tilespmem:s9+$0x200];
	s18 =	sadd.s32 $0x100, s0;
	s0 =	sand.u32 $0x70, s17  }
0x72: {  	v8 =	vor.u32 s31, v0;
	v10 =	vld [tilespmem:s4+$0x0];
	s23 =	simm.s32 $0x500;
	s11 =	sor.u32 s0, s3  }
0x73: {  	s19 =	simm.s32 $0x206;
	s4 =	sadd.s32 $0x2D80, s8;
	v11 =	vor.u32 s23, v0;
	s22 =	sor.u32 $0x300, s18;
	v12 =	vld [tilespmem:s11+$0x0];
	[tilespmem:v2+s14+$0x0] =	vst.idx.msk $0xffff, v1  }
0x74: {  	s20 =	sor.u32 s1, s4;
	s21 =	simm.s32 $0xB;
	v2 =	vor.u32 s19, v0;
	[tilespmem:v6+s14+$0x0] =	vst.idx.msk $0xffff, v5;
	v1 =	vld [tilespmem:s22+$0x0]  }
0x75: {  	s24 =	simm.s32 $0x401;
	[tilespmem:v4+s14+$0x0] =	vst.idx.msk $0xffff, v3;
	v6 =	vor.u32 s21, v0;
	v5 =	vld [tilespmem:s20+$0x0]  }
0x76: {  	s25 =	simm.s32 $0x305;
	v4 =	vor.u32 s24, v0;
	[tilespmem:v9+s14+$0x0] =	vst.idx.msk $0xffff, v7;
	v3 =	vld [tilespmem:s6+$0x80]  }
0x77: {  	s13 =	sor.u32 s7, s13;
	s26 =	simm.s32 $0x10A;
	[tilespmem:v8+s14+$0x0] =	vst.idx.msk $0xffff, v10;
	v7 =	vor.u32 s25, v0;
	v8 =	vld [tilespmem:s9+$0x280]  }
0x78: {  	s31 =	simm.s32 $0x2;
	v10 =	vld [tilespmem:s13+$0x0];
	s17 =	sor.u32 $0x380, s18;
	s24 =	simm.s32 $0x501;
	v9 =	vor.u32 s26, v0;
	[tilespmem:v11+s14+$0x0] =	vst.idx.msk $0xffff, v12  }
0x79: {  	s18 =	simm.s32 $0x207;
	s9 =	sadd.s32 $0x2E00, s8;
	s20 =	sand.u32 $0x7, s31;
	v11 =	vor.u32 s24, v0;
	v12 =	vld [tilespmem:s11+$0x80];
	[tilespmem:v2+s14+$0x0] =	vst.idx.msk $0xffff, v1  }
0x7a: {  	s22 =	simm.s32 $0xC;
	s21 =	sor.u32 s1, s9;
	s23 =	sshll.u32 s20, $0x4;
	v2 =	vor.u32 s18, v0;
	[tilespmem:v6+s14+$0x0] =	vst.idx.msk $0xffff, v5;
	v1 =	vld [tilespmem:s17+$0x0]  }
0x7b: {  	s25 =	simm.s32 $0x402;
	s13 =	sadd.s32 $0x110, s23;
	[tilespmem:v4+s14+$0x0] =	vst.idx.msk $0xffff, v3;
	v6 =	vor.u32 s22, v0;
	v5 =	vld [tilespmem:s21+$0x0]  }
0x7c: {  	s26 =	simm.s32 $0x306;
	s31 =	sor.u32 $0x300, s13;
	v4 =	vor.u32 s25, v0;
	[tilespmem:v7+s14+$0x0] =	vst.idx.msk $0xffff, v8;
	v3 =	vld [tilespmem:s6+$0x100]  }
0x7d: {  	s4 =	sor.u32 s7, s4;
	[tilespmem:v9+s14+$0x0] =	vst.idx.msk $0xffff, v10;
	s17 =	simm.s32 $0x10B;
	v7 =	vor.u32 s26, v0;
	v8 =	vld [tilespmem:s31+$0x0]  }
0x7e: {  	s16 =	sadd.s32 $0x2C00, s12;
	s23 =	simm.s32 $0x502;
	v10 =	vld [tilespmem:s4+$0x0];
	v9 =	vor.u32 s17, v0;
	[tilespmem:v11+s14+$0x0] =	vst.idx.msk $0xffff, v12  }
0x7f: {  	s19 =	sadd.s32 $0x2E80, s8;
	s20 =	simm.s32 $0x208;
	s18 =	sor.u32 s5, s16;
	v11 =	vor.u32 s23, v0;
	v12 =	vld [tilespmem:s11+$0x100];
	[tilespmem:v2+s14+$0x0] =	vst.idx.msk $0xffff, v1  }
0x80: {  	s22 =	simm.s32 $0xD;
	s21 =	sor.u32 s1, s19;
	v2 =	vor.u32 s20, v0;
	[tilespmem:v6+s14+$0x0] =	vst.idx.msk $0xffff, v5;
	v1 =	vld [tilespmem:s18+$0x0]  }
0x81: {  	s24 =	simm.s32 $0x403;
	[tilespmem:v4+s14+$0x0] =	vst.idx.msk $0xffff, v3;
	v6 =	vor.u32 s22, v0;
	v5 =	vld [tilespmem:s21+$0x0]  }
0x82: {  	s13 =	sor.u32 $0x380, s13;
	s26 =	simm.s32 $0x307;
	v4 =	vor.u32 s24, v0;
	[tilespmem:v7+s14+$0x0] =	vst.idx.msk $0xffff, v8;
	v3 =	vld [tilespmem:s6+$0x180]  }
0x83: {  	s9 =	sor.u32 s7, s9;
	s25 =	simm.s32 $0x10C;
	v7 =	vor.u32 s26, v0;
	[tilespmem:v9+s14+$0x0] =	vst.idx.msk $0xffff, v10;
	v8 =	vld [tilespmem:s13+$0x0]  }
0x84: {  	s15 =	simm.s32 $0x10E;
	s24 =	simm.s32 $0x503;
	v9 =	vor.u32 s25, v0;
	s13 =	sadd.s32 $0x2C80, s12;
	v10 =	vld [tilespmem:s9+$0x0];
	[tilespmem:v11+s14+$0x0] =	vst.idx.msk $0xffff, v12  }
0x85: {  	s17 =	simm.s32 $0x209;
	s22 =	sadd.s32 $0x2F00, s8;
	s31 =	sor.u32 s5, s13;
	v11 =	vor.u32 s24, v0;
	v12 =	vld [tilespmem:s11+$0x180];
	[tilespmem:v2+s14+$0x0] =	vst.idx.msk $0xffff, v1  }
0x86: {  	s16 =	sor.u32 s10, s16;
	s23 =	simm.s32 $0xE;
	s18 =	sor.u32 s1, s22;
	v2 =	vor.u32 s17, v0;
	[tilespmem:v6+s14+$0x0] =	vst.idx.msk $0xffff, v5;
	v1 =	vld [tilespmem:s31+$0x0]  }
0x87: {  	s4 =	simm.s32 $0x10D;
	s19 =	sor.u32 s7, s19;
	[tilespmem:v4+s14+$0x0] =	vst.idx.msk $0xffff, v3;
	v6 =	vor.u32 s23, v0;
	s31 =	simm.s32 $0x404;
	v5 =	vld [tilespmem:s18+$0x0]  }
0x88: {  	s20 =	simm.s32 $0x30A;
	s26 =	simm.s32 $0x308;
	s25 =	simm.s32 $0x309;
	[tilespmem:v7+s14+$0x0] =	vst.idx.msk $0xffff, v8;
	v4 =	vld [tilespmem:s6+$0x200];
	v3 =	vor.u32 s31, v0  }
0x89: {  	s21 =	simm.s32 $0x505;
	s22 =	sor.u32 s7, s22;
	s17 =	sadd.s32 $0x2D00, s12;
	v7 =	vor.u32 s26, v0;
	[tilespmem:v9+s14+$0x0] =	vst.idx.msk $0xffff, v10;
	v8 =	vld [tilespmem:s16+$0x0]  }
0x8a: {  	s13 =	sor.u32 s10, s13;
	s23 =	simm.s32 $0x504;
	v9 =	vor.u32 s4, v0;
	s24 =	sor.u32 s5, s17;
	v10 =	vld [tilespmem:s19+$0x0];
	[tilespmem:v11+s14+$0x0] =	vst.idx.msk $0xffff, v12  }
0x8b: {  	s26 =	simm.s32 $0x20A;
	s16 =	simm.s32 $0x4;
	s18 =	sadd.s32 $0x2F80, s8;
	v11 =	vor.u32 s23, v0;
	v12 =	vld [tilespmem:s11+$0x200];
	[tilespmem:v2+s14+$0x0] =	vst.idx.msk $0xffff, v1  }
0x8c: {  	s31 =	simm.s32 $0xF;
	s9 =	sand.u32 $0x7, s16;
	s1 =	sor.u32 s1, s18;
	v2 =	vor.u32 s26, v0;
	[tilespmem:v6+s14+$0x0] =	vst.idx.msk $0xffff, v5;
	v1 =	vld [tilespmem:s24+$0x0]  }
0x8d: {  	s9 =	sshll.u32 s9, $0x4;
	s23 =	sor.u32 s10, s17;
	s17 =	simm.s32 $0x405;
	v6 =	vor.u32 s31, v0;
	[tilespmem:v3+s14+$0x0] =	vst.idx.msk $0xffff, v4;
	v5 =	vld [tilespmem:s1+$0x0]  }
0x8e: {  	s19 =	simm.s32 $0x300;
	s16 =	simm.s32 $0x70;
	s4 =	sadd.s32 $0x210, s9;
	[tilespmem:v7+s14+$0x0] =	vst.idx.msk $0xffff, v8;
	v4 =	vor.u32 s17, v0;
	v3 =	vld [tilespmem:s6+$0x280]  }
0x8f: {  	s9 =	sand.u32 $0x3C00, s19;
	s26 =	simm.s32 $0x20B;
	s24 =	sor.u32 s7, s18;
	v7 =	vor.u32 s25, v0;
	[tilespmem:v9+s14+$0x0] =	vst.idx.msk $0xffff, v10;
	v8 =	vld [tilespmem:s13+$0x0]  }
0x90: {  	s7 =	simm.s32 $0x2;
	s18 =	simm.s32 $0x60;
	s31 =	simm.s32 $0x600;
	[tilespmem:v11+s14+$0x0] =	vst.idx.msk $0xffff, v12  }
0x91: {  	v9 =	vor.u32 s15, v0;
	s13 =	sand.u32 $0x60, s18;
	s6 =	sadd.s32 $0x2D80, s12;
	v10 =	vld [tilespmem:s22+$0x0];
	s22 =	sand.u32 $0x3, s7;
	[tilespmem:v2+s14+$0x0] =	vst.idx.msk $0xffff, v1  }
0x92: {  	s18 =	sand.u32 $0x70, s16;
	s25 =	sor.u32 s5, s6;
	s1 =	sshll.u32 s22, $0x5;
	v11 =	vor.u32 s21, v0;
	v12 =	vld [tilespmem:s11+$0x280];
	[tilespmem:v6+s14+$0x0] =	vst.idx.msk $0xffff, v5  }
0x93: {  	s15 =	sor.u32 s13, s9;
	s28 =	sor.u32 s10, s6;
	s17 =	sadd.s32 $0x200, s1;
	v2 =	vor.u32 s26, v0;
	v1 =	vld [tilespmem:s25+$0x0];
	[tilespmem:v4+s14+$0x0] =	vst.idx.msk $0xffff, v3  }
0x94: {  	s21 =	simm.s32 $0x406;
	s1 =	sor.u32 $0x300, s17;
	s11 =	sor.u32 $0x380, s17;
	v5 =	vld [tilespmem:s15+$0x0];
	v6 =	vor.u32 s31, v0;
	[tilespmem:v7+s14+$0x0] =	vst.idx.msk $0xffff, v8  }
0x95: {  	s26 =	simm.s32 $0x700;
	v4 =	vor.u32 s21, v0;
	v3 =	vld [tilespmem:s1+$0x0];
	[dreg:$0x4] =	wrdreg s9;
	s1 =	sor.u32 s18, s9  }
0x96: {  	s17 =	sadd.s32 $0x2E80, s12;
	s25 =	sor.u32 $0x300, s4;
	s31 =	sadd.s32 $0x2E00, s12;
	v7 =	vor.u32 s26, v0;
	[tilespmem:v9+s14+$0x0] =	vst.idx.msk $0xffff, v10;
	v8 =	vld [tilespmem:s1+$0x0]  }
0x97: {  	s8 =	sor.u32 s5, s31;
	v9 =	vor.u32 s20, v0;
	v10 =	vld [tilespmem:s23+$0x0];
	s20 =	sor.u32 s10, s31;
	s31 =	simm.s32 $0x506;
	[tilespmem:v11+s14+$0x0] =	vst.idx.msk $0xffff, v12  }
0x98: {  	s22 =	simm.s32 $0x30D;
	s6 =	sor.u32 s10, s17;
	s9 =	simm.s32 $0x20C;
	v11 =	vor.u32 s31, v0;
	v12 =	vld [tilespmem:s25+$0x0];
	[tilespmem:v2+s14+$0x0] =	vst.idx.msk $0xffff, v1  }
0x99: {  	s26 =	simm.s32 $0x601;
	s4 =	sor.u32 $0x380, s4;
	s23 =	sor.u32 s5, s17;
	[tilespmem:v6+s14+$0x0] =	vst.idx.msk $0xffff, v5;
	v5 =	vor.u32 s9, v0;
	v13 =	vld [tilespmem:s8+$0x0]  }
0x9a: {  	s17 =	simm.s32 $0x407;
	s31 =	simm.s32 $0x701;
	v6 =	vor.u32 s26, v0;
	s9 =	simm.s32 $0x10F;
	v14 =	vld [tilespmem:s15+$0x80];
	[tilespmem:v4+s14+$0x0] =	vst.idx.msk $0xffff, v3  }
0x9b: {  	v15 =	vor.u32 s17, v0;
	s17 =	sadd.s32 $0x2F00, s12;
	s8 =	sadd.s32 $0x2C00, s3;
	v1 =	vor.u32 s9, v0;
	s9 =	simm.s32 $0x30C;
	v4 =	vld [tilespmem:s11+$0x0];
	[tilespmem:v7+s14+$0x0] =	vst.idx.msk $0xffff, v8  }
0x9c: {  	v31 =	vor.u32 s22, v0;
	s29 =	sor.u32 s2, s8;
	s21 =	sor.u32 s0, s8;
	v7 =	vor.u32 s31, v0;
	[tilespmem:v9+s14+$0x0] =	vst.idx.msk $0xffff, v10;
	s8 =	simm.s32 $0x30B;
	v8 =	vld [tilespmem:s1+$0x80]  }
0x9d: {  	s22 =	sor.u32 s10, s17;
	s26 =	simm.s32 $0x30F;
	v10 =	vor.u32 s9, v0;
	s9 =	simm.s32 $0x507;
	v9 =	vor.u32 s8, v0;
	v16 =	vld [tilespmem:s28+$0x0];
	[tilespmem:v11+s14+$0x0] =	vst.idx.msk $0xffff, v12  }
0x9e: {  	s25 =	simm.s32 $0x708;
	v2 =	vor.u32 s26, v0;
	s26 =	simm.s32 $0x20D;
	s31 =	simm.s32 $0x30E;
	v17 =	vor.u32 s9, v0;
	v18 =	vld [tilespmem:s4+$0x0];
	[tilespmem:v5+s14+$0x0] =	vst.idx.msk $0xffff, v13  }
0x9f: {  	s28 =	sor.u32 s5, s17;
	s8 =	simm.s32 $0x602;
	v3 =	vor.u32 s31, v0;
	s17 =	simm.s32 $0x508;
	v13 =	vor.u32 s26, v0;
	[tilespmem:v6+s14+$0x0] =	vst.idx.msk $0xffff, v14;
	v5 =	vld [tilespmem:s23+$0x0]  }
0xa0: {  	s11 =	simm.s32 $0x50F;
	s31 =	simm.s32 $0x50A;
	v24 =	vor.u32 s17, v0;
	v6 =	vor.u32 s8, v0;
	s8 =	simm.s32 $0x408;
	v14 =	vld [tilespmem:s15+$0x100];
	[tilespmem:v15+s14+$0x0] =	vst.idx.msk $0xffff, v4  }
0xa1: {  	s9 =	simm.s32 $0x50B;
	s17 =	simm.s32 $0x702;
	v11 =	vor.u32 s31, v0;
	s26 =	simm.s32 $0x509;
	v19 =	vor.u32 s8, v0;
	v15 =	vld [tilespmem:s29+$0x0];
	[tilespmem:v7+s14+$0x0] =	vst.idx.msk $0xffff, v8  }
0xa2: {  	s31 =	simm.s32 $0x50D;
	s4 =	sadd.s32 $0x2F80, s12;
	v12 =	vor.u32 s26, v0;
	s26 =	simm.s32 $0x50C;
	v8 =	vor.u32 s17, v0;
	[tilespmem:v9+s14+$0x0] =	vst.idx.msk $0xffff, v16;
	v20 =	vld [tilespmem:s1+$0x100]  }
0xa3: {  	s12 =	simm.s32 $0x70F;
	s8 =	simm.s32 $0x20E;
	s29 =	simm.s32 $0x50E;
	v9 =	vor.u32 s9, v0;
	v7 =	vor.u32 s26, v0;
	v16 =	vld [tilespmem:s20+$0x0];
	[tilespmem:v17+s14+$0x0] =	vst.idx.msk $0xffff, v18  }
0xa4: {  	s23 =	sor.u32 s5, s4;
	v23 =	vor.u32 s8, v0;
	s9 =	simm.s32 $0x703;
	s26 =	simm.s32 $0x704;
	v4 =	vor.u32 s29, v0;
	v26 =	vld [tilespmem:s21+$0x0];
	[tilespmem:v13+s14+$0x0] =	vst.idx.msk $0xffff, v5  }
0xa5: {  	s17 =	simm.s32 $0x603;
	s29 =	sadd.s32 $0x2C80, s3;
	v27 =	vor.u32 s9, v0;
	v21 =	vor.u32 s26, v0;
	s9 =	simm.s32 $0x409;
	[tilespmem:v6+s14+$0x0] =	vst.idx.msk $0xffff, v14;
	v13 =	vld [tilespmem:s28+$0x0]  }
0xa6: {  	s5 =	sor.u32 s10, s4;
	s26 =	simm.s32 $0x709;
	s8 =	sor.u32 s2, s29;
	v32 =	vor.u32 s9, v0;
	v6 =	vor.u32 s17, v0;
	v25 =	vld [tilespmem:s15+$0x180];
	[tilespmem:v19+s14+$0x0] =	vst.idx.msk $0xffff, v15  }
0xa7: {  	s10 =	simm.s32 $0x6;
	v22 =	vor.u32 s26, v0;
	v5 =	vor.u32 s31, v0;
	s31 =	simm.s32 $0x706;
	s17 =	simm.s32 $0x707;
	v30 =	vld [tilespmem:s8+$0x0];
	[tilespmem:v8+s14+$0x0] =	vst.idx.msk $0xffff, v20  }
0xa8: {  	s20 =	simm.s32 $0x6;
	s26 =	simm.s32 $0x70E;
	v17 =	vor.u32 s17, v0;
	v20 =	vor.u32 s31, v0;
	[tilespmem:v10+s14+$0x0] =	vst.idx.msk $0xffff, v16;
	s31 =	simm.s32 $0x70A;
	v8 =	vld [tilespmem:s1+$0x180]  }
0xa9: {  	s9 =	simm.s32 $0x70C;
	s28 =	simm.s32 $0x705;
	v15 =	vor.u32 s26, v0;
	v33 =	vld [tilespmem:s6+$0x0];
	v19 =	vor.u32 s31, v0;
	s31 =	sor.u32 s0, s29;
	[tilespmem:v24+s14+$0x0] =	vst.idx.msk $0xffff, v26  }
0xaa: {  	s21 =	simm.s32 $0x310;
	s17 =	simm.s32 $0x70D;
	v18 =	vor.u32 s28, v0;
	s8 =	simm.s32 $0x70B;
	v16 =	vor.u32 s25, v0;
	v26 =	vld [tilespmem:s31+$0x0];
	[tilespmem:v23+s14+$0x0] =	vst.idx.msk $0xffff, v13  }
0xab: {  	s28 =	sadd.s32 $0x2D00, s3;
	v14 =	vor.u32 s8, v0;
	s8 =	sand.u32 $0x7, s10;
	[tilespmem:v6+s14+$0x0] =	vst.idx.msk $0xffff, v25;
	v13 =	vor.u32 s9, v0;
	s9 =	simm.s32 $0x604;
	v23 =	vld [tilespmem:s23+$0x0]  }
0xac: {  	v10 =	vor.u32 s17, v0;
	s17 =	simm.s32 $0x20F;
	s26 =	sor.u32 s2, s28;
	s25 =	sshll.u32 s8, $0x4;
	v28 =	vld [tilespmem:s15+$0x200];
	v29 =	vor.u32 s9, v0;
	[tilespmem:v32+s14+$0x0] =	vst.idx.msk $0xffff, v30  }
0xad: {  	s30 =	sor.u32 s0, s28;
	v24 =	vor.u32 s17, v0;
	s25 =	sadd.s32 $0x310, s25;
	s31 =	simm.s32 $0x40A;
	v6 =	vor.u32 s11, v0;
	[tilespmem:v27+s14+$0x0] =	vst.idx.msk $0xffff, v8;
	v25 =	vld [tilespmem:s26+$0x0]  }
0xae: {  	s29 =	simm.s32 $0x300;
	s28 =	sor.u32 $0x300, s25;
	s23 =	simm.s32 $0x90F;
	v8 =	vor.u32 s12, v0;
	v27 =	vor.u32 s31, v0;
	[tilespmem:v31+s14+$0x0] =	vst.idx.msk $0xffff, v33;
	v30 =	vld [tilespmem:s1+$0x200]  }
.LBB2_7:
0xaf: {  	_ = 	snop  }
0xb0: {  	s16 =	sadd.s32 $0x20, s16  }
0xb1: {  	s19 =	sadd.s32 $0x100, s19;
	s4 =	sadd.s32 $0xFFFFFFF0, s16;
	[tilespmem:v29+s14+$0x0] =	vst.idx.msk $0xffff, v28;
	v28 =	vld [tilespmem:s22+$0x0]  }
0xb2: {  	s31 =	sadd.s32 $0xFFFFFEF6, s12;
	s6 =	sand.u32 $0x60, s4;
	s22 =	sand.u32 $0x3C00, s19;
	[tilespmem:v24+s14+$0x0] =	vst.idx.msk $0xffff, v23;
	v23 =	vld [tilespmem:s24+$0x0]  }
0xb3: {  	s26 =	sadd.s32 $0xFFFFFEF1, s23;
	v29 =	vor.u32 s31, v0;
	v24 =	vld [tilespmem:s15+$0x280];
	[tilespmem:v12+s14+$0x0] =	vst.idx.msk $0xffff, v26;
	s15 =	sor.u32 s6, s22  }
0xb4: {  	s7 =	sadd.s32 $0x1, s7;
	s17 =	simm.s32 $0xB000;
	s31 =	sadd.s32 $0x2D80, s3;
	v12 =	vmov v22;
	v26 =	vor.u32 s26, v0;
	[tilespmem:v21+s14+$0x0] =	vst.idx.msk $0xffff, v30;
	v22 =	vld [tilespmem:s15+$0x0]  }
0xb5: {  	s8 =	sor.u32 s2, s31;
	s26 =	sand.u32 $0x3, s7;
	[tilespmem:v27+s14+$0x0] =	vst.idx.msk $0xffff, v25;
	v21 =	vld [tilespmem:s30+$0x0];
	s30 =	sadd.s32 $0xFFFFFEFC, s11  }
0xb6: {  	s9 =	sadd.s32 $0xFFFFFFF1, s23;
	s24 =	sand.u32 $0x70, s16;
	s4 =	sshll.u32 s26, $0x5;
	v27 =	vld [tilespmem:s8+$0x0];
	v30 =	vor.u32 s30, v0;
	[tilespmem:v3+s17+$0x0] =	vst.idx.msk $0xffff, v28  }
0xb7: {  	v31 =	vor.u32 s23, v0;
	s26 =	sadd.s32 $0xFFFFFFF2, s23;
	s4 =	sadd.s32 s4, s29;
	v3 =	vmovc v4;
	v4 =	vmov v15;
	v15 =	vor.u32 s9, v0;
	v28 =	vld [tilespmem:s1+$0x280];
	s1 =	sor.u32 s24, s22;
	[tilespmem:v1+s17+$0x0] =	vst.idx.msk $0xffff, v23  }
0xb8: {  	v1 =	vmovc v2;
	v2 =	vmovc v6;
	v6 =	vmov v8;
	v8 =	vmov v31;
	v31 =	vor.u32 s26, v0;
	s26 =	sor.u32 $0x300, s4;
	v23 =	vld [tilespmem:s1+$0x0];
	[tilespmem:v29+s17+$0x0] =	vst.idx.msk $0xffff, v24  }
0xb9: {  	s29 =	sadd.s32 $0xFFFFFEF7, s12;
	v29 =	vld [tilespmem:s26+$0x0];
	[tilespmem:v26+s17+$0x0] =	vst.idx.msk $0xffff, v22  }
0xba: {  	v32 =	vor.u32 s29, v0;
	[tilespmem:v11+s17+$0x0] =	vst.idx.msk $0xffff, v21  }
0xbb: {  	s14 =	sadd.s32 $0x2E00, s3;
	s26 =	sadd.s32 $0xFFFFFEF2, s23;
	v26 =	vld [tilespmem:s15+$0x80];
	[tilespmem:v30+s17+$0x0] =	vst.idx.msk $0xffff, v27  }
0xbc: {  	s9 =	sadd.s32 $0xFFFFFFF4, s23;
	s29 =	sadd.s32 $0xFFFFFEFD, s11;
	v33 =	vor.u32 s26, v0;
	s26 =	sor.u32 s2, s14;
	[tilespmem:v18+s17+$0x0] =	vst.idx.msk $0xffff, v28  }
0xbd: {  	s8 =	sadd.s32 $0xFFFFFFF3, s23;
	s30 =	sadd.s32 $0xFFFFFFF5, s23;
	v25 =	vor.u32 s9, v0;
	s9 =	sadd.s32 $0xFFFFFFF7, s23;
	v30 =	vor.u32 s29, v0;
	v28 =	vld [tilespmem:s26+$0x0];
	[tilespmem:v15+s17+$0x0] =	vst.idx.msk $0xffff, v23  }
0xbe: {  	s4 =	sor.u32 $0x380, s4;
	v24 =	vor.u32 s8, v0;
	s8 =	sadd.s32 $0xFFFFFFF6, s23;
	v34 =	vor.u32 s9, v0;
	s9 =	sadd.s32 $0xFFFFFFF8, s23;
	v21 =	vor.u32 s30, v0;
	v23 =	vld [tilespmem:s28+$0x0]  }
0xbf: {  	v11 =	vmov v19;
	v19 =	vor.u32 s8, v0;
	s8 =	sadd.s32 $0xFFFFFFF9, s23;
	s30 =	sadd.s32 $0xFFFFFFFA, s23;
	v27 =	vor.u32 s9, v0;
	s9 =	sadd.s32 $0xFFFFFFFB, s23;
	v36 =	vld [tilespmem:s1+$0x80];
	[tilespmem:v32+s17+$0x0] =	vst.idx.msk $0xffff, v29  }
0xc0: {  	v35 =	vor.u32 s8, v0;
	s8 =	sadd.s32 $0xFFFFFFFC, s23;
	v18 =	vmov v19;
	s26 =	sor.u32 s0, s31;
	v19 =	vor.u32 s9, v0;
	s9 =	sadd.s32 $0xFFFFFEF8, s12;
	v32 =	vld [tilespmem:s4+$0x0]  }
0xc1: {  	v22 =	vor.u32 s30, v0;
	s30 =	sor.u32 s0, s14;
	s14 =	sadd.s32 $0xFFFFFFFE, s23;
	s31 =	sadd.s32 $0xFFFFFFFD, s23;
	v38 =	vor.u32 s9, v0;
	[tilespmem:v33+s17+$0x0] =	vst.idx.msk $0xffff, v26;
	v26 =	vld [tilespmem:s26+$0x0]  }
0xc2: {  	v37 =	vor.u32 s8, v0;
	v58 =	vor.u32 s14, v0;
	s8 =	sadd.s32 $0x2E80, s3;
	s14 =	sadd.s32 $0xFFFFFEFE, s11;
	s4 =	sadd.s32 $0xFFFFFEF3, s23;
	v39 =	vld [tilespmem:s15+$0x100];
	[tilespmem:v30+s17+$0x0] =	vst.idx.msk $0xffff, v28  }
0xc3: {  	s9 =	sor.u32 s2, s8;
	v29 =	vor.u32 s31, v0;
	s31 =	sadd.s32 $0xFFFFFFFF, s23;
	s26 =	rddreg [dreg:$0x4];
	v40 =	vor.u32 s4, v0;
	[tilespmem:v20+s17+$0x0] =	vst.idx.msk $0xffff, v23  }
0xc4: {  	v15 =	vor.u32 s31, v0;
	s31 =	smov.u32 s26;
	s26 =	sor.u32 $0x380, s25;
	v28 =	vor.u32 s14, v0;
	v23 =	vld [tilespmem:s9+$0x0];
	[tilespmem:v31+s17+$0x0] =	vst.idx.msk $0xffff, v36  }
0xc5: {  	s14 =	smov.u32 s22;
	s22 =	sadd.s32 $0x2C00, s31;
	v30 =	vld [tilespmem:s26+$0x0]  }
0xc6: {  	s28 =	sor.u32 s0, s8;
	s25 =	sor.u32 s13, s22;
	[tilespmem:v38+s17+$0x0] =	vst.idx.msk $0xffff, v32;
	v31 =	vld [tilespmem:s1+$0x100];
	s26 =	sadd.s32 $0xFFFFFEF9, s12  }
0xc7: {  	s4 =	smov.u32 s0;
	s0 =	smov.u32 s18;
	s18 =	smov.u32 s24;
	v32 =	vld [tilespmem:s25+$0x0];
	[tilespmem:v9+s17+$0x0] =	vst.idx.msk $0xffff, v26;
	v59 =	vor.u32 s26, v0  }
0xc8: {  	s24 =	smov.u32 s5;
	s5 =	smov.u32 s11;
	[dreg:$0x4] =	wrdreg s14;
	[tilespmem:v40+s17+$0x0] =	vst.idx.msk $0xffff, v39;
	v26 =	vld [tilespmem:s30+$0x0]  }
0xc9: {  	s14 =	sadd.s32 $0xFFFFFEF4, s23;
	s9 =	sor.u32 s0, s22;
	s22 =	sadd.s32 $0x2F00, s3;
	v60 =	vld [tilespmem:s15+$0x180];
	[tilespmem:v28+s17+$0x0] =	vst.idx.msk $0xffff, v23  }
0xca: {  	v61 =	vor.u32 s14, v0;
	s25 =	sor.u32 s2, s22;
	s26 =	sadd.s32 $0xFFFFFEFF, s5;
	[tilespmem:v17+s17+$0x0] =	vst.idx.msk $0xffff, v30  }
0xcb: {  	s11 =	smov.u32 s12;
	v23 =	vld [tilespmem:s25+$0x0];
	v30 =	vor.u32 s26, v0;
	s26 =	sadd.s32 $0x2C80, s31;
	[tilespmem:v24+s17+$0x0] =	vst.idx.msk $0xffff, v31  }
0xcc: {  	s20 =	sadd.s32 $0x2, s20;
	s25 =	sadd.s32 $0xFFFFFEFA, s11;
	[tilespmem:v59+s17+$0x0] =	vst.idx.msk $0xffff, v32;
	s14 =	sor.u32 s13, s26;
	v24 =	vld [tilespmem:s9+$0x0]  }
0xcd: {  	s10 =	sadd.s32 $0x2, s10;
	p1 =	slt.u32 s20, $0x56;
	s3 =	sadd.s32 $0x2F80, s3;
	v62 =	vor.u32 s25, v0;
	v31 =	vld [tilespmem:s14+$0x0]  }
0xce: {  	s22 =	sor.u32 s4, s22;
	v17 =	vmov v27;
	s25 =	sor.u32 s2, s3;
	s2 =	smov.u32 s13;
	v27 =	vld [tilespmem:s1+$0x180];
	[tilespmem:v7+s17+$0x0] =	vst.idx.msk $0xffff, v26  }
0xcf: {  	s8 =	sor.u32 s0, s26;
	s26 =	sadd.s32 $0xFFFFFEF5, s23;
	s9 =	sand.u32 $0x7, s10;
	[tilespmem:v61+s17+$0x0] =	vst.idx.msk $0xffff, v60;
	v63 =	vld [tilespmem:s28+$0x0]  }
0xd0: {  	v7 =	vmov v13;
	v13 =	vmov v29;
	v29 =	vor.u32 s26, v0;
	s26 =	sadd.s32 $0xFFFFFF00, s5;
	s5 =	sor.u32 s4, s3;
	s14 =	simm.s32 $0xB000;
	v28 =	vld [tilespmem:s15+$0x200];
	[tilespmem:v30+s17+$0x0] =	vst.idx.msk $0xffff, v23  }
.Ltmp2:
0xd1: {  	s4 =	sshll.u32 s9, $0x4;
	s9 =	sadd.s32 $0x2D00, s31;
	[tilespmem:v16+s17+$0x0] =	vst.idx.msk $0xffff, v24;
	(pc) =	sbr.rel @p1 .LBB2_7-.Ltmp2, $4  }
0xd2: {  	s21 =	sadd.s32 $0x100, s21;
	v23 =	vld [tilespmem:s25+$0x0];
	[tilespmem:v62+s14+$0x0] =	vst.idx.msk $0xffff, v31;
	s17 =	sor.u32 s2, s9  }
0xd3: {  	s29 =	smov.u32 s19;
	s12 =	smov.u32 s23;
	s13 =	smov.u32 s6;
	[tilespmem:v25+s14+$0x0] =	vst.idx.msk $0xffff, v27;
	v25 =	vld [tilespmem:s17+$0x0]  }
0xd4: {  	v20 =	vmov v34;
	v9 =	vmov v14;
	s23 =	sadd.s32 $0x200, s23;
	s25 =	sadd.s32 s4, s21;
	v24 =	vor.u32 s26, v0;
	s26 =	sadd.s32 $0xFFFFFEFB, s11;
	v26 =	vld [tilespmem:s8+$0x0]  }
0xd5: {  	v14 =	vmovc v37;
	s3 =	smov.u32 s31;
	s30 =	sor.u32 s0, s9;
	v16 =	vmovc v35;
	s28 =	sor.u32 $0x300, s25;
	v27 =	vor.u32 s26, v0;
	v30 =	vld [tilespmem:s1+$0x200];
	[tilespmem:v5+s14+$0x0] =	vst.idx.msk $0xffff, v63;
	v5 =	vmov v10;
	v10 =	vmov v58  }
0xd6: {  	_ =	sdelay $0x3  }
0xd7: {  	[tilespmem:v29+s14+$0x0] =	vst.idx.msk $0xffff, v28;
	s4 =	sadd.s32 $0xFFFFFEF6, s12  }
0xd8: {  	v28 =	vld [tilespmem:s15+$0x280];
	v29 =	vor.u32 s4, v0  }
0xd9: {  	s10 =	sadd.s32 $0x1, s7  }
0xda: {  	s4 =	sand.u32 $0x3, s10;
	[tilespmem:v21+s14+$0x0] =	vst.idx.msk $0xffff, v30  }
0xdb: {  	s15 =	sshll.u32 s4, $0x5;
	v21 =	vld [tilespmem:s1+$0x280]  }
0xdc: {  	s1 =	sadd.s32 s15, s29  }
0xdd: {  	s6 =	sadd.s32 $0xFFFFFEF7, s12;
	[tilespmem:v29+s14+$0x0] =	vst.idx.msk $0xffff, v28;
	s16 =	sor.u32 $0x300, s1  }
0xde: {  	v29 =	vor.u32 s6, v0;
	v28 =	vld [tilespmem:s16+$0x0];
	_ =	sdelay $0x1  }
0xdf: {  	[tilespmem:v18+s14+$0x0] =	vst.idx.msk $0xffff, v21  }
0xe0: {  	v18 =	vld [tilespmem:s28+$0x0];
	_ =	sdelay $0x1  }
0xe1: {  	s17 =	sadd.s32 $0xFFFFFEF8, s12;
	s1 =	sor.u32 $0x380, s1;
	[tilespmem:v29+s14+$0x0] =	vst.idx.msk $0xffff, v28  }
0xe2: {  	v28 =	vor.u32 s17, v0;
	v21 =	vld [tilespmem:s1+$0x0];
	_ =	sdelay $0x1  }
0xe3: {  	[tilespmem:v20+s14+$0x0] =	vst.idx.msk $0xffff, v18  }
0xe4: {  	s19 =	sor.u32 $0x380, s25;
	s10 =	rddreg [dreg:$0x4]  }
0xe5: {  	v18 =	vld [tilespmem:s19+$0x0];
	s20 =	sadd.s32 $0x2C00, s10  }
0xe6: {  	s23 =	sadd.s32 $0xFFFFFEF9, s12;
	[tilespmem:v28+s14+$0x0] =	vst.idx.msk $0xffff, v21;
	s21 =	sor.u32 s13, s20  }
0xe7: {  	v21 =	vor.u32 s23, v0;
	v20 =	vld [tilespmem:s21+$0x0];
	_ =	sdelay $0x2  }
0xe8: {  	s1 =	sor.u32 s18, s20;
	[tilespmem:v17+s14+$0x0] =	vst.idx.msk $0xffff, v18  }
0xe9: {  	s25 =	sadd.s32 $0x2C80, s10;
	v17 =	vld [tilespmem:s1+$0x0]  }
0xea: {  	s31 =	sadd.s32 $0xFFFFFEFA, s12;
	s26 =	sor.u32 s13, s25;
	[tilespmem:v21+s14+$0x0] =	vst.idx.msk $0xffff, v20  }
0xeb: {  	v20 =	vor.u32 s31, v0;
	v18 =	vld [tilespmem:s26+$0x0];
	_ =	sdelay $0x2  }
0xec: {  	s1 =	sor.u32 s18, s25;
	[tilespmem:v16+s14+$0x0] =	vst.idx.msk $0xffff, v17  }
0xed: {  	s7 =	sadd.s32 $0x2D00, s10;
	v16 =	vld [tilespmem:s1+$0x0]  }
0xee: {  	s9 =	sadd.s32 $0xFFFFFEFB, s12;
	s8 =	sor.u32 s13, s7;
	[tilespmem:v20+s14+$0x0] =	vst.idx.msk $0xffff, v18  }
0xef: {  	[tilespmem:v12+s14+$0x0] =	vst.idx.msk $0xffff, v26;
	v17 =	vor.u32 s9, v0;
	v12 =	vld [tilespmem:s8+$0x0]  }
0xf0: {  	v18 =	vld [tilespmem:s30+$0x0];
	_ =	sdelay $0x1  }
0xf1: {  	s15 =	sadd.s32 $0x2D80, s3;
	s1 =	sor.u32 s18, s7;
	[tilespmem:v22+s14+$0x0] =	vst.idx.msk $0xffff, v16  }
0xf2: {  	s16 =	sor.u32 s2, s15;
	s17 =	sadd.s32 $0xFFFFFEFC, s11;
	[tilespmem:v27+s14+$0x0] =	vst.idx.msk $0xffff, v25;
	s19 =	sadd.s32 $0x2D80, s10;
	v16 =	vld [tilespmem:s1+$0x0]  }
0xf3: {  	s20 =	sor.u32 s13, s19;
	s21 =	sadd.s32 $0xFFFFFEFC, s12;
	v21 =	vor.u32 s17, v0;
	v20 =	vld [tilespmem:s16+$0x0];
	[tilespmem:v17+s14+$0x0] =	vst.idx.msk $0xffff, v12  }
0xf4: {  	s4 =	sor.u32 s0, s15;
	[tilespmem:v11+s14+$0x0] =	vst.idx.msk $0xffff, v18;
	v12 =	vor.u32 s21, v0;
	v11 =	vld [tilespmem:s20+$0x0]  }
0xf5: {  	v17 =	vld [tilespmem:s4+$0x0];
	_ =	sdelay $0x1  }
0xf6: {  	s23 =	sadd.s32 $0x2E00, s3;
	s1 =	sor.u32 s18, s19;
	[tilespmem:v19+s14+$0x0] =	vst.idx.msk $0xffff, v16  }
0xf7: {  	s25 =	sor.u32 s2, s23;
	s31 =	sadd.s32 $0x2E00, s10;
	s26 =	sadd.s32 $0xFFFFFEFD, s11;
	[tilespmem:v21+s14+$0x0] =	vst.idx.msk $0xffff, v20;
	v16 =	vld [tilespmem:s1+$0x0]  }
0xf8: {  	s9 =	sadd.s32 $0xFFFFFEFD, s12;
	s8 =	sor.u32 s13, s31;
	v18 =	vld [tilespmem:s25+$0x0];
	v19 =	vor.u32 s26, v0;
	[tilespmem:v12+s14+$0x0] =	vst.idx.msk $0xffff, v11  }
0xf9: {  	s4 =	sor.u32 s0, s23;
	[tilespmem:v9+s14+$0x0] =	vst.idx.msk $0xffff, v17;
	v11 =	vor.u32 s9, v0;
	v9 =	vld [tilespmem:s8+$0x0]  }
0xfa: {  	v12 =	vld [tilespmem:s4+$0x0];
	_ =	sdelay $0x1  }
0xfb: {  	s15 =	sadd.s32 $0x2E80, s3;
	s1 =	sor.u32 s18, s31;
	[tilespmem:v14+s14+$0x0] =	vst.idx.msk $0xffff, v16  }
0xfc: {  	s17 =	sadd.s32 $0xFFFFFEFE, s11;
	s16 =	sor.u32 s2, s15;
	s19 =	sadd.s32 $0x2E80, s10;
	[tilespmem:v19+s14+$0x0] =	vst.idx.msk $0xffff, v18;
	v14 =	vld [tilespmem:s1+$0x0]  }
0xfd: {  	s21 =	sadd.s32 $0xFFFFFEFE, s12;
	s20 =	sor.u32 s13, s19;
	v17 =	vor.u32 s17, v0;
	v16 =	vld [tilespmem:s16+$0x0];
	[tilespmem:v11+s14+$0x0] =	vst.idx.msk $0xffff, v9  }
0xfe: {  	[tilespmem:v7+s14+$0x0] =	vst.idx.msk $0xffff, v12;
	v9 =	vor.u32 s21, v0;
	v7 =	vld [tilespmem:s20+$0x0];
	_ =	sdelay $0x1  }
0xff: {  	s4 =	sor.u32 s0, s15  }
0x100: {  	s1 =	sor.u32 s18, s19;
	v11 =	vld [tilespmem:s4+$0x0];
	[tilespmem:v13+s14+$0x0] =	vst.idx.msk $0xffff, v14  }
0x101: {  	s23 =	sadd.s32 $0x2F00, s3;
	[tilespmem:v17+s14+$0x0] =	vst.idx.msk $0xffff, v16;
	v12 =	vld [tilespmem:s1+$0x0]  }
0x102: {  	s25 =	sor.u32 s2, s23;
	s26 =	sadd.s32 $0xFFFFFEFF, s11;
	s15 =	rddreg [dreg:$0xf];
	[tilespmem:v9+s14+$0x0] =	vst.idx.msk $0xffff, v7  }
0x103: {  	s31 =	sadd.s32 $0x2F00, s10;
	s17 =	sadd.s32 $0xFFFFFEFF, s12;
	v13 =	vld [tilespmem:s25+$0x0];
	v14 =	vor.u32 s26, v0;
	s8 =	rddreg [dreg:$0xb]  }
0x104: {  	s16 =	sor.u32 s13, s31;
	v16 =	vld [tilespmem:s22+$0x0];
	p1 =	seq.s32 s15, $0x1C;
	s9 =	rddreg [dreg:$0x13]  }
0x105: {  	s4 =	sor.u32 s0, s23;
	v7 =	vor.u32 s17, v0;
	[tilespmem:v5+s14+$0x0] =	vst.idx.msk $0xffff, v11;
	v5 =	vld [tilespmem:s16+$0x0];
	s8 =	sadd.s32 @!p1 s8, s9  }
0x106: {  	s1 =	sor.u32 s18, s31;
	v9 =	vld [tilespmem:s4+$0x0];
	s6 =	smulhi.u32 @!p1 $0x4700D503, s8;
	[tilespmem:v10+s14+$0x0] =	vst.idx.msk $0xffff, v12  }
0x107: {  	s19 =	sadd.s32 $0x2F80, s3;
	s23 =	sadd.s32 $0xFFFFFF00, s11;
	s20 =	rddreg [dreg:$0x12];
	[tilespmem:v24+s14+$0x0] =	vst.idx.msk $0xffff, v23;
	v10 =	vld [tilespmem:s1+$0x0]  }
0x108: {  	s22 =	sor.u32 s2, s19;
	v11 =	vld [tilespmem:s24+$0x0];
	[tilespmem:v14+s14+$0x0] =	vst.idx.msk $0xffff, v13;
	s21 =	smul.u32 $0xE6C3, s20;
	s1 =	sshrl.u32 @!p1 s6, $0x9  }
0x109: {  	s24 =	sadd.s32 $0x2F80, s10;
	v12 =	vor.u32 s23, v0;
	[tilespmem:v3+s14+$0x0] =	vst.idx.msk $0xffff, v16;
	v3 =	vld [tilespmem:s22+$0x0];
	s1 =	smul.u32 @!p1 $0x736, s1  }
0x10a: {  	s31 =	sadd.s32 $0xFFFFFF00, s12;
	s26 =	sor.u32 s13, s24;
	v13 =	vld [tilespmem:s5+$0x0];
	[tilespmem:v7+s14+$0x0] =	vst.idx.msk $0xffff, v5;
	s4 =	sshrl.u32 s21, $0x16  }
0x10b: {  	v5 =	vor.u32 s31, v0;
	[tilespmem:v4+s14+$0x0] =	vst.idx.msk $0xffff, v9;
	v4 =	vld [tilespmem:s26+$0x0];
	s25 =	smul.u32 $0x47, s4;
	s1 =	ssub.s32 @!p1 s8, s1;
	s8 =	sor.u32 s0, s19  }
0x10c: {  	s2 =	sor.u32 s18, s24;
	v7 =	vld [tilespmem:s8+$0x0];
	[tilespmem:v15+s14+$0x0] =	vst.idx.msk $0xffff, v10  }
0x10d: {  	[tilespmem:v1+s14+$0x0] =	vst.idx.msk $0xffff, v11;
	s5 =	smul.u32 @!p1 $0x737, s1;
	s10 =	ssub.s32 s20, s25;
	v1 =	vld [tilespmem:s2+$0x0]  }
0x10e: {  	s11 =	smul.u32 $0x186A00, s4;
	[tilespmem:v12+s14+$0x0] =	vst.idx.msk $0xffff, v3;
	s3 =	sand.u32 $0xFFFF, s10  }
0x10f: {  	[tilespmem:v2+s14+$0x0] =	vst.idx.msk $0xffff, v13;
	s12 =	smul.u32 $0x5800, s3;
	s3 =	sshrl.u32 @!p1 s5, $0x11  }
0x110: {  	[tilespmem:v5+s14+$0x0] =	vst.idx.msk $0xffff, v4;
	s4 =	smul.u32 @!p1 $0x47, s3  }
0x111: {  	[tilespmem:v6+s14+$0x0] =	vst.idx.msk $0xffff, v7  }
0x112: {  	s2 =	smul.u32 @!p1 $0x187000, s3;
	s0 =	sadd.s32 s12, s11;
	s1 =	ssub.s32 @!p1 s1, s4;
	[tilespmem:v8+s14+$0x0] =	vst.idx.msk $0xffff, v1  }
0x113: {  	s0 =	sshrl.u32 s0, $0x3;
	s1 =	sand.u32 @!p1 $0xFFFF, s1;
	s13 =	rddreg [dreg:$0x7]  }
0x114: {  	s15 =	simm.s32 $0x0;
	s0 =	sadd.s32 s13, s0;
	s1 =	smul.u32 @!p1 $0x2C00, s1  }
0x115: {  	[hbm4b:s0+s15] =	stream.linear.scatter [tilespmem:s14], [sflag:$0x3], $0x5800, $0x38;
	[tilespmem:$0x19400] =	vst v63  }
0x116: {  	s16 =	simm.s32 $0x2;
	s0 =	sadd.s32 @!p1 s1, s2  }
0x117: {  	s3 =	simm.s32 @!p1 $0x0;
	s1 =	rddreg [dreg:$0x0];
	s0 =	sshrl.u32 @!p1 s0, $0x3  }
0x118: {  	s2 =	simm.s32 @!p1 $0xC3800;
	s0 =	sadd.s32 @!p1 s1, s0;
	s1 =	simm.s32 @!p1 $0x2C00  }
0x119: {  	[tilespmem:s3], [sflag:$0x1] =	stream.strided.gather @!p1 [hbm4b:s0+s1], $0x5800, s2, s1, $0x38;
	[tilespmem:$0x19400] =	vst v63  }
0x11a: {  	_ =	swait.ge [sflag:s16], $0x5800  }
0x11b: {  	[sflag:s16] =	ssyncset.done $0x0  }
0x11c: {  	s17 =	simm.s32 $0x4;
	s2 =	simm.s32 $0x0;
	[sflag:s16] =	ssyncadd.s32 $0xFFFFA800  }
0x11d: {  	s18 =	simm.s32 $0x10;
	s3 =	sand.u32 $0x3C00, s2;
	_ =	swait.ge [sflag:s17], $0x5800  }
0x11e: {  	s1 =	sand.u32 $0x70, s18;
	s19 =	sadd.s32 $0x5800, s3;
	[sflag:s17] =	ssyncset.done $0x0  }
0x11f: {  	s20 =	simm.s32 $0x100;
	s21 =	sor.u32 s1, s19;
	[sflag:s17] =	ssyncadd.s32 $0xFFFFA800  }
0x120: {  	v2 =	vor.u32 s20, v0;
	v1 =	vld [tilespmem:s21+$0x0];
	_ =	sdelay $0x1  }
0x121: {  	s23 =	simm.s32 $0x0  }
0x122: {  	s5 =	sand.u32 $0x60, s23  }
0x123: {  	s24 =	simm.s32 $0x0;
	s4 =	sor.u32 s5, s19;
	s17 =	simm.s32 $0x10800  }
0x124: {  	s22 =	simm.s32 $0x101;
	v3 =	vor.u32 s24, v0;
	v4 =	vld [tilespmem:s4+$0x0];
	[tilespmem:v2+s17+$0x0] =	vst.idx.msk $0xffff, v1  }
0x125: {  	v2 =	vor.u32 s22, v0;
	v1 =	vld [tilespmem:s21+$0x80];
	_ =	sdelay $0x3  }
0x126: {  	s26 =	simm.s32 $0x1;
	[tilespmem:v3+s17+$0x0] =	vst.idx.msk $0xffff, v4  }
0x127: {  	s25 =	simm.s32 $0x102;
	v3 =	vor.u32 s26, v0;
	v4 =	vld [tilespmem:s4+$0x80];
	[tilespmem:v2+s17+$0x0] =	vst.idx.msk $0xffff, v1  }
0x128: {  	v2 =	vor.u32 s25, v0;
	v1 =	vld [tilespmem:s21+$0x100];
	_ =	sdelay $0x3  }
0x129: {  	s7 =	simm.s32 $0x2;
	[tilespmem:v3+s17+$0x0] =	vst.idx.msk $0xffff, v4  }
0x12a: {  	s31 =	simm.s32 $0x103;
	v3 =	vor.u32 s7, v0;
	v4 =	vld [tilespmem:s4+$0x100];
	[tilespmem:v2+s17+$0x0] =	vst.idx.msk $0xffff, v1  }
0x12b: {  	v2 =	vor.u32 s31, v0;
	v1 =	vld [tilespmem:s21+$0x180];
	_ =	sdelay $0x3  }
0x12c: {  	s10 =	simm.s32 $0x3;
	[tilespmem:v3+s17+$0x0] =	vst.idx.msk $0xffff, v4  }
0x12d: {  	s9 =	simm.s32 $0x100;
	s8 =	simm.s32 $0x104;
	v3 =	vor.u32 s10, v0;
	v4 =	vld [tilespmem:s4+$0x180];
	[tilespmem:v2+s17+$0x0] =	vst.idx.msk $0xffff, v1  }
0x12e: {  	s12 =	simm.s32 $0x30;
	s11 =	sand.u32 $0x3C00, s9;
	v2 =	vor.u32 s8, v0;
	v1 =	vld [tilespmem:s21+$0x200]  }
0x12f: {  	s14 =	sadd.s32 $0x5800, s11;
	s31 =	sand.u32 $0x70, s12  }
0x130: {  	s15 =	simm.s32 $0x300;
	s0 =	sor.u32 s31, s14  }
0x131: {  	v6 =	vor.u32 s15, v0;
	v5 =	vld [tilespmem:s0+$0x0]  }
0x132: {  	s18 =	simm.s32 $0x4;
	[tilespmem:v3+s17+$0x0] =	vst.idx.msk $0xffff, v4  }
0x133: {  	s13 =	simm.s32 $0x105;
	v3 =	vor.u32 s18, v0;
	v4 =	vld [tilespmem:s4+$0x200];
	[tilespmem:v2+s17+$0x0] =	vst.idx.msk $0xffff, v1  }
0x134: {  	v2 =	vor.u32 s13, v0;
	v1 =	vld [tilespmem:s21+$0x280]  }
0x135: {  	s21 =	simm.s32 $0x20  }
0x136: {  	s16 =	sand.u32 $0x7, s2;
	s22 =	simm.s32 $0x301;
	[tilespmem:v6+s17+$0x0] =	vst.idx.msk $0xffff, v5;
	s7 =	sand.u32 $0x60, s21  }
0x137: {  	s23 =	simm.s32 $0x200;
	s6 =	sshll.u32 s16, $0x4;
	v6 =	vor.u32 s22, v0;
	v5 =	vld [tilespmem:s0+$0x80];
	s9 =	sor.u32 s7, s14  }
0x138: {  	s24 =	simm.s32 $0x5;
	v7 =	vor.u32 s23, v0;
	s6 =	sadd.s32 $0x10, s6;
	[tilespmem:v3+s17+$0x0] =	vst.idx.msk $0xffff, v4;
	v8 =	vld [tilespmem:s9+$0x0]  }
0x139: {  	s20 =	simm.s32 $0x106;
	s19 =	sor.u32 $0x300, s6;
	v3 =	vor.u32 s24, v0;
	v4 =	vld [tilespmem:s4+$0x280];
	[tilespmem:v2+s17+$0x0] =	vst.idx.msk $0xffff, v1  }
0x13a: {  	v2 =	vor.u32 s20, v0;
	v1 =	vld [tilespmem:s19+$0x5800]  }
0x13b: {  	s2 =	sand.u32 $0x3, s2  }
0x13c: {  	s2 =	sshll.u32 s2, $0x5;
	s25 =	sor.u32 $0x380, s6;
	s6 =	simm.s32 $0x302;
	[tilespmem:v6+s17+$0x0] =	vst.idx.msk $0xffff, v5  }
0x13d: {  	s2 =	sadd.s32 $0x0, s2;
	s8 =	simm.s32 $0x201;
	v6 =	vor.u32 s6, v0;
	v5 =	vld [tilespmem:s0+$0x100];
	[tilespmem:v7+s17+$0x0] =	vst.idx.msk $0xffff, v8  }
0x13e: {  	s10 =	simm.s32 $0x6;
	s12 =	sor.u32 $0x300, s2;
	[tilespmem:v3+s17+$0x0] =	vst.idx.msk $0xffff, v4;
	v7 =	vor.u32 s8, v0;
	v8 =	vld [tilespmem:s9+$0x80]  }
0x13f: {  	s26 =	simm.s32 $0x107;
	v3 =	vor.u32 s10, v0;
	v4 =	vld [tilespmem:s12+$0x5800];
	[tilespmem:v2+s17+$0x0] =	vst.idx.msk $0xffff, v1  }
0x140: {  	v2 =	vor.u32 s26, v0;
	v1 =	vld [tilespmem:s25+$0x5800];
	_ =	sdelay $0x1  }
0x141: {  	s16 =	simm.s32 $0x303;
	[tilespmem:v6+s17+$0x0] =	vst.idx.msk $0xffff, v5  }
0x142: {  	s18 =	simm.s32 $0x202;
	v6 =	vor.u32 s16, v0;
	v5 =	vld [tilespmem:s0+$0x180];
	[tilespmem:v7+s17+$0x0] =	vst.idx.msk $0xffff, v8  }
0x143: {  	s2 =	sor.u32 $0x380, s2;
	s13 =	sadd.s32 $0x8400, s3;
	s19 =	simm.s32 $0x7;
	[tilespmem:v3+s17+$0x0] =	vst.idx.msk $0xffff, v4;
	v7 =	vor.u32 s18, v0;
	v8 =	vld [tilespmem:s9+$0x100]  }
0x144: {  	s15 =	simm.s32 $0x108;
	s14 =	sor.u32 s1, s13;
	v3 =	vor.u32 s19, v0;
	v4 =	vld [tilespmem:s2+$0x5800];
	[tilespmem:v2+s17+$0x0] =	vst.idx.msk $0xffff, v1  }
0x145: {  	v2 =	vor.u32 s15, v0;
	v1 =	vld [tilespmem:s14+$0x0];
	_ =	sdelay $0x1  }
0x146: {  	s22 =	simm.s32 $0x304;
	[tilespmem:v6+s17+$0x0] =	vst.idx.msk $0xffff, v5  }
0x147: {  	s23 =	simm.s32 $0x203;
	v6 =	vor.u32 s22, v0;
	v5 =	vld [tilespmem:s0+$0x200];
	[tilespmem:v7+s17+$0x0] =	vst.idx.msk $0xffff, v8  }
0x148: {  	s24 =	simm.s32 $0x8;
	s6 =	sadd.s32 $0x8480, s3;
	s25 =	sor.u32 s5, s13;
	[tilespmem:v3+s17+$0x0] =	vst.idx.msk $0xffff, v4;
	v7 =	vor.u32 s23, v0;
	v8 =	vld [tilespmem:s9+$0x180]  }
0x149: {  	s21 =	simm.s32 $0x109;
	s20 =	sor.u32 s1, s6;
	v3 =	vor.u32 s24, v0;
	v4 =	vld [tilespmem:s25+$0x0];
	[tilespmem:v2+s17+$0x0] =	vst.idx.msk $0xffff, v1  }
0x14a: {  	v2 =	vor.u32 s21, v0;
	v1 =	vld [tilespmem:s20+$0x0];
	_ =	sdelay $0x1  }
0x14b: {  	s10 =	sadd.s32 $0x8500, s3;
	s6 =	sor.u32 s5, s6;
	s16 =	simm.s32 $0x305;
	[tilespmem:v6+s17+$0x0] =	vst.idx.msk $0xffff, v5  }
0x14c: {  	s12 =	sor.u32 s1, s10;
	s26 =	simm.s32 $0x9;
	s14 =	simm.s32 $0x204;
	v6 =	vor.u32 s16, v0;
	v5 =	vld [tilespmem:s0+$0x280];
	[tilespmem:v7+s17+$0x0] =	vst.idx.msk $0xffff, v8  }
0x14d: {  	s19 =	simm.s32 $0x2;
	s13 =	simm.s32 $0x10A;
	s15 =	simm.s32 $0x200;
	[tilespmem:v3+s17+$0x0] =	vst.idx.msk $0xffff, v4;
	v7 =	vor.u32 s14, v0;
	v8 =	vld [tilespmem:s9+$0x200]  }
0x14e: {  	v9 =	vor.u32 s26, v0;
	s18 =	simm.s32 $0x50;
	s30 =	sand.u32 $0x3C00, s15;
	s21 =	sand.u32 $0x7, s19;
	v10 =	vld [tilespmem:s6+$0x0];
	[tilespmem:v2+s17+$0x0] =	vst.idx.msk $0xffff, v1  }
0x14f: {  	s16 =	sadd.s32 $0x5800, s30;
	s0 =	sand.u32 $0x70, s18;
	v2 =	vor.u32 s13, v0;
	v1 =	vld [tilespmem:s12+$0x0];
	s12 =	sshll.u32 s21, $0x4  }
0x150: {  	s8 =	sor.u32 s0, s16;
	s20 =	simm.s32 $0x500;
	s14 =	sadd.s32 $0x110, s12  }
0x151: {  	s25 =	simm.s32 $0x306;
	v3 =	vld [tilespmem:s8+$0x0];
	[tilespmem:v6+s17+$0x0] =	vst.idx.msk $0xffff, v5;
	v4 =	vor.u32 s20, v0;
	s12 =	sor.u32 $0x300, s14  }
0x152: {  	s4 =	sadd.s32 $0x8580, s3;
	s10 =	sor.u32 s5, s10;
	s18 =	simm.s32 $0x205;
	v6 =	vor.u32 s25, v0;
	[tilespmem:v7+s17+$0x0] =	vst.idx.msk $0xffff, v8;
	v5 =	vld [tilespmem:s12+$0x5800]  }
0x153: {  	s22 =	sor.u32 s1, s4;
	s24 =	simm.s32 $0x40;
	v11 =	vor.u32 s18, v0;
	s19 =	simm.s32 $0xA;
	[tilespmem:v9+s17+$0x0] =	vst.idx.msk $0xffff, v10;
	v12 =	vld [tilespmem:s9+$0x280]  }
0x154: {  	s2 =	sand.u32 $0x60, s24;
	s23 =	simm.s32 $0x10B;
	v9 =	vor.u32 s19, v0;
	s21 =	simm.s32 $0x1;
	v10 =	vld [tilespmem:s10+$0x0];
	[tilespmem:v2+s17+$0x0] =	vst.idx.msk $0xffff, v1  }
0x155: {  	s26 =	simm.s32 $0x400;
	s6 =	sor.u32 s2, s16;
	v2 =	vor.u32 s23, v0;
	v1 =	vld [tilespmem:s22+$0x0];
	s22 =	sand.u32 $0x3, s21  }
0x156: {  	s20 =	simm.s32 $0x501;
	[tilespmem:v4+s17+$0x0] =	vst.idx.msk $0xffff, v3;
	v7 =	vor.u32 s26, v0;
	v8 =	vld [tilespmem:s6+$0x0];
	s9 =	sshll.u32 s22, $0x5  }
0x157: {  	v4 =	vor.u32 s20, v0;
	v3 =	vld [tilespmem:s8+$0x80];
	s25 =	sor.u32 $0x380, s14;
	s26 =	simm.s32 $0x307;
	[tilespmem:v6+s17+$0x0] =	vst.idx.msk $0xffff, v5;
	s15 =	sadd.s32 $0x100, s9  }
0x158: {  	s20 =	simm.s32 $0x206;
	v6 =	vor.u32 s26, v0;
	[tilespmem:v11+s17+$0x0] =	vst.idx.msk $0xffff, v12;
	v5 =	vld [tilespmem:s25+$0x5800];
	s21 =	sor.u32 $0x300, s15  }
0x159: {  	s12 =	sadd.s32 $0x8600, s3;
	[tilespmem:v9+s17+$0x0] =	vst.idx.msk $0xffff, v10;
	v11 =	vor.u32 s20, v0;
	v12 =	vld [tilespmem:s21+$0x5800]  }
0x15a: {  	s24 =	simm.s32 $0x10C;
	s23 =	sor.u32 s1, s12;
	[tilespmem:v2+s17+$0x0] =	vst.idx.msk $0xffff, v1  }
0x15b: {  	s16 =	simm.s32 $0x401;
	[tilespmem:v7+s17+$0x0] =	vst.idx.msk $0xffff, v8;
	v2 =	vor.u32 s24, v0;
	v1 =	vld [tilespmem:s23+$0x0]  }
0x15c: {  	[tilespmem:v4+s17+$0x0] =	vst.idx.msk $0xffff, v3;
	v7 =	vor.u32 s16, v0;
	s22 =	simm.s32 $0x502;
	v8 =	vld [tilespmem:s6+$0x80];
	s24 =	sadd.s32 $0x8400, s11  }
0x15d: {  	v3 =	vld [tilespmem:s8+$0x100];
	v4 =	vor.u32 s22, v0;
	s26 =	simm.s32 $0x308;
	s21 =	simm.s32 $0x10D;
	s25 =	sor.u32 s31, s24;
	[tilespmem:v6+s17+$0x0] =	vst.idx.msk $0xffff, v5  }
0x15e: {  	s16 =	simm.s32 $0x207;
	v10 =	vor.u32 s21, v0;
	s21 =	sor.u32 $0x380, s15;
	v6 =	vor.u32 s26, v0;
	v5 =	vld [tilespmem:s25+$0x0];
	[tilespmem:v11+s17+$0x0] =	vst.idx.msk $0xffff, v12  }
0x15f: {  	s18 =	simm.s32 $0xB;
	s20 =	sor.u32 s5, s4;
	s4 =	sadd.s32 $0x8680, s3;
	v11 =	vor.u32 s16, v0;
	v12 =	vld [tilespmem:s21+$0x5800]  }
0x160: {  	v9 =	vor.u32 s18, v0;
	s23 =	sor.u32 s1, s4;
	[tilespmem:v2+s17+$0x0] =	vst.idx.msk $0xffff, v1;
	v1 =	vld [tilespmem:s20+$0x0]  }
0x161: {  	[tilespmem:v7+s17+$0x0] =	vst.idx.msk $0xffff, v8;
	v2 =	vld [tilespmem:s23+$0x0]  }
0x162: {  	s28 =	simm.s32 $0x404;
	s19 =	simm.s32 $0xC;
	s13 =	simm.s32 $0xF;
	[tilespmem:v4+s17+$0x0] =	vst.idx.msk $0xffff, v3  }
0x163: {  	s10 =	simm.s32 $0x10F;
	s14 =	simm.s32 $0x30A;
	s23 =	simm.s32 $0x402;
	[tilespmem:v6+s17+$0x0] =	vst.idx.msk $0xffff, v5  }
0x164: {  	s18 =	simm.s32 $0x30F;
	s12 =	sor.u32 s5, s12;
	v8 =	vld [tilespmem:s6+$0x100];
	s16 =	simm.s32 $0x503;
	v7 =	vor.u32 s23, v0;
	[tilespmem:v11+s17+$0x0] =	vst.idx.msk $0xffff, v12  }
0x165: {  	s26 =	simm.s32 $0x2;
	v3 =	vld [tilespmem:s8+$0x180];
	s25 =	simm.s32 $0x208;
	v4 =	vor.u32 s16, v0;
	s16 =	simm.s32 $0x309;
	[tilespmem:v9+s17+$0x0] =	vst.idx.msk $0xffff, v1  }
0x166: {  	s20 =	sand.u32 $0x3, s26;
	s26 =	sadd.s32 $0x8700, s3;
	v6 =	vor.u32 s16, v0;
	s16 =	sor.u32 s7, s24;
	v1 =	vor.u32 s19, v0;
	[tilespmem:v10+s17+$0x0] =	vst.idx.msk $0xffff, v2;
	v2 =	vld [tilespmem:s12+$0x0]  }
0x167: {  	s21 =	simm.s32 $0x10E;
	v11 =	vor.u32 s25, v0;
	s19 =	sor.u32 s1, s26;
	v12 =	vld [tilespmem:s16+$0x0];
	s12 =	sadd.s32 $0x8480, s11  }
0x168: {  	s9 =	simm.s32 $0xD;
	s15 =	simm.s32 $0x209;
	v10 =	vor.u32 s21, v0;
	v9 =	vld [tilespmem:s19+$0x0];
	s22 =	sor.u32 s31, s12  }
0x169: {  	s4 =	sor.u32 s5, s4;
	s3 =	sadd.s32 $0x8780, s3;
	s21 =	simm.s32 $0x403;
	[tilespmem:v7+s17+$0x0] =	vst.idx.msk $0xffff, v8;
	v5 =	vld [tilespmem:s22+$0x0]  }
0x16a: {  	s20 =	sshll.u32 s20, $0x5;
	s23 =	simm.s32 $0x20A;
	[tilespmem:v4+s17+$0x0] =	vst.idx.msk $0xffff, v3;
	v7 =	vor.u32 s21, v0;
	s19 =	simm.s32 $0x504;
	v8 =	vld [tilespmem:s6+$0x180]  }
0x16b: {  	s24 =	sadd.s32 $0x8500, s11;
	v16 =	vor.u32 s23, v0;
	s23 =	simm.s32 $0x701;
	s25 =	sor.u32 s5, s3;
	v3 =	vld [tilespmem:s8+$0x200];
	v4 =	vor.u32 s19, v0;
	[tilespmem:v1+s17+$0x0] =	vst.idx.msk $0xffff, v2  }
0x16c: {  	s26 =	sor.u32 s5, s26;
	s1 =	sor.u32 s1, s3;
	s5 =	sor.u32 s7, s24;
	[tilespmem:v11+s17+$0x0] =	vst.idx.msk $0xffff, v12;
	v1 =	vor.u32 s9, v0;
	v2 =	vld [tilespmem:s4+$0x0]  }
0x16d: {  	s29 =	sor.u32 s7, s12;
	s12 =	sor.u32 s31, s24;
	s24 =	simm.s32 $0x70;
	[tilespmem:v10+s17+$0x0] =	vst.idx.msk $0xffff, v9  }
0x16e: {  	s22 =	sadd.s32 $0x200, s20;
	s20 =	simm.s32 $0x3;
	s19 =	simm.s32 $0x300;
	v11 =	vld [tilespmem:s29+$0x0];
	[tilespmem:v6+s17+$0x0] =	vst.idx.msk $0xffff, v5  }
0x16f: {  	s21 =	sor.u32 $0x300, s22;
	s22 =	sor.u32 $0x380, s22;
	s3 =	sand.u32 $0x3C00, s19;
	[tilespmem:v7+s17+$0x0] =	vst.idx.msk $0xffff, v8;
	v6 =	vor.u32 s14, v0;
	v5 =	vld [tilespmem:s12+$0x0]  }
0x170: {  	s9 =	sand.u32 $0x3, s20;
	s20 =	sand.u32 $0x70, s24;
	s29 =	simm.s32 $0x20D;
	v7 =	vor.u32 s28, v0;
	[tilespmem:v4+s17+$0x0] =	vst.idx.msk $0xffff, v3;
	v8 =	vld [tilespmem:s6+$0x200]  }
0x171: {  	s16 =	sshll.u32 s9, $0x5;
	v10 =	vor.u32 s15, v0;
	s15 =	simm.s32 $0x505;
	s9 =	simm.s32 $0x700;
	v9 =	vld [tilespmem:s1+$0x0];
	[tilespmem:v1+s17+$0x0] =	vst.idx.msk $0xffff, v2  }
0x172: {  	s14 =	sadd.s32 $0x5800, s3;
	v4 =	vor.u32 s15, v0;
	s1 =	simm.s32 $0x60;
	v3 =	vld [tilespmem:s8+$0x280];
	[dreg:$0x5] =	wrdreg s20  }
0x173: {  	s12 =	simm.s32 $0x4;
	s15 =	sor.u32 s20, s14;
	v2 =	vor.u32 s10, v0;
	s10 =	sadd.s32 $0x8580, s11;
	v12 =	vld [tilespmem:s26+$0x0]  }
0x174: {  	v13 =	vor.u32 s9, v0;
	s28 =	simm.s32 $0x30B;
	s20 =	sand.u32 $0x7, s12;
	s9 =	sor.u32 s31, s10;
	v14 =	vld [tilespmem:s15+$0x0];
	[tilespmem:v6+s17+$0x0] =	vst.idx.msk $0xffff, v5  }
0x175: {  	s8 =	sand.u32 $0x60, s1;
	s4 =	sshll.u32 s20, $0x4;
	v6 =	vor.u32 s28, v0;
	[tilespmem:v7+s17+$0x0] =	vst.idx.msk $0xffff, v8;
	s20 =	simm.s32 $0xE;
	v5 =	vld [tilespmem:s9+$0x0]  }
0x176: {  	s1 =	simm.s32 $0x405;
	v1 =	vor.u32 s13, v0;
	s13 =	simm.s32 $0x506;
	[tilespmem:v10+s17+$0x0] =	vst.idx.msk $0xffff, v11;
	s4 =	sadd.s32 $0x210, s4;
	v7 =	vor.u32 s20, v0;
	v8 =	vld [tilespmem:s6+$0x280]  }
0x177: {  	v17 =	vor.u32 s13, v0;
	s13 =	simm.s32 $0x50F;
	s26 =	simm.s32 $0x20B;
	v10 =	vor.u32 s1, v0;
	[tilespmem:v4+s17+$0x0] =	vst.idx.msk $0xffff, v3;
	v15 =	vld [tilespmem:s5+$0x0];
	s9 =	sor.u32 $0x300, s4  }
0x178: {  	s28 =	simm.s32 $0x20C;
	s5 =	sor.u32 s8, s14;
	s14 =	simm.s32 $0x600;
	v11 =	vld [tilespmem:s9+$0x5800];
	[tilespmem:v2+s17+$0x0] =	vst.idx.msk $0xffff, v9  }
0x179: {  	s1 =	simm.s32 $0x20F;
	v4 =	vor.u32 s29, v0;
	s29 =	simm.s32 $0x40C;
	s6 =	sadd.s32 $0x8600, s11;
	v19 =	vld [tilespmem:s5+$0x0];
	v9 =	vor.u32 s14, v0;
	[tilespmem:v13+s17+$0x0] =	vst.idx.msk $0xffff, v14  }
0x17a: {  	s20 =	simm.s32 $0x20E;
	v18 =	vor.u32 s26, v0;
	v28 =	vor.u32 s28, v0;
	s28 =	simm.s32 $0x409;
	s26 =	sor.u32 s31, s6;
	v20 =	vld [tilespmem:s15+$0x80];
	[tilespmem:v6+s17+$0x0] =	vst.idx.msk $0xffff, v5  }
0x17b: {  	s4 =	sor.u32 $0x380, s4;
	v3 =	vor.u32 s20, v0;
	s9 =	smov.u32 s8;
	s8 =	simm.s32 $0x30C;
	v14 =	vor.u32 s23, v0;
	[tilespmem:v7+s17+$0x0] =	vst.idx.msk $0xffff, v12;
	v5 =	vld [tilespmem:s26+$0x0]  }
0x17c: {  	s20 =	simm.s32 $0x40A;
	s14 =	simm.s32 $0x406;
	v2 =	vor.u32 s1, v0;
	v21 =	vor.u32 s8, v0;
	s8 =	simm.s32 $0x408;
	[tilespmem:v10+s17+$0x0] =	vst.idx.msk $0xffff, v8;
	v6 =	vld [tilespmem:s25+$0x0]  }
0x17d: {  	s6 =	sor.u32 s7, s6;
	s1 =	sadd.s32 $0x8680, s11;
	s23 =	simm.s32 $0x507;
	v13 =	vor.u32 s8, v0;
	v7 =	vor.u32 s14, v0;
	v23 =	vld [tilespmem:s21+$0x5800];
	[tilespmem:v17+s17+$0x0] =	vst.idx.msk $0xffff, v11  }
0x17e: {  	s8 =	simm.s32 $0x601;
	s14 =	simm.s32 $0x40D;
	v24 =	vor.u32 s23, v0;
	v12 =	vor.u32 s28, v0;
	s26 =	simm.s32 $0x407;
	[tilespmem:v9+s17+$0x0] =	vst.idx.msk $0xffff, v19;
	v17 =	vld [tilespmem:s4+$0x5800]  }
0x17f: {  	s23 =	simm.s32 $0x40F;
	[tilespmem:v16+s17+$0x0] =	vst.idx.msk $0xffff, v15;
	s28 =	sadd.s32 $0x8400, s30;
	v22 =	vor.u32 s26, v0;
	v19 =	vor.u32 s8, v0;
	s26 =	sor.u32 s7, s10;
	v25 =	vld [tilespmem:s5+$0x80]  }
0x180: {  	s25 =	simm.s32 $0x40B;
	v8 =	vor.u32 s14, v0;
	s4 =	sadd.s32 $0x300, s16;
	s16 =	simm.s32 $0x702;
	v15 =	vld [tilespmem:s26+$0x0];
	[tilespmem:v14+s17+$0x0] =	vst.idx.msk $0xffff, v20  }
0x181: {  	s21 =	simm.s32 $0x40E;
	v11 =	vor.u32 s20, v0;
	s20 =	sor.u32 s31, s1;
	s8 =	simm.s32 $0x30D;
	v14 =	vor.u32 s16, v0;
	v20 =	vld [tilespmem:s15+$0x100];
	[tilespmem:v21+s17+$0x0] =	vst.idx.msk $0xffff, v5  }
0x182: {  	s14 =	simm.s32 $0x603;
	v10 =	vor.u32 s25, v0;
	s10 =	simm.s32 $0x210;
	v26 =	vor.u32 s8, v0;
	s8 =	simm.s32 $0x508;
	[tilespmem:v7+s17+$0x0] =	vst.idx.msk $0xffff, v23;
	v21 =	vld [tilespmem:s20+$0x0]  }
0x183: {  	s25 =	simm.s32 $0x602;
	v9 =	vor.u32 s29, v0;
	v29 =	vor.u32 s8, v0;
	s8 =	simm.s32 $0x703;
	v16 =	vld [tilespmem:s22+$0x5800];
	s22 =	sor.u32 s0, s28;
	[tilespmem:v24+s17+$0x0] =	vst.idx.msk $0xffff, v17  }
0x184: {  	s29 =	smov.u32 s0;
	s26 =	simm.s32 $0x604;
	s16 =	simm.s32 $0x70F;
	v33 =	vor.u32 s8, v0;
	v7 =	vor.u32 s21, v0;
	[tilespmem:v19+s17+$0x0] =	vst.idx.msk $0xffff, v25;
	v27 =	vld [tilespmem:s22+$0x0]  }
0x185: {  	s8 =	simm.s32 $0x30E;
	v5 =	vor.u32 s23, v0;
	s23 =	sor.u32 $0x300, s4;
	s21 =	simm.s32 $0x606;
	v17 =	vor.u32 s25, v0;
	[tilespmem:v18+s17+$0x0] =	vst.idx.msk $0xffff, v15;
	v31 =	vld [tilespmem:s5+$0x100]  }
0x186: {  	v36 =	vor.u32 s8, v0;
	s8 =	simm.s32 $0x608;
	s20 =	simm.s32 $0x6;
	s25 =	sadd.s32 $0x8700, s11;
	v37 =	vld [tilespmem:s6+$0x0];
	[tilespmem:v14+s17+$0x0] =	vst.idx.msk $0xffff, v20  }
0x187: {  	v23 =	vor.u32 s26, v0;
	v25 =	vor.u32 s14, v0;
	s14 =	sadd.s32 $0x8480, s30;
	s11 =	sadd.s32 $0x8780, s11;
	s26 =	sor.u32 s31, s25;
	v34 =	vld [tilespmem:s15+$0x180];
	[tilespmem:v26+s17+$0x0] =	vst.idx.msk $0xffff, v21  }
0x188: {  	s22 =	sor.u32 $0x380, s4;
	s4 =	simm.s32 $0x605;
	s6 =	simm.s32 $0x60B;
	[tilespmem:v22+s17+$0x0] =	vst.idx.msk $0xffff, v16;
	v35 =	vld [tilespmem:s26+$0x0]  }
0x189: {  	s25 =	sor.u32 s7, s25;
	v15 =	vor.u32 s6, v0;
	v20 =	vor.u32 s4, v0;
	s4 =	simm.s32 $0x607;
	v26 =	vor.u32 s8, v0;
	s8 =	sor.u32 s2, s28;
	[tilespmem:v29+s17+$0x0] =	vst.idx.msk $0xffff, v27  }
0x18a: {  	v21 =	vor.u32 s21, v0;
	s21 =	simm.s32 $0x609;
	v19 =	vor.u32 s4, v0;
	s26 =	simm.s32 $0x60A;
	v30 =	vld [tilespmem:s8+$0x0];
	s8 =	sor.u32 s0, s14;
	[tilespmem:v17+s17+$0x0] =	vst.idx.msk $0xffff, v31  }
0x18b: {  	s6 =	sor.u32 s7, s1;
	v24 =	vor.u32 s21, v0;
	s21 =	simm.s32 $0x60D;
	s0 =	simm.s32 $0x60E;
	v16 =	vor.u32 s26, v0;
	[tilespmem:v28+s17+$0x0] =	vst.idx.msk $0xffff, v37;
	v29 =	vld [tilespmem:s8+$0x0]  }
0x18c: {  	s7 =	sor.u32 s7, s11;
	s26 =	simm.s32 $0x60C;
	v22 =	vor.u32 s21, v0;
	v17 =	vor.u32 s0, v0;
	s21 =	simm.s32 $0x509;
	v32 =	vld [tilespmem:s5+$0x180];
	[tilespmem:v33+s17+$0x0] =	vst.idx.msk $0xffff, v34  }
0x18d: {  	v28 =	vor.u32 s18, v0;
	v14 =	vor.u32 s26, v0;
	s8 =	simm.s32 $0x60F;
	s26 =	sor.u32 s31, s11;
	s31 =	simm.s32 $0x704;
	v33 =	vld [tilespmem:s15+$0x200];
	[tilespmem:v36+s17+$0x0] =	vst.idx.msk $0xffff, v35  }
0x18e: {  	s1 =	simm.s32 $0x70F;
	s28 =	sor.u32 s2, s14;
	v31 =	vor.u32 s21, v0;
	s11 =	simm.s32 $0x4;
	v18 =	vor.u32 s8, v0;
	v34 =	vor.u32 s31, v0;
	v27 =	vld [tilespmem:s26+$0x0]  }
.LBB2_9:
0x18f: {  	_ = 	snop  }
0x190: {  	s8 =	simm.s32 $0x10800  }
0x191: {  	[tilespmem:v13+s8+$0x0] =	vst.idx.msk $0xffff, v30  }
0x192: {  	s14 =	sand.u32 $0x3, s11;
	s26 =	sadd.s32 $0x8500, s30;
	s21 =	smov.u32 s29;
	v30 =	vld [tilespmem:s6+$0x0]  }
0x193: {  	s18 =	sadd.s32 $0xFFFFFFFB, s13;
	s16 =	sadd.s32 $0x200, s16;
	s0 =	sor.u32 s21, s26;
	[tilespmem:v31+s8+$0x0] =	vst.idx.msk $0xffff, v29;
	v13 =	vmov v26;
	v26 =	vld [tilespmem:s28+$0x0]  }
0x194: {  	s31 =	rddreg [dreg:$0x5];
	s19 =	sadd.s32 $0x100, s19;
	v29 =	vor.u32 s18, v0;
	[tilespmem:v25+s8+$0x0] =	vst.idx.msk $0xffff, v32;
	v25 =	vld [tilespmem:s0+$0x0];
	s8 =	simm.s32 $0x10800  }
0x195: {  	s24 =	sadd.s32 $0x20, s24;
	s18 =	smov.u32 s31;
	s31 =	sand.u32 $0x3C00, s19;
	v31 =	vld [tilespmem:s5+$0x200];
	[tilespmem:v34+s8+$0x0] =	vst.idx.msk $0xffff, v33  }
0x196: {  	s17 =	sand.u32 $0x70, s24;
	s29 =	sadd.s32 $0x5800, s31;
	s0 =	sadd.s32 $0xFFFFFFF6, s1;
	[tilespmem:v28+s8+$0x0] =	vst.idx.msk $0xffff, v27  }
0x197: {  	s6 =	sshll.u32 s14, $0x5;
	s14 =	sadd.s32 $0xFFFFFFF1, s16;
	v28 =	vor.u32 s0, v0;
	v27 =	vld [tilespmem:s15+$0x280];
	s15 =	sor.u32 s17, s29;
	[tilespmem:v4+s8+$0x0] =	vst.idx.msk $0xffff, v30  }
0x198: {  	s12 =	sadd.s32 $0x2, s12;
	s4 =	sor.u32 s2, s26;
	s28 =	sadd.s32 $0x8580, s30;
	[tilespmem:v12+s8+$0x0] =	vst.idx.msk $0xffff, v26;
	v12 =	vmov v24;
	v24 =	vld [tilespmem:s15+$0x0];
	v26 =	vor.u32 s14, v0  }
0x199: {  	s26 =	sor.u32 s21, s28;
	s0 =	sadd.s32 $0xFFFFFFFC, s13;
	v4 =	vmov v8;
	v8 =	vmov v22;
	[tilespmem:v29+s8+$0x0] =	vst.idx.msk $0xffff, v25;
	v22 =	vld [tilespmem:s25+$0x0];
	s25 =	sand.u32 $0x7, s12  }
0x19a: {  	s10 =	sadd.s32 $0x100, s10;
	[dreg:$0x5] =	wrdreg s17;
	v29 =	vor.u32 s0, v0;
	[tilespmem:v23+s8+$0x0] =	vst.idx.msk $0xffff, v31;
	v23 =	vld [tilespmem:s26+$0x0];
	s14 =	sshll.u32 s25, $0x4  }
0x19b: {  	s17 =	sadd.s32 $0xFFFFFFF0, s24;
	s26 =	sadd.s32 $0xFFFFFEF1, s16;
	v30 =	vld [tilespmem:s5+$0x280];
	[tilespmem:v1+s8+$0x0] =	vst.idx.msk $0xffff, v6;
	s14 =	sadd.s32 s14, s10  }
0x19c: {  	v1 =	vmovc v2;
	v2 =	vmov v5;
	v5 =	vmov v18;
	v18 =	vor.u32 s26, v0;
	[tilespmem:v28+s8+$0x0] =	vst.idx.msk $0xffff, v27;
	s26 =	sadd.s32 $0xFFFFFFF7, s1;
	v27 =	vld [tilespmem:s4+$0x0];
	s4 =	sadd.s32 $0xFFFFFEF2, s16;
	s0 =	sor.u32 $0x300, s14  }
0x19d: {  	s25 =	sand.u32 $0x60, s17;
	v31 =	vor.u32 s26, v0;
	v57 =	vor.u32 s4, v0;
	s4 =	sadd.s32 $0xFFFFFFF2, s16;
	v28 =	vld [tilespmem:s0+$0x5800];
	[tilespmem:v26+s8+$0x0] =	vst.idx.msk $0xffff, v24  }
0x19e: {  	s5 =	sor.u32 s25, s29;
	s29 =	sadd.s32 $0xFFFFFEF3, s16;
	s26 =	sadd.s32 $0x8600, s30;
	v59 =	vor.u32 s4, v0;
	[tilespmem:v3+s8+$0x0] =	vst.idx.msk $0xffff, v22;
	v22 =	vld [tilespmem:s15+$0x80]  }
0x19f: {  	s17 =	sadd.s32 $0xFFFFFEF4, s16;
	v58 =	vor.u32 s29, v0;
	s29 =	sadd.s32 $0xFFFFFFFD, s13;
	s4 =	sor.u32 s21, s26;
	v3 =	vmov v7;
	v7 =	vmov v17;
	[tilespmem:v29+s8+$0x0] =	vst.idx.msk $0xffff, v23;
	v17 =	vld [tilespmem:s5+$0x0]  }
0x1a0: {  	s6 =	sadd.s32 s6, s19;
	v25 =	vor.u32 s17, v0;
	s17 =	sadd.s32 $0xFFFFFEF6, s16;
	v35 =	vor.u32 s29, v0;
	v29 =	vld [tilespmem:s4+$0x0];
	[tilespmem:v20+s8+$0x0] =	vst.idx.msk $0xffff, v30  }
0x1a1: {  	s0 =	sadd.s32 $0xFFFFFEF5, s16;
	v24 =	vor.u32 s17, v0;
	s17 =	sadd.s32 $0xFFFFFEF8, s16;
	s29 =	sor.u32 $0x380, s6;
	v6 =	vld [tilespmem:s7+$0x0]  }
0x1a2: {  	v37 =	vor.u32 s17, v0;
	s17 =	sadd.s32 $0xFFFFFEF9, s16;
	s4 =	sor.u32 $0x300, s6;
	v30 =	vld [tilespmem:s23+$0x5800];
	s7 =	sor.u32 $0x380, s14;
	[tilespmem:v31+s8+$0x0] =	vst.idx.msk $0xffff, v28  }
0x1a3: {  	v23 =	vor.u32 s0, v0;
	v26 =	vor.u32 s17, v0;
	s6 =	sadd.s32 $0xFFFFFEFA, s16;
	s17 =	sadd.s32 $0xFFFFFFF8, s1;
	s23 =	sadd.s32 $0xFFFFFEFC, s16;
	v28 =	vld [tilespmem:s7+$0x5800];
	[tilespmem:v59+s8+$0x0] =	vst.idx.msk $0xffff, v22  }
0x1a4: {  	s0 =	sadd.s32 $0xFFFFFEF7, s16;
	v20 =	vmovc v24;
	v24 =	vor.u32 s6, v0;
	s6 =	sadd.s32 $0x8680, s30;
	v39 =	vor.u32 s23, v0;
	s23 =	sadd.s32 $0xFFFFFFF3, s16;
	v31 =	vor.u32 s17, v0;
	[tilespmem:v18+s8+$0x0] =	vst.idx.msk $0xffff, v17  }
0x1a5: {  	v36 =	vor.u32 s0, v0;
	s14 =	sadd.s32 $0xFFFFFEFB, s16;
	s0 =	sor.u32 s21, s6;
	v40 =	vor.u32 s23, v0;
	v34 =	vld [tilespmem:s15+$0x100];
	[tilespmem:v35+s8+$0x0] =	vst.idx.msk $0xffff, v29  }
0x1a6: {  	s23 =	sadd.s32 $0xFFFFFFFE, s13;
	s7 =	sor.u32 s2, s26;
	s26 =	sadd.s32 $0xFFFFFEFD, s16;
	v17 =	vor.u32 s14, v0;
	v38 =	vld [tilespmem:s5+$0x80];
	[tilespmem:v11+s8+$0x0] =	vst.idx.msk $0xffff, v27  }
0x1a7: {  	s17 =	sor.u32 s2, s28;
	v60 =	vor.u32 s26, v0;
	s26 =	sadd.s32 $0xFFFFFEFF, s16;
	v29 =	vor.u32 s23, v0;
	v27 =	vld [tilespmem:s0+$0x0];
	[tilespmem:v21+s8+$0x0] =	vst.idx.msk $0xffff, v30  }
0x1a8: {  	s23 =	sadd.s32 $0xFFFFFF00, s16;
	v11 =	vmov v16;
	v16 =	vmov v17;
	v17 =	vor.u32 s26, v0;
	s26 =	sadd.s32 $0x8400, s3;
	v30 =	vld [tilespmem:s17+$0x0]  }
0x1a9: {  	s6 =	sor.u32 s2, s6;
	v18 =	vor.u32 s23, v0;
	s23 =	sadd.s32 $0xFFFFFFF9, s1;
	v61 =	vld [tilespmem:s22+$0x5800];
	s22 =	sor.u32 s18, s26;
	[tilespmem:v31+s8+$0x0] =	vst.idx.msk $0xffff, v28  }
0x1aa: {  	s0 =	sor.u32 s9, s26;
	s17 =	smov.u32 s2;
	s2 =	smov.u32 s9;
	v28 =	vld [tilespmem:s22+$0x0];
	[tilespmem:v40+s8+$0x0] =	vst.idx.msk $0xffff, v34  }
0x1ab: {  	s9 =	smov.u32 s25;
	s25 =	sadd.s32 $0xFFFFFFF4, s16;
	v31 =	vor.u32 s23, v0;
	[tilespmem:v57+s8+$0x0] =	vst.idx.msk $0xffff, v38;
	s8 =	simm.s32 $0x10800  }
0x1ac: {  	s14 =	sadd.s32 $0xFFFFFEFE, s16;
	s26 =	sadd.s32 $0x8700, s30;
	v62 =	vor.u32 s25, v0;
	v34 =	vld [tilespmem:s15+$0x180];
	[tilespmem:v29+s8+$0x0] =	vst.idx.msk $0xffff, v27  }
0x1ad: {  	v22 =	vor.u32 s14, v0;
	s25 =	sor.u32 s17, s26;
	s14 =	sor.u32 s21, s26;
	s26 =	sadd.s32 $0xFFFFFFFF, s13;
	v32 =	vld [tilespmem:s5+$0x100];
	[tilespmem:v10+s8+$0x0] =	vst.idx.msk $0xffff, v30  }
0x1ae: {  	s20 =	sadd.s32 $0x2, s20;
	v63 =	vor.u32 s26, v0;
	v27 =	vld [tilespmem:s14+$0x0];
	[tilespmem:v19+s8+$0x0] =	vst.idx.msk $0xffff, v61  }
0x1af: {  	s11 =	sadd.s32 $0x1, s11;
	p1 =	slt.u32 s20, $0x56;
	v21 =	vmov v36;
	s26 =	sadd.s32 $0x8480, s3;
	v36 =	vld [tilespmem:s7+$0x0]  }
.Ltmp3:
0x1b0: {  	s23 =	smov.u32 s4;
	s4 =	sor.u32 s18, s26;
	v30 =	vld [tilespmem:s0+$0x0];
	[tilespmem:v31+s8+$0x0] =	vst.idx.msk $0xffff, v28;
	(pc) =	sbr.rel @p1 .LBB2_9-.Ltmp3, $4  }
0x1b1: {  	s22 =	smov.u32 s29;
	s29 =	smov.u32 s18;
	s28 =	sor.u32 s2, s26;
	v29 =	vld [tilespmem:s4+$0x0];
	[tilespmem:v62+s8+$0x0] =	vst.idx.msk $0xffff, v34  }
0x1b2: {  	s18 =	sadd.s32 $0x8780, s30;
	s30 =	smov.u32 s3;
	s3 =	smov.u32 s31;
	[tilespmem:v58+s8+$0x0] =	vst.idx.msk $0xffff, v32;
	v33 =	vld [tilespmem:s15+$0x200]  }
0x1b3: {  	s26 =	sor.u32 s21, s18;
	v10 =	vmov v15;
	v15 =	vmov v39;
	s14 =	sadd.s32 $0xFFFFFFF5, s16;
	s7 =	sadd.s32 $0xFFFFFFFA, s1;
	v28 =	vor.u32 s13, v0;
	v32 =	vld [tilespmem:s5+$0x180];
	[tilespmem:v63+s8+$0x0] =	vst.idx.msk $0xffff, v27  }
0x1b4: {  	v19 =	vmovc v37;
	s13 =	smov.u32 s1;
	s1 =	smov.u32 s16;
	v31 =	vor.u32 s7, v0;
	v34 =	vor.u32 s14, v0;
	s7 =	sor.u32 s17, s18;
	v27 =	vld [tilespmem:s26+$0x0];
	[tilespmem:v9+s8+$0x0] =	vst.idx.msk $0xffff, v36;
	v9 =	vmovc v14;
	v14 =	vmov v60  }
0x1b5: {  	_ =	sdelay $0x2  }
0x1b6: {  	s8 =	simm.s32 $0x10800  }
0x1b7: {  	[tilespmem:v25+s8+$0x0] =	vst.idx.msk $0xffff, v32  }
0x1b8: {  	v25 =	vld [tilespmem:s5+$0x200]  }
0x1b9: {  	s0 =	sadd.s32 $0xFFFFFFF6, s1;
	[tilespmem:v34+s8+$0x0] =	vst.idx.msk $0xffff, v33  }
0x1ba: {  	v54 =	vor.u32 s0, v0;
	v53 =	vld [tilespmem:s15+$0x280]  }
0x1bb: {  	s15 =	sadd.s32 $0x2, s12  }
0x1bc: {  	s0 =	sand.u32 $0x7, s15  }
0x1bd: {  	s4 =	sadd.s32 $0x100, s10;
	s0 =	sshll.u32 s0, $0x4;
	[tilespmem:v23+s8+$0x0] =	vst.idx.msk $0xffff, v25  }
0x1be: {  	s0 =	sadd.s32 s0, s4;
	v23 =	vld [tilespmem:s5+$0x280]  }
0x1bf: {  	s16 =	sadd.s32 $0xFFFFFFF7, s1;
	s4 =	sor.u32 $0x300, s0;
	[tilespmem:v54+s8+$0x0] =	vst.idx.msk $0xffff, v53  }
0x1c0: {  	v56 =	vor.u32 s16, v0;
	v55 =	vld [tilespmem:s4+$0x5800];
	_ =	sdelay $0x2  }
0x1c1: {  	[tilespmem:v20+s8+$0x0] =	vst.idx.msk $0xffff, v23  }
0x1c2: {  	v20 =	vld [tilespmem:s23+$0x5800]  }
0x1c3: {  	s17 =	sadd.s32 $0xFFFFFFF8, s1;
	s0 =	sor.u32 $0x380, s0;
	[tilespmem:v56+s8+$0x0] =	vst.idx.msk $0xffff, v55  }
0x1c4: {  	v58 =	vor.u32 s17, v0;
	v57 =	vld [tilespmem:s0+$0x5800];
	_ =	sdelay $0x2  }
0x1c5: {  	[tilespmem:v21+s8+$0x0] =	vst.idx.msk $0xffff, v20  }
0x1c6: {  	v20 =	vld [tilespmem:s22+$0x5800]  }
0x1c7: {  	[tilespmem:v58+s8+$0x0] =	vst.idx.msk $0xffff, v57  }
0x1c8: {  	s18 =	sadd.s32 $0x8400, s3;
	s11 =	rddreg [dreg:$0x5]  }
0x1c9: {  	s20 =	sadd.s32 $0xFFFFFFF9, s1;
	s19 =	sor.u32 s11, s18  }
0x1ca: {  	v60 =	vor.u32 s20, v0;
	v59 =	vld [tilespmem:s19+$0x0]  }
0x1cb: {  	s0 =	sor.u32 s9, s18;
	[tilespmem:v19+s8+$0x0] =	vst.idx.msk $0xffff, v20  }
0x1cc: {  	v19 =	vld [tilespmem:s0+$0x0];
	_ =	sdelay $0x1  }
0x1cd: {  	s21 =	sadd.s32 $0x8480, s3  }
0x1ce: {  	s23 =	sadd.s32 $0xFFFFFFFA, s1;
	s22 =	sor.u32 s11, s21;
	[tilespmem:v60+s8+$0x0] =	vst.idx.msk $0xffff, v59  }
0x1cf: {  	v62 =	vor.u32 s23, v0;
	[tilespmem:v13+s8+$0x0] =	vst.idx.msk $0xffff, v30;
	v61 =	vld [tilespmem:s22+$0x0]  }
0x1d0: {  	v63 =	vld [tilespmem:s28+$0x0];
	s0 =	sor.u32 s9, s21;
	[tilespmem:v26+s8+$0x0] =	vst.idx.msk $0xffff, v19  }
0x1d1: {  	s24 =	sadd.s32 $0x8500, s30;
	v19 =	vld [tilespmem:s0+$0x0]  }
0x1d2: {  	s26 =	sor.u32 s29, s24;
	[tilespmem:v31+s8+$0x0] =	vst.idx.msk $0xffff, v29;
	s28 =	sadd.s32 $0xFFFFFFFB, s13  }
0x1d3: {  	s31 =	sadd.s32 $0x8500, s3;
	v29 =	vld [tilespmem:s26+$0x0];
	v30 =	vor.u32 s28, v0  }
0x1d4: {  	s14 =	sadd.s32 $0xFFFFFFFB, s1;
	s12 =	sor.u32 s11, s31;
	[tilespmem:v62+s8+$0x0] =	vst.idx.msk $0xffff, v61  }
0x1d5: {  	v32 =	vor.u32 s14, v0;
	s4 =	sor.u32 s2, s24;
	[tilespmem:v12+s8+$0x0] =	vst.idx.msk $0xffff, v63;
	v31 =	vld [tilespmem:s12+$0x0]  }
0x1d6: {  	v33 =	vld [tilespmem:s4+$0x0];
	s0 =	sor.u32 s9, s31;
	[tilespmem:v24+s8+$0x0] =	vst.idx.msk $0xffff, v19  }
0x1d7: {  	s15 =	sadd.s32 $0x8580, s30;
	v19 =	vld [tilespmem:s0+$0x0]  }
0x1d8: {  	s17 =	sadd.s32 $0xFFFFFFFC, s13;
	s16 =	sor.u32 s29, s15;
	[tilespmem:v30+s8+$0x0] =	vst.idx.msk $0xffff, v29  }
0x1d9: {  	v35 =	vor.u32 s17, v0;
	s18 =	sadd.s32 $0x8580, s3;
	v34 =	vld [tilespmem:s16+$0x0]  }
0x1da: {  	s20 =	sadd.s32 $0xFFFFFFFC, s1;
	s19 =	sor.u32 s11, s18;
	[tilespmem:v32+s8+$0x0] =	vst.idx.msk $0xffff, v31  }
0x1db: {  	v37 =	vor.u32 s20, v0;
	s4 =	sor.u32 s2, s15;
	[tilespmem:v11+s8+$0x0] =	vst.idx.msk $0xffff, v33;
	v36 =	vld [tilespmem:s19+$0x0]  }
0x1dc: {  	v38 =	vld [tilespmem:s4+$0x0];
	s0 =	sor.u32 s9, s18;
	[tilespmem:v16+s8+$0x0] =	vst.idx.msk $0xffff, v19  }
0x1dd: {  	s21 =	sadd.s32 $0x8600, s30;
	v16 =	vld [tilespmem:s0+$0x0]  }
0x1de: {  	s23 =	sadd.s32 $0xFFFFFFFD, s13;
	s22 =	sor.u32 s29, s21;
	[tilespmem:v35+s8+$0x0] =	vst.idx.msk $0xffff, v34  }
0x1df: {  	s24 =	sadd.s32 $0x8600, s3;
	v40 =	vor.u32 s23, v0;
	v39 =	vld [tilespmem:s22+$0x0]  }
0x1e0: {  	s26 =	sor.u32 s11, s24;
	s28 =	sadd.s32 $0xFFFFFFFD, s1;
	[tilespmem:v37+s8+$0x0] =	vst.idx.msk $0xffff, v36  }
0x1e1: {  	v42 =	vor.u32 s28, v0;
	s4 =	sor.u32 s2, s21;
	[tilespmem:v10+s8+$0x0] =	vst.idx.msk $0xffff, v38;
	v41 =	vld [tilespmem:s26+$0x0]  }
0x1e2: {  	v43 =	vld [tilespmem:s4+$0x0];
	s0 =	sor.u32 s9, s24;
	[tilespmem:v15+s8+$0x0] =	vst.idx.msk $0xffff, v16  }
0x1e3: {  	s31 =	sadd.s32 $0x8680, s30;
	v44 =	vld [tilespmem:s0+$0x0]  }
0x1e4: {  	s10 =	sor.u32 s29, s31;
	s12 =	sadd.s32 $0xFFFFFFFE, s13;
	[tilespmem:v40+s8+$0x0] =	vst.idx.msk $0xffff, v39  }
0x1e5: {  	s14 =	sadd.s32 $0x8680, s3;
	v46 =	vor.u32 s12, v0;
	v45 =	vld [tilespmem:s10+$0x0]  }
0x1e6: {  	v47 =	vld [tilespmem:s6+$0x0];
	s15 =	sor.u32 s11, s14;
	s16 =	sadd.s32 $0xFFFFFFFE, s1;
	[tilespmem:v42+s8+$0x0] =	vst.idx.msk $0xffff, v41  }
0x1e7: {  	v49 =	vor.u32 s16, v0;
	s4 =	sor.u32 s2, s31;
	[tilespmem:v9+s8+$0x0] =	vst.idx.msk $0xffff, v43;
	v48 =	vld [tilespmem:s15+$0x0]  }
0x1e8: {  	v50 =	vld [tilespmem:s4+$0x0];
	s0 =	sor.u32 s9, s14;
	[tilespmem:v14+s8+$0x0] =	vst.idx.msk $0xffff, v44  }
0x1e9: {  	s17 =	sadd.s32 $0x8700, s30;
	v51 =	vld [tilespmem:s0+$0x0]  }
0x1ea: {  	s18 =	sor.u32 s29, s17;
	s19 =	sadd.s32 $0xFFFFFFFF, s13;
	[tilespmem:v46+s8+$0x0] =	vst.idx.msk $0xffff, v45  }
0x1eb: {  	s20 =	sadd.s32 $0x8700, s3;
	[tilespmem:v4+s8+$0x0] =	vst.idx.msk $0xffff, v47;
	v53 =	vor.u32 s19, v0;
	v52 =	vld [tilespmem:s18+$0x0]  }
0x1ec: {  	v54 =	vld [tilespmem:s25+$0x0];
	s21 =	sor.u32 s11, s20;
	s22 =	sadd.s32 $0xFFFFFFFF, s1;
	[tilespmem:v49+s8+$0x0] =	vst.idx.msk $0xffff, v48  }
0x1ed: {  	v56 =	vor.u32 s22, v0;
	s4 =	sor.u32 s2, s17;
	[tilespmem:v8+s8+$0x0] =	vst.idx.msk $0xffff, v50;
	v55 =	vld [tilespmem:s21+$0x0]  }
0x1ee: {  	v57 =	vld [tilespmem:s4+$0x0];
	s0 =	sor.u32 s9, s20;
	[tilespmem:v22+s8+$0x0] =	vst.idx.msk $0xffff, v51  }
0x1ef: {  	s23 =	sadd.s32 $0x8780, s30;
	[tilespmem:v28+s8+$0x0] =	vst.idx.msk $0xffff, v27;
	v58 =	vld [tilespmem:s0+$0x0]  }
0x1f0: {  	s24 =	sor.u32 s29, s23;
	[tilespmem:v53+s8+$0x0] =	vst.idx.msk $0xffff, v52  }
0x1f1: {  	s25 =	sadd.s32 $0x8780, s3;
	[tilespmem:v3+s8+$0x0] =	vst.idx.msk $0xffff, v54;
	v59 =	vor.u32 s13, v0;
	v3 =	vld [tilespmem:s24+$0x0]  }
0x1f2: {  	s3 =	sor.u32 s11, s25;
	v60 =	vld [tilespmem:s7+$0x0];
	[tilespmem:v56+s8+$0x0] =	vst.idx.msk $0xffff, v55  }
0x1f3: {  	v62 =	vor.u32 s1, v0;
	s26 =	sor.u32 s2, s23;
	[tilespmem:v7+s8+$0x0] =	vst.idx.msk $0xffff, v57;
	v61 =	vld [tilespmem:s3+$0x0]  }
0x1f4: {  	v63 =	vld [tilespmem:s26+$0x0];
	s0 =	sor.u32 s9, s25;
	[tilespmem:v17+s8+$0x0] =	vst.idx.msk $0xffff, v58  }
0x1f5: {  	[tilespmem:v1+s8+$0x0] =	vst.idx.msk $0xffff, v6;
	v1 =	vld [tilespmem:s0+$0x0]  }
0x1f6: {  	s28 =	rddreg [dreg:$0x10];
	[tilespmem:v59+s8+$0x0] =	vst.idx.msk $0xffff, v3  }
0x1f7: {  	s0 =	smul.u32 $0x186A00, s28;
	s29 =	rddreg [dreg:$0x11];
	[tilespmem:v2+s8+$0x0] =	vst.idx.msk $0xffff, v60  }
0x1f8: {  	[tilespmem:v62+s8+$0x0] =	vst.idx.msk $0xffff, v61;
	s1 =	smul.u32 $0x5800, s29  }
0x1f9: {  	[tilespmem:v5+s8+$0x0] =	vst.idx.msk $0xffff, v63  }
0x1fa: {  	s0 =	sadd.s32 s1, s0;
	[tilespmem:v18+s8+$0x0] =	vst.idx.msk $0xffff, v1  }
0x1fb: {  	s0 =	sshrl.u32 s0, $0x3;
	s30 =	rddreg [dreg:$0x7]  }
0x1fc: {  	s5 =	simm.s32 $0x0;
	s31 =	rddreg [dreg:$0xf];
	s0 =	sadd.s32 s30, s0  }
0x1fd: {  	[hbm4b:s0+s5] =	stream.linear.scatter [tilespmem:s8], [sflag:$0x4], $0x5800, $0x38;
	[tilespmem:$0x19400] =	vst v63  }
0x1fe: {  	s0 =	sadd.s32 $0x1, s31  }
0x1ff: {  	p1 =	sne.s32 s0, $0x1D  }
.Ltmp4:
0x200: {  	_ = 	snop;
	(pc) =	sbr.rel @p1 .LBB2_6-.Ltmp4, $2  }
0x201: {  	_ =	sdelay $0x2  }
0x202: {  	s17 =	rddreg [dreg:$0x0];
	s14 =	simm.s32 $0xB000;
	s4 =	simm.s32 $0x10800  }
0x203: {  	s0 =	simm.s32 $0x3  }
0x204: {  	_ =	swait.ge [sflag:s0], $0x5800  }
0x205: {  	[sflag:s0] =	ssyncset.done $0x0  }
0x206: {  	s1 =	simm.s32 $0x4;
	[sflag:s0] =	ssyncadd.s32 $0xFFFFA800  }
0x207: {  	_ =	swait.ge [sflag:s1], $0x5800  }
0x208: {  	s2 =	rddreg [dreg:$0xe]  }
0x209: {  	s31 =	rddreg [dreg:$0xc];
	s2 =	sadd.s32 $0x1, s2  }
0x20a: {  	p1 =	sne.s32 s2, s31  }
.Ltmp5:
0x20b: {  	_ = 	snop;
	(pc) =	sbr.rel @p1 .LBB2_1-.Ltmp5, $3  }
0x20c: {  	_ =	sdelay $0x1  }
0x20d: {  	[sflag:s1] =	ssyncset.done $0x0  }
0x20e: {  	s3 =	simm.s32 $0x5;
	[sflag:s1] =	ssyncadd.s32 $0xFFFFA800  }
0x20f: {  	_ =	sfence.sel $0x180000  }
0x210: {  	[bflag:$0x0] =	sbarrier.arrive $0xFFFF  }
0x211: {  	_ =	strace $0x90000047  }
0x212: {  	s0 =	stileid.u32;
	[bflag:$0x2] =	sbarrier.arrive $0xFFFF  }
0x213: {  	p0 =	sne.s32 s0, $0x0;
	s0 =	rddreg [dreg:$0x3]  }
0x214: {  	s0 =	sadd.s32 @!p0 $0x100000, s0  }
0x215: {  	[sflag:s0] =	ssyncadd.tile.s32 @!p0 $0x1;
	_ =	shalt  }
.Lfunc_end2:
_tile_overlayer_lowered:
.L_overlay_start_2:
0x216: {  	(tag) =	ssettag $0x2  }
0x217: {  	s0 =	rddreg [dreg:$0x0];
	s2 =	stileid.u32  }
0x218: {  	s1 =	rddreg [dreg:$0x1];
	p0 =	sne.s32 s2, $0x0  }
0x219: {  	s3 =	rddreg [dreg:$0x2];
	[bflag:$0x3] =	sbarrier.arrive $0xFFFF;
	s2 =	simm.s32 @!p0 $0x1C05  }
0x21a: {  	[timem:s3], [sflag:s2] =	dma.local @!p0 [hbm:s0], s1  }
0x21b: {  	s0 =	simm.s32 @!p0 $0x5  }
0x21c: {  	_ =	swait.ge @!p0 [sflag:s0], s1  }
0x21d: {  	s1 =	ssub.s32 @!p0 $0x0, s1;
	[sflag:s0] =	ssyncset.done @!p0 $0x0  }
0x21e: {  	[sflag:s0] =	ssyncadd.s32 @!p0 s1  }
0x21f: {  	[bflag:$0x3] =	sbarrier.arrive $0xFFFF  }
0x220: {  	_ =	shalt  }

// kernel: kernel.8.cloned.1.call-start
scs
__scs_entry_jumppad:
0x0: {  	(pc) =	sbr.rel $0x88, $3  }
0x1: {  	(tag) =	ssettag $0x0;
	lr =	simm.s32 $0x1  }
0x2: {  	[smem:$0x3F94] =	sst lr;
	_ =	strace $0xD0000000  }
0x3: {  	_ = 	snop  }
0x4: {  	_ = 	snop  }
0x5: {  	_ = 	snop  }
0x6: {  	_ = 	snop  }
0x7: {  	_ = 	snop  }
__scs_overlays_trampoline_lowered:
0x8: {  	[smem:$0x3FA3] =	sst s0  }
0x9: {  	[smem:$0x3FA4] =	sst s1  }
0xa: {  	[smem:$0x3FA5] =	sst s2  }
0xb: {  	[smem:$0x3FA6] =	sst s3  }
0xc: {  	[smem:$0x3FA7] =	sst s4  }
0xd: {  	[smem:$0x3FA8] =	sst s5  }
0xe: {  	[smem:$0x3FA9] =	sst s6  }
0xf: {  	[smem:$0x3FAA] =	sst s7  }
0x10: {  	[smem:$0x3FAB] =	sst s8  }
0x11: {  	[smem:$0x3FAC] =	sst s9;
	s0 =	simm.s32 @!p0 $0x0  }
0x12: {  	s1 =	sld [smem:$0x3F92];
	s0 =	simm.s32 @p0 $0x1  }
0x13: {  	[smem:$0x3FAD] =	sst s0;
	s0 =	simm.s32 @!p1 $0x0  }
0x14: {  	s2 =	sld [smem:$0x3F91];
	s0 =	simm.s32 @p1 $0x1  }
0x15: {  	[smem:$0x3FAE] =	sst s0;
	s0 =	simm.s32 @!p2 $0x0  }
0x16: {  	s3 =	sld [smem:$0x3FDB];
	s0 =	simm.s32 @p2 $0x1  }
0x17: {  	s4 =	simm.s32 $0x1BF5;
	[smem:$0x3FB0] =	sst s0  }
0x18: {  	s0 =	sld [smem:$0x3F93];
	_ =	swait.ge [sflag:s4], $0x0  }
0x19: {  	s7 =	sld [smem:$0x3F94]  }
0x1a: {  	s8 =	sadd.s32 $0xFFFFE003, lr  }
0x1b: {  	s9 =	sadd.s32 $0xFFFFFEF7, lr;
	s5 =	simm.s32 $0xFFFFFFFF;
	p2 =	slt.u32 s8, $0xFFFFF086  }
0x1c: {  	p1 =	slt.u32 s9, $0xF7A;
	s5 =	simm.s32 @!p2 $0x0  }
0x1d: {  	s5 =	simm.s32 @p1 $0x1;
	p0 =	seq.s32 s7, s2  }
0x1e: {  	s7 =	smul.u32 @!p0 $0xF7A, s2;
	p2 =	seq.s32 @!p0 s5, $0x0  }
0x1f: {  	s9 =	smul.u32 $0xF7A, s1;
	s8 =	simm.s32 @!p0 $0x1BF5;
	p2 =	por !p2, p0  }
0x20: {  	[sflag:s8] =	ssyncset.s32 @!p0 $0xFFFFF086;
	s6 =	sadd.s32 @!p0 s3, s7;
	s7 =	simm.s32 @!p0 $0x108  }
0x21: {  	s3 =	sadd.s32 s3, s9;
	s6 =	sadd.s32 @!p0 $0x88, s6;
	s7 =	simm.s32 @p2 $0x1082  }
0x22: {  	[simem:s7], [sflag:s8] =	dma.local @!p0 [hbm:s6], $0xF7A  }
0x23: {  	s9 =	sor.u32 $0xD0000000, s2;
	s6 =	simm.s32 $0x108;
	_ =	swait.ge @!p0 [sflag:s8], $0x0  }
0x24: {  	s3 =	sadd.s32 $0x88, s3;
	s6 =	simm.s32 @!p1 $0x1082;
	[sflag:s4] =	ssyncset.s32 $0xFFFFF086  }
0x25: {  	[simem:s6], [sflag:s4] =	dma.local [hbm:s3], $0xF7A  }
0x26: {  	[smem:$0x3F94] =	sst s1;
	(tag) =	ssettag s2;
	_ =	strace s9  }
0x27: {  	s1 =	sld [smem:$0x3FA4]  }
0x28: {  	s2 =	sld [smem:$0x3FA5]  }
0x29: {  	s4 =	sld [smem:$0x3FA7]  }
0x2a: {  	p0 =	seq.s32 s5, $0x0;
	s5 =	sld [smem:$0x3FA8]  }
0x2b: {  	s6 =	sld [smem:$0x3FA9]  }
0x2c: {  	s7 =	sld [smem:$0x3FAA]  }
0x2d: {  	s3 =	simm.s32 $0x108;
	s8 =	sld [smem:$0x3FAB]  }
0x2e: {  	s3 =	simm.s32 @!p0 $0x1082;
	s9 =	sld [smem:$0x3FAC]  }
0x2f: {  	lr =	sadd.s32 s0, s3;
	s0 =	sld [smem:$0x3FA3]  }
0x30: {  	s3 =	sld [smem:$0x3FA6]  }
0x31: {  	[smem:$0x3FAF] =	sst s10  }
0x32: {  	s10 =	sld [smem:$0x3FAD];
	_ =	sdelay $0x3  }
0x33: {  	p0 =	seq.s32 s10, $0x1;
	s10 =	sld [smem:$0x3FAF];
	_ =	sdelay $0x3  }
0x34: {  	[smem:$0x3FAF] =	sst s10  }
0x35: {  	s10 =	sld [smem:$0x3FAE];
	_ =	sdelay $0x3  }
0x36: {  	p1 =	seq.s32 s10, $0x1;
	s10 =	sld [smem:$0x3FAF];
	_ =	sdelay $0x3  }
0x37: {  	[smem:$0x3FAF] =	sst s10  }
0x38: {  	s10 =	sld [smem:$0x3FB0]  }
0x39: {  	_ = 	snop;
	(pc) =	sbr.ind lr, $3  }
0x3a: {  	_ = 	snop  }
0x3b: {  	_ = 	snop  }
0x3c: {  	p2 =	seq.s32 s10, $0x1;
	s10 =	sld [smem:$0x3FAF]  }
0x3d: {  	_ =	shalt  }
0x3e: {  	_ =	shalt  }
0x3f: {  	_ =	shalt  }
0x40: {  	_ =	shalt  }
0x41: {  	_ =	shalt  }
0x42: {  	_ =	shalt  }
0x43: {  	_ =	shalt  }
0x44: {  	_ =	shalt  }
0x45: {  	_ =	shalt  }
0x46: {  	_ =	shalt  }
0x47: {  	_ =	shalt  }
0x48: {  	_ =	shalt  }
0x49: {  	_ =	shalt  }
0x4a: {  	_ =	shalt  }
0x4b: {  	_ =	shalt  }
0x4c: {  	_ =	shalt  }
0x4d: {  	_ =	shalt  }
0x4e: {  	_ =	shalt  }
0x4f: {  	_ =	shalt  }
0x50: {  	_ =	shalt  }
0x51: {  	_ =	shalt  }
0x52: {  	_ =	shalt  }
0x53: {  	_ =	shalt  }
0x54: {  	_ =	shalt  }
0x55: {  	_ =	shalt  }
0x56: {  	_ =	shalt  }
0x57: {  	_ =	shalt  }
0x58: {  	_ =	shalt  }
0x59: {  	_ =	shalt  }
0x5a: {  	_ =	shalt  }
0x5b: {  	_ =	shalt  }
0x5c: {  	_ =	shalt  }
0x5d: {  	_ =	shalt  }
0x5e: {  	_ =	shalt  }
0x5f: {  	_ =	shalt  }
0x60: {  	_ =	shalt  }
0x61: {  	_ =	shalt  }
0x62: {  	_ =	shalt  }
0x63: {  	_ =	shalt  }
0x64: {  	_ =	shalt  }
0x65: {  	_ =	shalt  }
0x66: {  	_ =	shalt  }
0x67: {  	_ =	shalt  }
0x68: {  	_ =	shalt  }
0x69: {  	_ =	shalt  }
0x6a: {  	_ =	shalt  }
0x6b: {  	_ =	shalt  }
0x6c: {  	_ =	shalt  }
0x6d: {  	_ =	shalt  }
0x6e: {  	_ =	shalt  }
0x6f: {  	_ =	shalt  }
0x70: {  	_ =	shalt  }
0x71: {  	_ =	shalt  }
0x72: {  	_ =	shalt  }
0x73: {  	_ =	shalt  }
0x74: {  	_ =	shalt  }
0x75: {  	_ =	shalt  }
0x76: {  	_ =	shalt  }
0x77: {  	_ =	shalt  }
0x78: {  	_ =	shalt  }
0x79: {  	_ =	shalt  }
0x7a: {  	_ =	shalt  }
0x7b: {  	_ =	shalt  }
0x7c: {  	_ =	shalt  }
0x7d: {  	_ =	shalt  }
0x7e: {  	_ =	shalt  }
0x7f: {  	_ =	shalt  }
0x80: {  	_ =	shalt  }
0x81: {  	_ =	shalt  }
0x82: {  	_ =	shalt  }
0x83: {  	_ =	shalt  }
0x84: {  	_ =	shalt  }
0x85: {  	_ =	shalt  }
0x86: {  	_ =	shalt  }
0x87: {  	_ =	shalt  }
.Lfunc_end0:
.L_simem_size_0:
called_computation.1_lowered:
.L_overlay_start_0:
0x88: {  	s2 =	sld [smem:$0x3FD9]  }
0x89: {  	s3 =	sld [smem:$0x3FFE];
	_ =	sdelay $0x1  }
0x8a: {  	s1 =	srdreg.scid  }
0x8b: {  	s0 =	sand.u32 $0x1, s1  }
0x8c: {  	s16 =	sshll.u32 s0, $0xA;
	s2 =	sadd.s32 s3, s2  }
0x8d: {  	s2 =	sadd.s32 s2, s16  }
0x8e: {  	[smem:$0x3FBB] =	sst s2  }
0x8f: {  	_ = 	snop  }
0x90: {  	(tm) =	ssettm $0x1  }
0x91: {  	s17 =	sld [smem:$0x3FFB];
	_ =	sdelay $0x3  }
0x92: {  	_ =	strace s17  }
0x93: {  	s2 =	sld [smem:$0x3FFC];
	_ =	sdelay $0x3  }
0x94: {  	_ =	strace s2  }
0x95: {  	s2 =	sld [smem:$0x3FFD];
	_ =	sdelay $0x3  }
0x96: {  	_ =	strace s2  }
0x97: {  	_ =	strace $0x8FFFFFFF  }
0x98: {  	s18 =	sld [smem:$0x3FDB];
	_ =	sdelay $0x1  }
0x99: {  	s19 =	simm.s32 $_scs_section_size  }
0x9a: {  	s4 =	simm.s32 $_size__tile_overlayer_lowered;
	s5 =	simm.s32 $_tile_overlayer_lowered  }
0x9b: {  	s22 =	simm.s32 $0x1BFF;
	s21 =	sshll.u32 s5, $0x1;
	s2 =	sadd.s32 s19, s18  }
0x9c: {  	s6 =	simm.s32 $0x0;
	s20 =	sshll.u32 s4, $0x1;
	s4 =	sadd.s32 s21, s2  }
0x9d: {  	[timem:s6], [sflag:s22] =	dma.local [hbm:s4], s20  }
0x9e: {  	_ =	swait.ge [sflag:s22], s20  }
0x9f: {  	s3 =	ssub.s32 $0x0, s20;
	[sflag:s22] =	ssyncset.done $0x0  }
0xa0: {  	[sflag:s22] =	ssyncadd.s32 s3;
	_ =	sdelay $0x1  }
0xa1: {  	s23 =	simm.s32 $0x1B8B  }
0xa2: {  	_ =	swait.ge [sflag:s23], $0x1  }
0xa3: {  	[sflag:s23] =	ssyncset.done $0x0  }
0xa4: {  	s25 =	simm.s32 $0x1B8E;
	s24 =	sld [smem:$0x3FFE];
	[sflag:s23] =	ssyncadd.s32 $0xFFFFFFFF  }
0xa5: {  	s26 =	simm.s32 $execute0_lowered;
	[smem:$0x3FD2] =	sst s25  }
0xa6: {  	s4 =	sshll.u32 s26, $0x1;
	_ =	strace $0x80000049;
	[dreg:$0x1] =	wrdreg $0xFFFFFFFF  }
0xa7: {  	s28 =	simm.s32 $_size_execute0_lowered;
	s2 =	sadd.s32 s2, s4;
	[dreg:$0x0] =	wrdreg $0x0  }
0xa8: {  	s4 =	sshll.u32 s28, $0x1;
	[dreg:$0x2] =	wrdreg s2  }
0xa9: {  	[dreg:$0x3] =	wrdreg s4  }
0xaa: {  	[dreg:$0x4] =	wrdreg $0xC0  }
0xab: {  	_ =	task [dreg:s6], $0x5FFFF  }
0xac: {  	[dreg:$0x1] =	wrdreg $0xFFFFFFFF  }
0xad: {  	[dreg:$0x0] =	wrdreg $0x60  }
0xae: {  	[dreg:$0x2] =	wrdreg s24  }
0xaf: {  	[dreg:$0x3] =	wrdreg $0x9  }
0xb0: {  	_ =	task.clear_ibuf [dreg:s6], $0x4FFFF;
	_ =	strace $0x90000049  }
0xb1: {  	s29 =	simm.s32 $0x9;
	_ =	strace $0x8000004B  }
0xb2: {  	_ =	swait.ge [sflag:s29], $0x1  }
0xb3: {  	[sflag:s29] =	ssyncadd.s32 $0xFFFFFFFF  }
0xb4: {  	_ =	strace $0x9000004B  }
0xb5: {  	_ =	sfence  }
0xb6: {  	s30 =	sld [smem:$0x0];
	_ =	sdelay $0x2  }
0xb7: {  	s31 =	sshll.u32 s1, $0xD;
	s1 =	sshrl.u32 s1, $0x2  }
0xb8: {  	s3 =	sand.u32 $0x4000, s31;
	s1 =	sadd.s32 s1, s30  }
0xb9: {  	s0 =	sor.u32 s3, s0;
	s1 =	sshll.u32 s1, $0x11  }
0xba: {  	s0 =	sor.u32 s1, s0  }
0xbb: {  	s0 =	sadd.s32 $0x8F2B, s0  }
0xbc: {  	[sflag:s0] =	ssyncadd.remote.s32 $0x1  }
0xbd: {  	_ =	sfence.sel $0xFFFF  }
0xbe: {  	[dreg:$0x0] =	wrdreg $0xFFFFFFFF;
	(pc) =	sbr.abs _section_cstart, $3  }
0xbf: {  	[dreg:$0x1] =	wrdreg $0xFFFFFFFF  }
0xc0: {  	_ =	task.clear_ibuf [dreg:s6], $0x2FFFF;
	_ =	strace $0x9FFFFFFF  }
0xc1: {  	(tm) =	ssettm $0x7FFFFFFF  }
tec
execute0_lowered:
.L_overlay_start_1:
0x0: {  	(tag) =	ssettag $0x1  }
0x1: {  	s0 =	srdreg.scid  }
0x2: {  	s8 =	stileid.u32;
	s4 =	rddreg [dreg:$0x0]  }
0x3: {  	s2 =	simm.s32 $0x0;
	s11 =	simm.s32 $0x4;
	s12 =	simm.s32 $0x3400  }
0x4: {  	s13 =	simm.s32 $0x7400;
	s14 =	simm.s32 $0x2;
	s15 =	simm.s32 $0x80  }
0x5: {  	s16 =	simm.s32 $0x3C00;
	s23 =	simm.s32 $0x7C00;
	s17 =	simm.s32 $0x4400  }
0x6: {  	s24 =	simm.s32 $0x8400;
	s18 =	simm.s32 $0x4C00;
	s25 =	simm.s32 $0x8C00  }
0x7: {  	s19 =	simm.s32 $0x5400;
	s26 =	simm.s32 $0x9400;
	[smem:$0x7FF] =	sst s2  }
0x8: {  	s28 =	simm.s32 $0x9C00;
	_ =	strace $0x8000004A;
	[dreg:$0x2] =	wrdreg s23  }
0x9: {  	s29 =	simm.s32 $0xA400;
	s31 =	simm.s32 $0xAC00;
	[dreg:$0x3] =	wrdreg s24  }
0xa: {  	s0 =	sand.u32 $0x1, s0;
	s1 =	sshll.u32 s8, $0x1;
	[dreg:$0x4] =	wrdreg s25  }
0xb: {  	s8 =	smul.u32 $0x68000, s8;
	s10 =	sadd.s32 $0x504600, s4;
	[dreg:$0x5] =	wrdreg s26  }
0xc: {  	s1 =	sor.u32 s0, s1;
	s7 =	ssub.s32 $0x2, s0;
	[dreg:$0x6] =	wrdreg s28  }
0xd: {  	s0 =	smul.u32 $0x34000, s0;
	[dreg:$0x7] =	wrdreg s29;
	s23 =	simm.s32 $0x1  }
0xe: {  	s24 =	simm.s32 $0x3;
	[dreg:$0x8] =	wrdreg s31;
	s3 =	smul.u32 $0x680, s1  }
0xf: {  	s25 =	simm.s32 $0x0;
	s5 =	smul.u32 $0x6800, s1;
	s20 =	sshrl.u32 s7, $0x1  }
0x10: {  	s1 =	smul.u32 $0x34000, s1;
	s9 =	ssub.s32 s7, s20;
	s0 =	sadd.s32 s0, s8  }
0x11: {  	s20 =	simm.s32 $0x5C00;
	s6 =	sadd.s32 s3, s4;
	s3 =	sadd.s32 $0x1C00, s4  }
0x12: {  	s1 =	sshrl.u32 s1, $0x3;
	s5 =	sadd.s32 s10, s5;
	s22 =	sadd.s32 $0x4000, s0  }
0x13: {  	s8 =	smax.u32 s9, $0x1;
	s0 =	sshrl.u32 s0, $0x3;
	s21 =	sadd.s32 $0x4F7600, s6  }
0x14: {  	s1 =	sadd.s32 s10, s1;
	s9 =	sadd.s32 s0, s10;
	[dreg:$0x9] =	wrdreg s21  }
0x15: {  	s6 =	sadd.s32 $0x800, s1;
	s7 =	sadd.s32 $0x6000, s1;
	s1 =	sshrl.u32 s22, $0x3  }
0x16: {  	s21 =	simm.s32 $0x6400;
	s22 =	simm.s32 $0x6C00;
	s30 =	sadd.s32 s1, s10  }
.LBB2_1:
0x17: {  	s0 =	rddreg [dreg:$0x9]  }
0x18: {  	[tilespmem:s2], [sflag:$0x4] =	stream.linear.gather [hbm4b:s0+s2], $0x3400, $0x38;
	[tilespmem:$0xB400] =	vst v63  }
0x19: {  	_ =	swait.ge [sflag:s11], $0x3400  }
0x1a: {  	[sflag:s11] =	ssyncset.done $0x0  }
0x1b: {  	[sflag:s11] =	ssyncadd.s32 $0xFFFFCC00  }
0x1c: {  	[hbm4b:s5+s2] =	stream.linear.scatter [tilespmem:s12], [sflag:$0x2], $0x4000, $0x38;
	[tilespmem:$0xB400] =	vst v63  }
0x1d: {  	_ = 	snop  }
0x1e: {  	[hbm4b:s6+s2] =	stream.linear.scatter [tilespmem:s13], [sflag:$0x3], $0x4000, $0x38;
	[tilespmem:$0xB400] =	vst v63  }
0x1f: {  	_ =	swait.ge [sflag:s14], $0x4000  }
0x20: {  	[sflag:s14] =	ssyncset.done $0x0  }
0x21: {  	s10 =	simm.s32 $0x0;
	[sflag:s14] =	ssyncadd.s32 $0xFFFFC000  }
0x22: {  	[tilespmem:s12], [sflag:$0x1] =	stream.indirect.gather [hbm4b:s3+s15], $0x10, s10, s15, $0xb8;
	[tilespmem:$0xB400] =	vst v63  }
0x23: {  	s0 =	simm.s32 $0x80  }
0x24: {  	[tilespmem:s16], [sflag:$0x1] =	stream.indirect.gather [hbm4b:s3+s15], $0x10, s0, s15, $0xb8;
	[tilespmem:$0xB400] =	vst v63  }
0x25: {  	s1 =	simm.s32 $0x100  }
0x26: {  	[tilespmem:s17], [sflag:$0x1] =	stream.indirect.gather [hbm4b:s3+s15], $0x10, s1, s15, $0xb8;
	[tilespmem:$0xB400] =	vst v63  }
0x27: {  	s4 =	simm.s32 $0x180  }
0x28: {  	[tilespmem:s18], [sflag:$0x1] =	stream.indirect.gather [hbm4b:s3+s15], $0x10, s4, s15, $0xb8;
	[tilespmem:$0xB400] =	vst v63  }
0x29: {  	s26 =	simm.s32 $0x200  }
0x2a: {  	[tilespmem:s19], [sflag:$0x1] =	stream.indirect.gather [hbm4b:s3+s15], $0x10, s26, s15, $0xb8;
	[tilespmem:$0xB400] =	vst v63  }
0x2b: {  	s31 =	simm.s32 $0x280  }
0x2c: {  	[tilespmem:s20], [sflag:$0x1] =	stream.indirect.gather [hbm4b:s3+s15], $0x10, s31, s15, $0xb8;
	[tilespmem:$0xB400] =	vst v63  }
0x2d: {  	s0 =	simm.s32 $0x300  }
0x2e: {  	[tilespmem:s21], [sflag:$0x1] =	stream.indirect.gather [hbm4b:s3+s15], $0x10, s0, s15, $0xb8;
	[tilespmem:$0xB400] =	vst v63  }
0x2f: {  	s1 =	simm.s32 $0x380  }
0x30: {  	[tilespmem:s22], [sflag:$0x1] =	stream.indirect.gather [hbm4b:s3+s15], $0x10, s1, s15, $0xb8;
	[tilespmem:$0xB400] =	vst v63  }
0x31: {  	_ =	swait.ge [sflag:s23], $0x800  }
0x32: {  	[sflag:s23] =	ssyncset.done $0x0  }
0x33: {  	[sflag:s23] =	ssyncadd.s32 $0xFFFFF800  }
0x34: {  	_ =	swait.ge [sflag:s23], $0x800  }
0x35: {  	[sflag:s23] =	ssyncset.done $0x0  }
0x36: {  	[sflag:s23] =	ssyncadd.s32 $0xFFFFF800  }
0x37: {  	_ =	swait.ge [sflag:s23], $0x800  }
0x38: {  	[sflag:s23] =	ssyncset.done $0x0  }
0x39: {  	[sflag:s23] =	ssyncadd.s32 $0xFFFFF800  }
0x3a: {  	_ =	swait.ge [sflag:s23], $0x800  }
0x3b: {  	[sflag:s23] =	ssyncset.done $0x0  }
0x3c: {  	[sflag:s23] =	ssyncadd.s32 $0xFFFFF800  }
0x3d: {  	_ =	swait.ge [sflag:s23], $0x800  }
0x3e: {  	[sflag:s23] =	ssyncset.done $0x0  }
0x3f: {  	[sflag:s23] =	ssyncadd.s32 $0xFFFFF800  }
0x40: {  	_ =	swait.ge [sflag:s23], $0x800  }
0x41: {  	[sflag:s23] =	ssyncset.done $0x0  }
0x42: {  	[sflag:s23] =	ssyncadd.s32 $0xFFFFF800  }
0x43: {  	_ =	swait.ge [sflag:s23], $0x800  }
0x44: {  	[sflag:s23] =	ssyncset.done $0x0  }
0x45: {  	[sflag:s23] =	ssyncadd.s32 $0xFFFFF800  }
0x46: {  	_ =	swait.ge [sflag:s23], $0x800  }
0x47: {  	[sflag:s23] =	ssyncset.done $0x0  }
0x48: {  	[sflag:s23] =	ssyncadd.s32 $0xFFFFF800  }
0x49: {  	[hbm4b:s9+s2] =	stream.linear.scatter [tilespmem:s12], [sflag:$0x2], $0x4000, $0x38;
	[tilespmem:$0xB400] =	vst v63  }
0x4a: {  	_ =	swait.ge [sflag:s24], $0x4000  }
0x4b: {  	[sflag:s24] =	ssyncset.done $0x0  }
0x4c: {  	s4 =	simm.s32 $0x400;
	[sflag:s24] =	ssyncadd.s32 $0xFFFFC000  }
0x4d: {  	[tilespmem:s13], [sflag:$0x1] =	stream.indirect.gather [hbm4b:s3+s15], $0x10, s4, s15, $0xb8;
	[tilespmem:$0xB400] =	vst v63  }
0x4e: {  	s31 =	simm.s32 $0x480;
	s26 =	rddreg [dreg:$0x2]  }
0x4f: {  	[tilespmem:s26], [sflag:$0x1] =	stream.indirect.gather [hbm4b:s3+s15], $0x10, s31, s15, $0xb8;
	[tilespmem:$0xB400] =	vst v63  }
0x50: {  	s0 =	simm.s32 $0x500;
	s28 =	rddreg [dreg:$0x3]  }
0x51: {  	[tilespmem:s28], [sflag:$0x1] =	stream.indirect.gather [hbm4b:s3+s15], $0x10, s0, s15, $0xb8;
	[tilespmem:$0xB400] =	vst v63  }
0x52: {  	s1 =	rddreg [dreg:$0x4];
	s4 =	simm.s32 $0x580  }
0x53: {  	[tilespmem:s1], [sflag:$0x1] =	stream.indirect.gather [hbm4b:s3+s15], $0x10, s4, s15, $0xb8;
	[tilespmem:$0xB400] =	vst v63  }
0x54: {  	s26 =	simm.s32 $0x600;
	s28 =	rddreg [dreg:$0x5]  }
0x55: {  	[tilespmem:s28], [sflag:$0x1] =	stream.indirect.gather [hbm4b:s3+s15], $0x10, s26, s15, $0xb8;
	[tilespmem:$0xB400] =	vst v63  }
0x56: {  	s31 =	rddreg [dreg:$0x6];
	s0 =	simm.s32 $0x680  }
0x57: {  	[tilespmem:s31], [sflag:$0x1] =	stream.indirect.gather [hbm4b:s3+s15], $0x10, s0, s15, $0xb8;
	[tilespmem:$0xB400] =	vst v63  }
0x58: {  	s1 =	simm.s32 $0x700;
	s28 =	rddreg [dreg:$0x7]  }
0x59: {  	[tilespmem:s28], [sflag:$0x1] =	stream.indirect.gather [hbm4b:s3+s15], $0x10, s1, s15, $0xb8;
	[tilespmem:$0xB400] =	vst v63  }
0x5a: {  	s4 =	rddreg [dreg:$0x8];
	s31 =	simm.s32 $0x780  }
0x5b: {  	[tilespmem:s4], [sflag:$0x1] =	stream.indirect.gather [hbm4b:s3+s15], $0x10, s31, s15, $0xb8;
	[tilespmem:$0xB400] =	vst v63  }
0x5c: {  	_ =	swait.ge [sflag:s23], $0x800  }
0x5d: {  	[sflag:s23] =	ssyncset.done $0x0  }
0x5e: {  	[sflag:s23] =	ssyncadd.s32 $0xFFFFF800  }
0x5f: {  	_ =	swait.ge [sflag:s23], $0x800  }
0x60: {  	[sflag:s23] =	ssyncset.done $0x0  }
0x61: {  	[sflag:s23] =	ssyncadd.s32 $0xFFFFF800  }
0x62: {  	_ =	swait.ge [sflag:s23], $0x800  }
0x63: {  	[sflag:s23] =	ssyncset.done $0x0  }
0x64: {  	[sflag:s23] =	ssyncadd.s32 $0xFFFFF800  }
0x65: {  	_ =	swait.ge [sflag:s23], $0x800  }
0x66: {  	[sflag:s23] =	ssyncset.done $0x0  }
0x67: {  	[sflag:s23] =	ssyncadd.s32 $0xFFFFF800  }
0x68: {  	_ =	swait.ge [sflag:s23], $0x800  }
0x69: {  	[sflag:s23] =	ssyncset.done $0x0  }
0x6a: {  	[sflag:s23] =	ssyncadd.s32 $0xFFFFF800  }
0x6b: {  	_ =	swait.ge [sflag:s23], $0x800  }
0x6c: {  	[sflag:s23] =	ssyncset.done $0x0  }
0x6d: {  	[sflag:s23] =	ssyncadd.s32 $0xFFFFF800  }
0x6e: {  	_ =	swait.ge [sflag:s23], $0x800  }
0x6f: {  	[sflag:s23] =	ssyncset.done $0x0  }
0x70: {  	[sflag:s23] =	ssyncadd.s32 $0xFFFFF800  }
0x71: {  	_ =	swait.ge [sflag:s23], $0x800  }
0x72: {  	s29 =	sadd.s32 $0x1000, s30;
	s10 =	smov.u32 s30;
	[sflag:s23] =	ssyncset.done $0x0  }
0x73: {  	s26 =	simm.s32 $0x2000;
	s28 =	sadd.s32 $0x1000, s9;
	[sflag:s23] =	ssyncadd.s32 $0xFFFFF800  }
.LBB2_2:
0x74: {  	[hbm4b:s10+s2] =	stream.linear.scatter [tilespmem:s13], [sflag:$0x3], $0x4000, $0x38;
	[tilespmem:$0xB400] =	vst v63  }
0x75: {  	_ =	swait.ge [sflag:s14], $0x4000  }
0x76: {  	s31 =	smov.u32 s26;
	[sflag:s14] =	ssyncset.done $0x0  }
0x77: {  	s31 =	sshra.s32 s31, $0x2;
	[sflag:s14] =	ssyncadd.s32 $0xFFFFC000  }
0x78: {  	[tilespmem:s12], [sflag:$0x1] =	stream.indirect.gather [hbm4b:s3+s15], $0x10, s31, s15, $0xb8;
	[tilespmem:$0xB400] =	vst v63  }
0x79: {  	s1 =	sadd.s32 $0x80, s31  }
0x7a: {  	[tilespmem:s16], [sflag:$0x1] =	stream.indirect.gather [hbm4b:s3+s15], $0x10, s1, s15, $0xb8;
	[tilespmem:$0xB400] =	vst v63  }
0x7b: {  	s4 =	sadd.s32 $0x100, s31  }
0x7c: {  	[tilespmem:s17], [sflag:$0x1] =	stream.indirect.gather [hbm4b:s3+s15], $0x10, s4, s15, $0xb8;
	[tilespmem:$0xB400] =	vst v63  }
0x7d: {  	s0 =	sadd.s32 $0x180, s31  }
0x7e: {  	[tilespmem:s18], [sflag:$0x1] =	stream.indirect.gather [hbm4b:s3+s15], $0x10, s0, s15, $0xb8;
	[tilespmem:$0xB400] =	vst v63  }
0x7f: {  	s4 =	sadd.s32 $0x200, s31  }
0x80: {  	[tilespmem:s19], [sflag:$0x1] =	stream.indirect.gather [hbm4b:s3+s15], $0x10, s4, s15, $0xb8;
	[tilespmem:$0xB400] =	vst v63  }
0x81: {  	s0 =	sadd.s32 $0x280, s31  }
0x82: {  	[tilespmem:s20], [sflag:$0x1] =	stream.indirect.gather [hbm4b:s3+s15], $0x10, s0, s15, $0xb8;
	[tilespmem:$0xB400] =	vst v63  }
0x83: {  	s4 =	sadd.s32 $0x300, s31  }
0x84: {  	[tilespmem:s21], [sflag:$0x1] =	stream.indirect.gather [hbm4b:s3+s15], $0x10, s4, s15, $0xb8;
	[tilespmem:$0xB400] =	vst v63  }
0x85: {  	s0 =	sadd.s32 $0x380, s31  }
0x86: {  	[tilespmem:s22], [sflag:$0x1] =	stream.indirect.gather [hbm4b:s3+s15], $0x10, s0, s15, $0xb8;
	[tilespmem:$0xB400] =	vst v63  }
0x87: {  	_ =	swait.ge [sflag:s23], $0x800  }
0x88: {  	[sflag:s23] =	ssyncset.done $0x0  }
0x89: {  	[sflag:s23] =	ssyncadd.s32 $0xFFFFF800  }
0x8a: {  	_ =	swait.ge [sflag:s23], $0x800  }
0x8b: {  	[sflag:s23] =	ssyncset.done $0x0  }
0x8c: {  	[sflag:s23] =	ssyncadd.s32 $0xFFFFF800  }
0x8d: {  	_ =	swait.ge [sflag:s23], $0x800  }
0x8e: {  	[sflag:s23] =	ssyncset.done $0x0  }
0x8f: {  	[sflag:s23] =	ssyncadd.s32 $0xFFFFF800  }
0x90: {  	_ =	swait.ge [sflag:s23], $0x800  }
0x91: {  	[sflag:s23] =	ssyncset.done $0x0  }
0x92: {  	[sflag:s23] =	ssyncadd.s32 $0xFFFFF800  }
0x93: {  	_ =	swait.ge [sflag:s23], $0x800  }
0x94: {  	[sflag:s23] =	ssyncset.done $0x0  }
0x95: {  	[sflag:s23] =	ssyncadd.s32 $0xFFFFF800  }
0x96: {  	_ =	swait.ge [sflag:s23], $0x800  }
0x97: {  	[sflag:s23] =	ssyncset.done $0x0  }
0x98: {  	[sflag:s23] =	ssyncadd.s32 $0xFFFFF800  }
0x99: {  	_ =	swait.ge [sflag:s23], $0x800  }
0x9a: {  	[sflag:s23] =	ssyncset.done $0x0  }
0x9b: {  	[sflag:s23] =	ssyncadd.s32 $0xFFFFF800  }
0x9c: {  	_ =	swait.ge [sflag:s23], $0x800  }
0x9d: {  	[sflag:s23] =	ssyncset.done $0x0  }
0x9e: {  	[sflag:s23] =	ssyncadd.s32 $0xFFFFF800  }
0x9f: {  	[hbm4b:s28+s2] =	stream.linear.scatter [tilespmem:s12], [sflag:$0x2], $0x4000, $0x38;
	[tilespmem:$0xB400] =	vst v63  }
0xa0: {  	_ =	swait.ge [sflag:s24], $0x4000  }
0xa1: {  	[sflag:s24] =	ssyncset.done $0x0  }
0xa2: {  	s4 =	sadd.s32 $0x400, s31;
	[sflag:s24] =	ssyncadd.s32 $0xFFFFC000  }
0xa3: {  	[tilespmem:s13], [sflag:$0x1] =	stream.indirect.gather [hbm4b:s3+s15], $0x10, s4, s15, $0xb8;
	[tilespmem:$0xB400] =	vst v63  }
0xa4: {  	s1 =	sadd.s32 $0x480, s31;
	s0 =	rddreg [dreg:$0x2]  }
0xa5: {  	[tilespmem:s0], [sflag:$0x1] =	stream.indirect.gather [hbm4b:s3+s15], $0x10, s1, s15, $0xb8;
	[tilespmem:$0xB400] =	vst v63  }
0xa6: {  	s4 =	rddreg [dreg:$0x3];
	s0 =	sadd.s32 $0x500, s31  }
0xa7: {  	[tilespmem:s4], [sflag:$0x1] =	stream.indirect.gather [hbm4b:s3+s15], $0x10, s0, s15, $0xb8;
	[tilespmem:$0xB400] =	vst v63  }
0xa8: {  	s1 =	rddreg [dreg:$0x4];
	s0 =	sadd.s32 $0x580, s31  }
0xa9: {  	[tilespmem:s1], [sflag:$0x1] =	stream.indirect.gather [hbm4b:s3+s15], $0x10, s0, s15, $0xb8;
	[tilespmem:$0xB400] =	vst v63  }
0xaa: {  	s4 =	rddreg [dreg:$0x5];
	s0 =	sadd.s32 $0x600, s31  }
0xab: {  	[tilespmem:s4], [sflag:$0x1] =	stream.indirect.gather [hbm4b:s3+s15], $0x10, s0, s15, $0xb8;
	[tilespmem:$0xB400] =	vst v63  }
0xac: {  	s1 =	rddreg [dreg:$0x6];
	s0 =	sadd.s32 $0x680, s31  }
0xad: {  	[tilespmem:s1], [sflag:$0x1] =	stream.indirect.gather [hbm4b:s3+s15], $0x10, s0, s15, $0xb8;
	[tilespmem:$0xB400] =	vst v63  }
0xae: {  	s4 =	rddreg [dreg:$0x7];
	s0 =	sadd.s32 $0x700, s31  }
0xaf: {  	[tilespmem:s4], [sflag:$0x1] =	stream.indirect.gather [hbm4b:s3+s15], $0x10, s0, s15, $0xb8;
	[tilespmem:$0xB400] =	vst v63  }
0xb0: {  	s1 =	rddreg [dreg:$0x8];
	s31 =	sadd.s32 $0x780, s31  }
0xb1: {  	[tilespmem:s1], [sflag:$0x1] =	stream.indirect.gather [hbm4b:s3+s15], $0x10, s31, s15, $0xb8;
	[tilespmem:$0xB400] =	vst v63  }
0xb2: {  	_ =	swait.ge [sflag:s23], $0x800  }
0xb3: {  	[sflag:s23] =	ssyncset.done $0x0  }
0xb4: {  	[sflag:s23] =	ssyncadd.s32 $0xFFFFF800  }
0xb5: {  	_ =	swait.ge [sflag:s23], $0x800  }
0xb6: {  	[sflag:s23] =	ssyncset.done $0x0  }
0xb7: {  	[sflag:s23] =	ssyncadd.s32 $0xFFFFF800  }
0xb8: {  	_ =	swait.ge [sflag:s23], $0x800  }
0xb9: {  	[sflag:s23] =	ssyncset.done $0x0  }
0xba: {  	[sflag:s23] =	ssyncadd.s32 $0xFFFFF800  }
0xbb: {  	_ =	swait.ge [sflag:s23], $0x800  }
0xbc: {  	[sflag:s23] =	ssyncset.done $0x0  }
0xbd: {  	[sflag:s23] =	ssyncadd.s32 $0xFFFFF800  }
0xbe: {  	_ =	swait.ge [sflag:s23], $0x800  }
0xbf: {  	[sflag:s23] =	ssyncset.done $0x0  }
0xc0: {  	[sflag:s23] =	ssyncadd.s32 $0xFFFFF800  }
0xc1: {  	_ =	swait.ge [sflag:s23], $0x800  }
0xc2: {  	[sflag:s23] =	ssyncset.done $0x0  }
0xc3: {  	[sflag:s23] =	ssyncadd.s32 $0xFFFFF800  }
0xc4: {  	p0 =	sne.s32 s26, $0xA000;
	_ =	swait.ge [sflag:s23], $0x800  }
.Ltmp0:
0xc5: {  	[sflag:s23] =	ssyncset.done $0x0;
	(pc) =	sbr.rel @p0 .LBB2_2-.Ltmp0, $4  }
0xc6: {  	[sflag:s23] =	ssyncadd.s32 $0xFFFFF800  }
0xc7: {  	_ =	swait.ge [sflag:s23], $0x800  }
0xc8: {  	s10 =	smov.u32 s29;
	s26 =	sadd.s32 $0x2000, s26;
	[sflag:s23] =	ssyncset.done $0x0  }
0xc9: {  	s29 =	sadd.s32 $0x1000, s29;
	s28 =	sadd.s32 $0x1000, s28;
	[sflag:s23] =	ssyncadd.s32 $0xFFFFF800  }
0xca: {  	[hbm4b:s10+s2] =	stream.linear.scatter [tilespmem:s13], [sflag:$0x3], $0x4000, $0x38;
	[tilespmem:$0xB400] =	vst v63  }
0xcb: {  	_ =	swait.ge [sflag:s14], $0x4000  }
0xcc: {  	[sflag:s14] =	ssyncset.done $0x0  }
0xcd: {  	s0 =	simm.s32 $0x3000;
	[sflag:s14] =	ssyncadd.s32 $0xFFFFC000  }
0xce: {  	[tilespmem:s12], [sflag:$0x1] =	stream.indirect.gather [hbm4b:s3+s15], $0x10, s0, s15, $0xb8;
	[tilespmem:$0xB400] =	vst v63  }
0xcf: {  	s1 =	simm.s32 $0x3080  }
0xd0: {  	[tilespmem:s16], [sflag:$0x1] =	stream.indirect.gather [hbm4b:s3+s15], $0x10, s1, s15, $0xb8;
	[tilespmem:$0xB400] =	vst v63  }
0xd1: {  	s4 =	simm.s32 $0x3100  }
0xd2: {  	[tilespmem:s17], [sflag:$0x1] =	stream.indirect.gather [hbm4b:s3+s15], $0x10, s4, s15, $0xb8;
	[tilespmem:$0xB400] =	vst v63  }
0xd3: {  	s10 =	simm.s32 $0x3180  }
0xd4: {  	[tilespmem:s18], [sflag:$0x1] =	stream.indirect.gather [hbm4b:s3+s15], $0x10, s10, s15, $0xb8;
	[tilespmem:$0xB400] =	vst v63  }
0xd5: {  	s26 =	simm.s32 $0x3200  }
0xd6: {  	[tilespmem:s19], [sflag:$0x1] =	stream.indirect.gather [hbm4b:s3+s15], $0x10, s26, s15, $0xb8;
	[tilespmem:$0xB400] =	vst v63  }
0xd7: {  	s28 =	simm.s32 $0x3280  }
0xd8: {  	[tilespmem:s20], [sflag:$0x1] =	stream.indirect.gather [hbm4b:s3+s15], $0x10, s28, s15, $0xb8;
	[tilespmem:$0xB400] =	vst v63  }
0xd9: {  	s29 =	simm.s32 $0x3300  }
0xda: {  	[tilespmem:s21], [sflag:$0x1] =	stream.indirect.gather [hbm4b:s3+s15], $0x10, s29, s15, $0xb8;
	[tilespmem:$0xB400] =	vst v63  }
0xdb: {  	s31 =	simm.s32 $0x3380  }
0xdc: {  	[tilespmem:s22], [sflag:$0x1] =	stream.indirect.gather [hbm4b:s3+s15], $0x10, s31, s15, $0xb8;
	[tilespmem:$0xB400] =	vst v63  }
0xdd: {  	_ =	swait.ge [sflag:s23], $0x800  }
0xde: {  	[sflag:s23] =	ssyncset.done $0x0  }
0xdf: {  	[sflag:s23] =	ssyncadd.s32 $0xFFFFF800  }
0xe0: {  	_ =	swait.ge [sflag:s23], $0x800  }
0xe1: {  	[sflag:s23] =	ssyncset.done $0x0  }
0xe2: {  	[sflag:s23] =	ssyncadd.s32 $0xFFFFF800  }
0xe3: {  	_ =	swait.ge [sflag:s23], $0x800  }
0xe4: {  	[sflag:s23] =	ssyncset.done $0x0  }
0xe5: {  	[sflag:s23] =	ssyncadd.s32 $0xFFFFF800  }
0xe6: {  	_ =	swait.ge [sflag:s23], $0x800  }
0xe7: {  	[sflag:s23] =	ssyncset.done $0x0  }
0xe8: {  	[sflag:s23] =	ssyncadd.s32 $0xFFFFF800  }
0xe9: {  	_ =	swait.ge [sflag:s23], $0x800  }
0xea: {  	[sflag:s23] =	ssyncset.done $0x0  }
0xeb: {  	[sflag:s23] =	ssyncadd.s32 $0xFFFFF800  }
0xec: {  	_ =	swait.ge [sflag:s23], $0x800  }
0xed: {  	[sflag:s23] =	ssyncset.done $0x0  }
0xee: {  	[sflag:s23] =	ssyncadd.s32 $0xFFFFF800  }
0xef: {  	_ =	swait.ge [sflag:s23], $0x800  }
0xf0: {  	[sflag:s23] =	ssyncset.done $0x0  }
0xf1: {  	[sflag:s23] =	ssyncadd.s32 $0xFFFFF800  }
0xf2: {  	_ =	swait.ge [sflag:s23], $0x800  }
0xf3: {  	[sflag:s23] =	ssyncset.done $0x0  }
0xf4: {  	s25 =	sadd.s32 $0x1, s25;
	[sflag:s23] =	ssyncadd.s32 $0xFFFFF800  }
0xf5: {  	[hbm4b:s7+s2] =	stream.linear.scatter [tilespmem:s12], [sflag:$0x2], $0x4000, $0x38;
	[tilespmem:$0xB400] =	vst v63  }
0xf6: {  	p0 =	sne.s32 s25, s8;
	_ =	swait.ge [sflag:s14], $0x4000  }
.Ltmp1:
0xf7: {  	[sflag:s14] =	ssyncset.done $0x0;
	(pc) =	sbr.rel @p0 .LBB2_1-.Ltmp1, $4  }
0xf8: {  	[sflag:s14] =	ssyncadd.s32 $0xFFFFC000  }
0xf9: {  	_ =	swait.ge [sflag:s24], $0x4000  }
0xfa: {  	[sflag:s24] =	ssyncset.done $0x0  }
0xfb: {  	[sflag:s24] =	ssyncadd.s32 $0xFFFFC000  }
0xfc: {  	_ =	sfence.sel $0x180000  }
0xfd: {  	[bflag:$0x0] =	sbarrier.arrive $0xFFFF  }
0xfe: {  	_ =	strace $0x9000004A  }
0xff: {  	s0 =	stileid.u32;
	[bflag:$0x2] =	sbarrier.arrive $0xFFFF  }
0x100: {  	p0 =	sne.s32 s0, $0x0;
	s0 =	rddreg [dreg:$0x1]  }
0x101: {  	s0 =	sadd.s32 @!p0 $0x100000, s0  }
0x102: {  	[sflag:s0] =	ssyncadd.tile.s32 @!p0 $0x1;
	_ =	shalt  }
.Lfunc_end2:
_tile_overlayer_lowered:
.L_overlay_start_2:
0x103: {  	(tag) =	ssettag $0x2  }
0x104: {  	s0 =	rddreg [dreg:$0x0];
	s2 =	stileid.u32  }
0x105: {  	s1 =	rddreg [dreg:$0x1];
	p0 =	sne.s32 s2, $0x0  }
0x106: {  	s3 =	rddreg [dreg:$0x2];
	[bflag:$0x3] =	sbarrier.arrive $0xFFFF;
	s2 =	simm.s32 @!p0 $0x1C04  }
0x107: {  	[timem:s3], [sflag:s2] =	dma.local @!p0 [hbm:s0], s1  }
0x108: {  	s0 =	simm.s32 @!p0 $0x4  }
0x109: {  	_ =	swait.ge @!p0 [sflag:s0], s1  }
0x10a: {  	s1 =	ssub.s32 @!p0 $0x0, s1;
	[sflag:s0] =	ssyncset.done @!p0 $0x0  }
0x10b: {  	[sflag:s0] =	ssyncadd.s32 @!p0 s1  }
0x10c: {  	[bflag:$0x3] =	sbarrier.arrive $0xFFFF  }
0x10d: {  	_ =	shalt  }

</sc_bundles>
